<compile_context>
chip_gen: v7x
topology: tpu7x:2x2x1
jax: 0.10.2.dev20260603
libtpu: 0.0.44.dev20260713+nightly
codegen_flags: <defaults>
</compile_context>

<pallas_src>
import functools

import jax
import jax.numpy as jnp
from jax import lax
from jax.experimental import pallas as pl
from jax.experimental.pallas import tpu as pltpu
from jax.experimental.pallas import tpu_sc as plsc

EPS = 1e-5
G = 256
NC, NS, L = 2, 16, 16
NW = NC * NS


def _mesh():
    return plsc.VectorSubcoreMesh(core_axis_name="c", subcore_axis_name="s")


def _make_deg_kernel(N, NPAD, KTOT):
    RPT = NPAD // NS
    KD = KTOT // NC

    @functools.partial(
        pl.kernel,
        out_type=(
            jax.ShapeDtypeStruct((NC, NPAD), jnp.float32),
            jax.ShapeDtypeStruct((NC, NPAD), jnp.float32),
        ),
        mesh=_mesh(),
        scratch_types=[
            pltpu.VMEM((KD, C2), jnp.int32),
            pltpu.VMEM((KD, C2), jnp.float32),
            pltpu.VMEM((NPAD,), jnp.float32),
            pltpu.VMEM((NPAD,), jnp.float32),
            pltpu.VMEM((NS, RPT), jnp.float32),
            pltpu.VMEM_SHARED((NS, NPAD), jnp.float32),
        ],
        compiler_params=pltpu.CompilerParams(
            needs_layout_passes=False, use_tc_tiling_on_sc=False),
    )
    def deg_kernel(pk_h, att_h, degp_h, lwp_h,
                   pkb, attb, degv, lwv, redb, sh):
        cid = lax.axis_index("c")
        tid = lax.axis_index("s")

        koff = cid * KD
        pltpu.sync_copy(pk_h.at[tid, pl.ds(koff, KD)], pkb)
        pltpu.sync_copy(att_h.at[tid, pl.ds(koff, KD)], attb)

        def init_body(i, _):
            degv[pl.ds(i * L, L)] = jnp.zeros((L,), jnp.float32)
            lwv[pl.ds(i * L, L)] = jnp.full((L,), -1.0, jnp.float32)
            return 0
        lax.fori_loop(0, NPAD // L, init_body, 0)

        def chunk_body(k, _):
            for j in range(C2 // L):
                p = pkb[k, pl.ds(j * L, L)]
                r = lax.bitwise_and(p, 16383)
                c = lax.shift_right_logical(p, 14)
                a = attb[k, pl.ds(j * L, L)]
                w = jnp.where(r != c, a, 0.0)
                plsc.addupdate_scatter(degv, [r], w)
                plsc.store_scatter(lwv, [r], a, mask=(r == c))
            return 0
        lax.fori_loop(0, KD, chunk_body, 0)

        base = tid * RPT
        pltpu.sync_copy(degv, sh.at[tid])
        plsc.subcore_barrier()
        pltpu.sync_copy(sh.at[:, pl.ds(base, RPT)], redb)

        def red_sum(v, _):
            acc = jnp.zeros((L,), jnp.float32)
            for rr in range(NS):
                acc = acc + redb[rr, pl.ds(v * L, L)]
            degv[pl.ds(v * L, L)] = acc
            return 0
        lax.fori_loop(0, RPT // L, red_sum, 0)
        pltpu.sync_copy(degv.at[pl.ds(0, RPT)], degp_h.at[cid, pl.ds(base, RPT)])
        plsc.subcore_barrier()

        pltpu.sync_copy(lwv, sh.at[tid])
        plsc.subcore_barrier()
        pltpu.sync_copy(sh.at[:, pl.ds(base, RPT)], redb)

        def red_max(v, _):
            acc = jnp.full((L,), -1.0, jnp.float32)
            for rr in range(NS):
                acc = jnp.maximum(acc, redb[rr, pl.ds(v * L, L)])
            lwv[pl.ds(v * L, L)] = acc
            return 0
        lax.fori_loop(0, RPT // L, red_max, 0)
        pltpu.sync_copy(lwv.at[pl.ds(0, RPT)], lwp_h.at[cid, pl.ds(base, RPT)])

    return deg_kernel


C2 = 80


def _make_edge_kernel(N, NPAD, KA, KB, H):
    RPT = NPAD // NS
    KMAX = max(KA, KB)

    @functools.partial(
        pl.kernel,
        out_type=jax.ShapeDtypeStruct((NC, NPAD, H), jnp.float32),
        mesh=_mesh(),
        scratch_types=[
            pltpu.VMEM((KMAX, C2), jnp.int32),
            pltpu.VMEM((2, C2), jnp.float32),
            pltpu.VMEM((2, C2), jnp.int32),
            pltpu.VMEM((2, C2), jnp.int32),
            pltpu.VMEM((2, C2), jnp.float32),
            pltpu.VMEM((C2, H), jnp.float32),
            pltpu.VMEM((C2, H), jnp.float32),
            pltpu.VMEM_SHARED((NPAD, H), jnp.float32),
            pltpu.SemaphoreType.DMA,
            pltpu.SemaphoreType.DMA,
            pltpu.SemaphoreType.DMA,
            pltpu.SemaphoreType.DMA,
        ],
        compiler_params=pltpu.CompilerParams(
            needs_layout_passes=False, use_tc_tiling_on_sc=False),
    )
    def edge_kernel(pk_h, att_h, g_h, acc_h,
                    pki, attb, rowi, coli, wbuf, gb0, gb1, acc_sh,
                    gs0, gs1, as0, as1):
        cid = lax.axis_index("c")
        tid = lax.axis_index("s")
        base = tid * RPT
        kw = jnp.where(cid == 0, KA, KB)
        koff = jnp.where(cid == 0, 0, KA)

        pltpu.sync_copy(pk_h.at[tid, pl.ds(koff, KMAX)], pki)

        asems = (as0, as1)

        def att_fetch(k, bb):
            pltpu.async_copy(
                att_h.at[tid, pl.ds(koff + k, 1)],
                attb.at[pl.ds(bb, 1)], asems[bb])

        def att_wait(k, bb):
            pltpu.make_async_copy(
                att_h.at[tid, pl.ds(koff + k, 1)],
                attb.at[pl.ds(bb, 1)], asems[bb]).wait()

        def unpack(k, bb):
            for j in range(C2 // L):
                p = pki[k, pl.ds(j * L, L)]
                r = lax.bitwise_and(p, 16383)
                c = lax.shift_right_logical(p, 14)
                rowi[bb, pl.ds(j * L, L)] = r
                coli[bb, pl.ds(j * L, L)] = c

        def z_body(i, _):
            for j in range(H // L):
                gb0[i, pl.ds(j * L, L)] = jnp.zeros((L,), jnp.float32)
            return 0
        lax.fori_loop(0, C2, z_body, 0)

        def zc_body(mb, _):
            off = pl.multiple_of(base + mb * C2, C2)
            pltpu.sync_copy(gb0, acc_sh.at[pl.ds(off, C2)])
            return 0
        lax.fori_loop(0, RPT // C2, zc_body, 0)
        plsc.subcore_barrier()

        gbs = (gb0, gb1)
        gsems = (gs0, gs1)

        unpack(0, 0)
        pltpu.async_copy(g_h.at[rowi.at[0]], gb0, gs0)
        att_fetch(0, 0)
        unpack(1, 1)
        pltpu.async_copy(g_h.at[rowi.at[1]], gb1, gs1)
        att_fetch(1, 1)

        def do_chunk(k, bb):
            gbuf, gsem = gbs[bb], gsems[bb]
            pltpu.make_async_copy(g_h.at[rowi.at[bb]], gbuf, gsem).wait()
            att_wait(k, bb)

            for j in range(C2 // L):
                r = rowi[bb, pl.ds(j * L, L)]
                c = coli[bb, pl.ds(j * L, L)]
                a = attb[bb, pl.ds(j * L, L)]
                wbuf[bb, pl.ds(j * L, L)] = jnp.where(r != c, a, 0.0)

            def e_body(e, _):
                ws = plsc.load_gather(
                    wbuf, [jnp.full((L,), bb, jnp.int32),
                           jnp.full((L,), e, jnp.int32)])
                for j in range(H // L):
                    gbuf[e, pl.ds(j * L, L)] = gbuf[e, pl.ds(j * L, L)] * ws
                return 0
            lax.fori_loop(0, C2, e_body, 0)

            pltpu.sync_copy(gbuf, acc_sh.at[coli.at[bb]], add=True)

            @pl.when(k + 2 < kw)
            def _():
                unpack(k + 2, bb)
                pltpu.async_copy(g_h.at[rowi.at[bb]], gbuf, gsem)
                att_fetch(k + 2, bb)

        def loop2(k2, _):
            for bb in range(2):
                do_chunk(k2 * 2 + bb, bb)
            return 0
        lax.fori_loop(0, kw // 2, loop2, 0)

        plsc.subcore_barrier()

        def rb_body(nb, _):
            off = pl.multiple_of(base + nb * 128, 128)
            pltpu.sync_copy(acc_sh.at[pl.ds(off, 128)],
                            acc_h.at[cid, pl.ds(off, 128)])
            return 0
        lax.fori_loop(0, RPT // 128, rb_body, 0)

    return edge_kernel


def _stats_body(x_ref, na_ref, o_ref):
    i = pl.program_id(0)
    xa = na_ref[...] * x_ref[...]

    @pl.when(i == 0)
    def _():
        o_ref[...] = jnp.zeros_like(o_ref)
    o_ref[0:1, :] += jnp.sum(xa, axis=0, keepdims=True)
    o_ref[1:2, :] += jnp.sum(xa * xa, axis=0, keepdims=True)


def _deg_terms(d0, d1, l0, l1):
    lwp = jnp.maximum(l0, l1)
    lw = jnp.where(lwp >= 0.0, lwp, 1.0)
    deg = d0 + d1 + lw
    dinv = jnp.where(deg > 0.0, lax.rsqrt(jnp.maximum(deg, EPS * EPS)), 0.0)
    return lw, dinv


def _make_transform_body(N):
    def body(x_ref, na_ref, st_ref, w_ref, bnw_ref, bnb_ref,
             d0_ref, d1_ref, l0_ref, l1_ref, g_ref):
        m = st_ref[0:1, :] * (1.0 / N)
        msq = st_ref[1:2, :] * (1.0 / N)
        var = msq - m * m
        s = bnw_ref[...] * lax.rsqrt(var + EPS)
        t = bnb_ref[...] - m * s
        xb = (na_ref[...] * x_ref[...]) * s + t
        h = jnp.dot(xb, w_ref[...], preferred_element_type=jnp.float32)
        _, dinv = _deg_terms(d0_ref[...], d1_ref[...], l0_ref[...], l1_ref[...])
        g_ref[...] = dinv * h
    return body


def _pool_body(acc_ref, g_ref,
               d0_ref, d1_ref, l0_ref, l1_ref, b_ref, bat_ref, o_ref):
    i = pl.program_id(0)
    lw, dinv = _deg_terms(d0_ref[...], d1_ref[...], l0_ref[...], l1_ref[...])
    acc = acc_ref[0] + acc_ref[1]
    out = dinv * (acc + lw * g_ref[...]) + b_ref[...]
    out = jnp.maximum(out, 0.0)
    oh = (bat_ref[...] == lax.broadcasted_iota(jnp.int32, (1, G), 1))
    p = lax.dot_general(oh.astype(jnp.float32), out,
                        (((0,), (0,)), ((), ())),
                        preferred_element_type=jnp.float32)

    @pl.when(i == 0)
    def _():
        o_ref[...] = jnp.zeros_like(o_ref)
    o_ref[...] += p


def kernel(x, edge_index, batch, edge_att, node_att, W, b, bn_weight, bn_bias):
    N, H = x.shape
    E = edge_att.shape[0]
    NPAD = -(-N // (NS * 128)) * (NS * 128)

    row = edge_index[0]
    col = edge_index[1]

    KTOT = -(-E // (NS * C2))
    KTOT += KTOT % 2
    KA = (496 * KTOT) // 1000
    KA += KA % 2
    KB = KTOT - KA
    EP2 = NS * KTOT * C2
    pk_p = jnp.concatenate(
        [row | (col << 14), jnp.zeros((EP2 - E,), jnp.int32)]
    ).reshape(NS, KTOT, C2)
    att_p = jnp.concatenate(
        [edge_att, jnp.full((EP2 - E,), -1.0, jnp.float32)]
    ).reshape(NS, KTOT, C2)

    degp, lwp = _make_deg_kernel(N, NPAD, KTOT)(pk_p, att_p)

    bN = N // 5
    stats = pl.pallas_call(
        _stats_body,
        grid=(5,),
        in_specs=[pl.BlockSpec((bN, H), lambda i: (i, 0)),
                  pl.BlockSpec((bN, 1), lambda i: (i, 0))],
        out_specs=pl.BlockSpec((8, H), lambda i: (0, 0)),
        out_shape=jax.ShapeDtypeStruct((8, H), jnp.float32),
    )(x, node_att)

    d0 = degp[0, :N].reshape(N, 1)
    d1 = degp[1, :N].reshape(N, 1)
    l0 = lwp[0, :N].reshape(N, 1)
    l1 = lwp[1, :N].reshape(N, 1)

    nspec = pl.BlockSpec((bN, 1), lambda i: (i, 0))
    full2 = lambda shape: pl.BlockSpec(shape, lambda i: (0, 0))
    g = pl.pallas_call(
        _make_transform_body(N),
        grid=(5,),
        in_specs=[pl.BlockSpec((bN, H), lambda i: (i, 0)),
                  nspec,
                  full2((8, H)),
                  full2((H, H)),
                  full2((1, H)),
                  full2((1, H)),
                  nspec, nspec, nspec, nspec],
        out_specs=pl.BlockSpec((bN, H), lambda i: (i, 0)),
        out_shape=jax.ShapeDtypeStruct((N, H), jnp.float32),
    )(x, node_att, stats, W, bn_weight.reshape(1, H), bn_bias.reshape(1, H),
      d0, d1, l0, l1)

    acc = _make_edge_kernel(N, NPAD, KA, KB, H)(pk_p, att_p, g)

    aspec = pl.BlockSpec((NC, bN, H), lambda i: (0, i, 0))
    pooled = pl.pallas_call(
        _pool_body,
        grid=(5,),
        in_specs=[aspec,
                  pl.BlockSpec((bN, H), lambda i: (i, 0)),
                  nspec, nspec, nspec, nspec,
                  full2((1, H)),
                  pl.BlockSpec((bN, 1), lambda i: (i, 0))],
        out_specs=pl.BlockSpec((G, H), lambda i: (0, 0)),
        out_shape=jax.ShapeDtypeStruct((G, H), jnp.float32),
    )(acc, g, d0, d1, l0, l1,
      b.reshape(1, H), batch.reshape(N, 1))
    return pooled

# --- scband reference (transcript-rebuilt; emitter-appended) ---
"""Pipeline reference for scband-split-sub-encoder-65704409694829 (READ-ONLY COPY).

The authoritative reference and input builder live on the scoring server;
editing this copy changes nothing except your own understanding.
"""

import jax, jax.numpy as jnp
import numpy as np

N = 10000
E = 320000
H = 128
G = 256
EPS = 1e-5


def setup_inputs(seed: int = 0) -> dict:
    key = jax.random.key(seed)
    ks = jax.random.split(key, 10)
    x = jax.random.normal(ks[0], (N, H), dtype=jnp.float32)
    edge_index = jax.random.randint(ks[1], (2, E), 0, N, dtype=jnp.int32)
    batch = jnp.sort(jax.random.randint(ks[2], (N,), 0, G, dtype=jnp.int32))
    edge_att = jax.random.uniform(ks[3], (E,), dtype=jnp.float32)
    node_att = jax.random.uniform(ks[4], (N, 1), dtype=jnp.float32)
    # GCNConv parameters (glorot uniform weight, zero bias)
    limit = float(np.sqrt(6.0 / (H + H)))
    W = jax.random.uniform(ks[5], (H, H), dtype=jnp.float32, minval=-limit, maxval=limit)
    b = jnp.zeros((H,), dtype=jnp.float32)
    # BatchNorm1d params, init per module: weight=1, bias=1e-4
    bn_weight = jnp.ones((H,), dtype=jnp.float32)
    bn_bias = jnp.full((H,), 1e-4, dtype=jnp.float32)
    return {"x": x, "edge_index": edge_index, "batch": batch, "edge_att": edge_att,
            "node_att": node_att, "W": W, "b": b, "bn_weight": bn_weight, "bn_bias": bn_bias}


def reference(x, edge_index, batch, edge_att, node_att, W, b, bn_weight, bn_bias):
    # x = node_att * x
    xa = node_att * x
    # BatchNorm1d (training-mode batch statistics, biased variance)
    mean = jnp.mean(xa, axis=0)
    var = jnp.mean((xa - mean) ** 2, axis=0)
    xb = (xa - mean) / jnp.sqrt(var + EPS) * bn_weight + bn_bias
    # GCNConv: h = x @ W, then normalized add aggregation with edge weights
    h = xb @ W
    row, col = edge_index[0], edge_index[1]
    mask = row != col
    # add_remaining_self_loops with fill_value=1 (existing self-loop weights kept)
    ar = jnp.arange(N, dtype=row.dtype)
    row2 = jnp.concatenate([row, ar])
    col2 = jnp.concatenate([col, ar])
    loop_idx = jnp.where(mask, jnp.asarray(N, row.dtype), row)
    loop_w = jnp.ones((N,), jnp.float32).at[loop_idx].set(edge_att, mode='drop')
    w2 = jnp.concatenate([jnp.where(mask, edge_att, 0.0), loop_w])
    # symmetric normalization: D^-1/2 A D^-1/2
    deg = jnp.zeros((N,), jnp.float32).at[row2].add(w2)
    dinv = jnp.where(deg > 0, 1.0 / jnp.sqrt(deg), 0.0)
    norm = dinv[row2] * w2 * dinv[col2]
    msg = norm[:, None] * h[row2]
    agg = jnp.zeros((N, H), jnp.float32).at[col2].add(msg)
    out = jax.nn.relu(agg + b)
    # global_add_pool
    pooled = jax.ops.segment_sum(out, batch, num_segments=G)
    return pooled

if __name__ == "__main__":
    import jax
    _d = setup_inputs()
    print(jax.jit(kernel)(*tuple(_d.values())))

</pallas_src>

<mosaic_0001>
#map = affine_map<(d0, d1) -> (0, 0, 0)>
#map1 = affine_map<(d0, d1) -> (0, 0)>
module attributes {stable_mosaic.version = 14 : i64} {
  func.func @deg_kernel(%arg0: i32, %arg1: i32, %arg2: memref<16x250x80xi32, #tpu.memory_space<hbm>>, %arg3: memref<16x250x80xf32, #tpu.memory_space<hbm>>, %arg4: memref<2x10240xf32, #tpu.memory_space<hbm>>, %arg5: memref<2x10240xf32, #tpu.memory_space<hbm>>, %arg6: memref<125x80xi32, #tpu.memory_space<vmem>>, %arg7: memref<125x80xf32, #tpu.memory_space<vmem>>, %arg8: memref<10240xf32, #tpu.memory_space<vmem>>, %arg9: memref<10240xf32, #tpu.memory_space<vmem>>, %arg10: memref<16x640xf32, #tpu.memory_space<vmem>>, %arg11: memref<16x10240xf32, #tpu.memory_space<vmem_shared>>) attributes {dimension_semantics = [#tpu.dimension_semantics<core_parallel>, #tpu.dimension_semantics<subcore_parallel>], iteration_bounds = array<i64: 2, 16>, scalar_prefetch = 0 : i64, scratch_operands = 6 : i64, tpu.core_type = #tpu.core_type<sc_vector_subcore>, window_params = [{transform_indices = #map}, {transform_indices = #map}, {transform_indices = #map1}, {transform_indices = #map1}]} {
    %mul3A = arith.constant 125 : i32
    %mul3A_0 = arith.muli %arg0, %mul3A : i32
    "tpu.region"() ({
      %run_scoped3A = tpu.sem_alloc : memref<!tpu.dma_semaphore, #tpu.memory_space<semaphore_mem>>
      %dma_start3A = arith.constant 0 : i32
      %dma_start3A_32 = tpu.memref_slice %arg2[%arg1, %mul3A_0, %dma_start3A] : memref<16x250x80xi32, #tpu.memory_space<hbm>> -> memref<1x125x80xi32, #tpu.memory_space<hbm>>
      %dma_start3A_33 = tpu.memref_squeeze %dma_start3A_32 : memref<1x125x80xi32, #tpu.memory_space<hbm>> -> memref<125x80xi32, #tpu.memory_space<hbm>>
      %dma_start3A_34 = arith.constant 0 : i32
      %dma_start3A_35 = tpu.memref_slice %arg2[%arg1, %mul3A_0, %dma_start3A_34] : memref<16x250x80xi32, #tpu.memory_space<hbm>> -> memref<1x125x80xi32, #tpu.memory_space<hbm>>
      %dma_start3A_36 = tpu.memref_squeeze %dma_start3A_35 : memref<1x125x80xi32, #tpu.memory_space<hbm>> -> memref<125x80xi32, #tpu.memory_space<hbm>>
      tpu.enqueue_dma source(%dma_start3A_36 : memref<125x80xi32, #tpu.memory_space<hbm>>) target(%arg6 : memref<125x80xi32, #tpu.memory_space<vmem>>) target_semaphore(%run_scoped3A : memref<!tpu.dma_semaphore, #tpu.memory_space<semaphore_mem>>)
      %dma_wait3A = arith.constant 0 : i32
      %dma_wait3A_37 = tpu.memref_slice %arg2[%arg1, %mul3A_0, %dma_wait3A] : memref<16x250x80xi32, #tpu.memory_space<hbm>> -> memref<1x125x80xi32, #tpu.memory_space<hbm>>
      %dma_wait3A_38 = tpu.memref_squeeze %dma_wait3A_37 : memref<1x125x80xi32, #tpu.memory_space<hbm>> -> memref<125x80xi32, #tpu.memory_space<hbm>>
      %dma_wait3A_39 = arith.constant 0 : i32
      %dma_wait3A_40 = tpu.memref_slice %arg2[%arg1, %mul3A_0, %dma_wait3A_39] : memref<16x250x80xi32, #tpu.memory_space<hbm>> -> memref<1x125x80xi32, #tpu.memory_space<hbm>>
      %dma_wait3A_41 = tpu.memref_squeeze %dma_wait3A_40 : memref<1x125x80xi32, #tpu.memory_space<hbm>> -> memref<125x80xi32, #tpu.memory_space<hbm>>
      tpu.wait_dma2 semaphore(%run_scoped3A : memref<!tpu.dma_semaphore, #tpu.memory_space<semaphore_mem>>) src(%dma_wait3A_41 : memref<125x80xi32, #tpu.memory_space<hbm>>) dst(%arg6 : memref<125x80xi32, #tpu.memory_space<vmem>>)
      tpu.yield
    }) : () -> ()
    "tpu.region"() ({
      %run_scoped3A = tpu.sem_alloc : memref<!tpu.dma_semaphore, #tpu.memory_space<semaphore_mem>>
      %dma_start3A = arith.constant 0 : i32
      %dma_start3A_32 = tpu.memref_slice %arg3[%arg1, %mul3A_0, %dma_start3A] : memref<16x250x80xf32, #tpu.memory_space<hbm>> -> memref<1x125x80xf32, #tpu.memory_space<hbm>>
      %dma_start3A_33 = tpu.memref_squeeze %dma_start3A_32 : memref<1x125x80xf32, #tpu.memory_space<hbm>> -> memref<125x80xf32, #tpu.memory_space<hbm>>
      %dma_start3A_34 = arith.constant 0 : i32
      %dma_start3A_35 = tpu.memref_slice %arg3[%arg1, %mul3A_0, %dma_start3A_34] : memref<16x250x80xf32, #tpu.memory_space<hbm>> -> memref<1x125x80xf32, #tpu.memory_space<hbm>>
      %dma_start3A_36 = tpu.memref_squeeze %dma_start3A_35 : memref<1x125x80xf32, #tpu.memory_space<hbm>> -> memref<125x80xf32, #tpu.memory_space<hbm>>
      tpu.enqueue_dma source(%dma_start3A_36 : memref<125x80xf32, #tpu.memory_space<hbm>>) target(%arg7 : memref<125x80xf32, #tpu.memory_space<vmem>>) target_semaphore(%run_scoped3A : memref<!tpu.dma_semaphore, #tpu.memory_space<semaphore_mem>>)
      %dma_wait3A = arith.constant 0 : i32
      %dma_wait3A_37 = tpu.memref_slice %arg3[%arg1, %mul3A_0, %dma_wait3A] : memref<16x250x80xf32, #tpu.memory_space<hbm>> -> memref<1x125x80xf32, #tpu.memory_space<hbm>>
      %dma_wait3A_38 = tpu.memref_squeeze %dma_wait3A_37 : memref<1x125x80xf32, #tpu.memory_space<hbm>> -> memref<125x80xf32, #tpu.memory_space<hbm>>
      %dma_wait3A_39 = arith.constant 0 : i32
      %dma_wait3A_40 = tpu.memref_slice %arg3[%arg1, %mul3A_0, %dma_wait3A_39] : memref<16x250x80xf32, #tpu.memory_space<hbm>> -> memref<1x125x80xf32, #tpu.memory_space<hbm>>
      %dma_wait3A_41 = tpu.memref_squeeze %dma_wait3A_40 : memref<1x125x80xf32, #tpu.memory_space<hbm>> -> memref<125x80xf32, #tpu.memory_space<hbm>>
      tpu.wait_dma2 semaphore(%run_scoped3A : memref<!tpu.dma_semaphore, #tpu.memory_space<semaphore_mem>>) src(%dma_wait3A_41 : memref<125x80xf32, #tpu.memory_space<hbm>>) dst(%arg7 : memref<125x80xf32, #tpu.memory_space<vmem>>)
      tpu.yield
    }) : () -> ()
    %scan3A = arith.constant 0 : i32
    %scan3A_1 = arith.constant 0 : i32
    %scan3A_2 = arith.constant 640 : i32
    %scan3A_3 = arith.addi %scan3A_1, %scan3A_2 : i32
    %scan3A_4 = arith.constant 1 : i32
    %scan3A_5 = scf.for %scan3A_32 = %scan3A_1 to %scan3A_3 step %scan3A_4 iter_args(%scan3A_33 = %scan3A) -> (i32)  : i32 {
      %broadcast_in_dim3A = arith.constant 0.000000e+00 : f32
      %broadcast_in_dim3A_34 = vector.broadcast %broadcast_in_dim3A : f32 to vector<16xf32>
      %mul3A_35 = arith.constant 16 : i32
      %mul3A_36 = arith.muli %scan3A_32, %mul3A_35 : i32
      %swap3A = arith.index_cast %mul3A_36 : i32 to index
      %swap3A_37 = tpu.vector_load %arg8[%swap3A] {strides = array<i32>} : memref<10240xf32, #tpu.memory_space<vmem>>, vector<16xf32>,
      tpu.vector_store %arg8[%swap3A], %broadcast_in_dim3A_34 {strides = array<i32>} : memref<10240xf32, #tpu.memory_space<vmem>>, vector<16xf32>,
      %broadcast_in_dim3A_38 = arith.constant -1.000000e+00 : f32
      %broadcast_in_dim3A_39 = vector.broadcast %broadcast_in_dim3A_38 : f32 to vector<16xf32>
      %mul3A_40 = arith.constant 16 : i32
      %mul3A_41 = arith.muli %scan3A_32, %mul3A_40 : i32
      %swap3A_42 = arith.index_cast %mul3A_41 : i32 to index
      %swap3A_43 = tpu.vector_load %arg9[%swap3A_42] {strides = array<i32>} : memref<10240xf32, #tpu.memory_space<vmem>>, vector<16xf32>,
      tpu.vector_store %arg9[%swap3A_42], %broadcast_in_dim3A_39 {strides = array<i32>} : memref<10240xf32, #tpu.memory_space<vmem>>, vector<16xf32>,
      %scan3A_44 = arith.constant 0 : i32
      scf.yield %scan3A_44 : i32
    }
    %scan3A_6 = arith.constant 640 : i32
    %scan3A_7 = arith.constant 0 : i32
    %scan3A_8 = arith.constant 0 : i32
    %scan3A_9 = arith.constant 125 : i32
    %scan3A_10 = arith.addi %scan3A_8, %scan3A_9 : i32
    %scan3A_11 = arith.constant 1 : i32
    %scan3A_12 = scf.for %scan3A_32 = %scan3A_8 to %scan3A_10 step %scan3A_11 iter_args(%scan3A_33 = %scan3A_7) -> (i32)  : i32 {
      %get3A = arith.index_cast %scan3A_32 : i32 to index
      %get3A_34 = arith.constant 0 : index
      %get3A_35 = tpu.vector_load %arg6[%get3A, %get3A_34] {strides = array<i32>} : memref<125x80xi32, #tpu.memory_space<vmem>>, vector<16xi32>,
      %and3A = arith.constant 16383 : i32
      %and3A_36 = vector.broadcast %and3A : i32 to vector<16xi32>
      %and3A_37 = arith.andi %get3A_35, %and3A_36 : vector<16xi32>
      %shift_right_logical3A = arith.constant 14 : i32
      %shift_right_logical3A_38 = vector.broadcast %shift_right_logical3A : i32 to vector<16xi32>
      %shift_right_logical3A_39 = arith.shrui %get3A_35, %shift_right_logical3A_38 : vector<16xi32>
      %get3A_40 = arith.index_cast %scan3A_32 : i32 to index
      %get3A_41 = arith.constant 0 : index
      %get3A_42 = tpu.vector_load %arg7[%get3A_40, %get3A_41] {strides = array<i32>} : memref<125x80xf32, #tpu.memory_space<vmem>>, vector<16xf32>,
      %ne3A = arith.cmpi ne, %and3A_37, %shift_right_logical3A_39 : vector<16xi32>
      %jit3A = arith.constant 0.000000e+00 : f32
      %broadcast_in_dim3A = vector.broadcast %jit3A : f32 to vector<16xf32>
      %select_n3A = arith.select %ne3A, %get3A_42, %broadcast_in_dim3A : vector<16xi1>, vector<16xf32>
      tpu.vector_store_idx %arg8[%and3A_37], %select_n3A {add = true} : memref<10240xf32, #tpu.memory_space<vmem>>[vector<16xi32>], vector<16xf32>,
      %eq3A = arith.cmpi eq, %and3A_37, %shift_right_logical3A_39 : vector<16xi32>
      tpu.vector_store_idx %arg9[%and3A_37], %get3A_42 masked %eq3A : memref<10240xf32, #tpu.memory_space<vmem>>[vector<16xi32>], vector<16xf32>, vector<16xi1>
      %get3A_43 = arith.index_cast %scan3A_32 : i32 to index
      %get3A_44 = arith.constant 16 : index
      %get3A_45 = tpu.vector_load %arg6[%get3A_43, %get3A_44] {strides = array<i32>} : memref<125x80xi32, #tpu.memory_space<vmem>>, vector<16xi32>,
      %and3A_46 = arith.constant 16383 : i32
      %and3A_47 = vector.broadcast %and3A_46 : i32 to vector<16xi32>
      %and3A_48 = arith.andi %get3A_45, %and3A_47 : vector<16xi32>
      %shift_right_logical3A_49 = arith.constant 14 : i32
      %shift_right_logical3A_50 = vector.broadcast %shift_right_logical3A_49 : i32 to vector<16xi32>
      %shift_right_logical3A_51 = arith.shrui %get3A_45, %shift_right_logical3A_50 : vector<16xi32>
      %get3A_52 = arith.index_cast %scan3A_32 : i32 to index
      %get3A_53 = arith.constant 16 : index
      %get3A_54 = tpu.vector_load %arg7[%get3A_52, %get3A_53] {strides = array<i32>} : memref<125x80xf32, #tpu.memory_space<vmem>>, vector<16xf32>,
      %ne3A_55 = arith.cmpi ne, %and3A_48, %shift_right_logical3A_51 : vector<16xi32>
      %jit3A_56 = arith.constant 0.000000e+00 : f32
      %broadcast_in_dim3A_57 = vector.broadcast %jit3A_56 : f32 to vector<16xf32>
      %select_n3A_58 = arith.select %ne3A_55, %get3A_54, %broadcast_in_dim3A_57 : vector<16xi1>, vector<16xf32>
      tpu.vector_store_idx %arg8[%and3A_48], %select_n3A_58 {add = true} : memref<10240xf32, #tpu.memory_space<vmem>>[vector<16xi32>], vector<16xf32>,
      %eq3A_59 = arith.cmpi eq, %and3A_48, %shift_right_logical3A_51 : vector<16xi32>
      tpu.vector_store_idx %arg9[%and3A_48], %get3A_54 masked %eq3A_59 : memref<10240xf32, #tpu.memory_space<vmem>>[vector<16xi32>], vector<16xf32>, vector<16xi1>
      %get3A_60 = arith.index_cast %scan3A_32 : i32 to index
      %get3A_61 = arith.constant 32 : index
      %get3A_62 = tpu.vector_load %arg6[%get3A_60, %get3A_61] {strides = array<i32>} : memref<125x80xi32, #tpu.memory_space<vmem>>, vector<16xi32>,
      %and3A_63 = arith.constant 16383 : i32
      %and3A_64 = vector.broadcast %and3A_63 : i32 to vector<16xi32>
      %and3A_65 = arith.andi %get3A_62, %and3A_64 : vector<16xi32>
      %shift_right_logical3A_66 = arith.constant 14 : i32
      %shift_right_logical3A_67 = vector.broadcast %shift_right_logical3A_66 : i32 to vector<16xi32>
      %shift_right_logical3A_68 = arith.shrui %get3A_62, %shift_right_logical3A_67 : vector<16xi32>
      %get3A_69 = arith.index_cast %scan3A_32 : i32 to index
      %get3A_70 = arith.constant 32 : index
      %get3A_71 = tpu.vector_load %arg7[%get3A_69, %get3A_70] {strides = array<i32>} : memref<125x80xf32, #tpu.memory_space<vmem>>, vector<16xf32>,
      %ne3A_72 = arith.cmpi ne, %and3A_65, %shift_right_logical3A_68 : vector<16xi32>
      %jit3A_73 = arith.constant 0.000000e+00 : f32
      %broadcast_in_dim3A_74 = vector.broadcast %jit3A_73 : f32 to vector<16xf32>
      %select_n3A_75 = arith.select %ne3A_72, %get3A_71, %broadcast_in_dim3A_74 : vector<16xi1>, vector<16xf32>
      tpu.vector_store_idx %arg8[%and3A_65], %select_n3A_75 {add = true} : memref<10240xf32, #tpu.memory_space<vmem>>[vector<16xi32>], vector<16xf32>,
      %eq3A_76 = arith.cmpi eq, %and3A_65, %shift_right_logical3A_68 : vector<16xi32>
      tpu.vector_store_idx %arg9[%and3A_65], %get3A_71 masked %eq3A_76 : memref<10240xf32, #tpu.memory_space<vmem>>[vector<16xi32>], vector<16xf32>, vector<16xi1>
      %get3A_77 = arith.index_cast %scan3A_32 : i32 to index
      %get3A_78 = arith.constant 48 : index
      %get3A_79 = tpu.vector_load %arg6[%get3A_77, %get3A_78] {strides = array<i32>} : memref<125x80xi32, #tpu.memory_space<vmem>>, vector<16xi32>,
      %and3A_80 = arith.constant 16383 : i32
      %and3A_81 = vector.broadcast %and3A_80 : i32 to vector<16xi32>
      %and3A_82 = arith.andi %get3A_79, %and3A_81 : vector<16xi32>
      %shift_right_logical3A_83 = arith.constant 14 : i32
      %shift_right_logical3A_84 = vector.broadcast %shift_right_logical3A_83 : i32 to vector<16xi32>
      %shift_right_logical3A_85 = arith.shrui %get3A_79, %shift_right_logical3A_84 : vector<16xi32>
      %get3A_86 = arith.index_cast %scan3A_32 : i32 to index
      %get3A_87 = arith.constant 48 : index
      %get3A_88 = tpu.vector_load %arg7[%get3A_86, %get3A_87] {strides = array<i32>} : memref<125x80xf32, #tpu.memory_space<vmem>>, vector<16xf32>,
      %ne3A_89 = arith.cmpi ne, %and3A_82, %shift_right_logical3A_85 : vector<16xi32>
      %jit3A_90 = arith.constant 0.000000e+00 : f32
      %broadcast_in_dim3A_91 = vector.broadcast %jit3A_90 : f32 to vector<16xf32>
      %select_n3A_92 = arith.select %ne3A_89, %get3A_88, %broadcast_in_dim3A_91 : vector<16xi1>, vector<16xf32>
      tpu.vector_store_idx %arg8[%and3A_82], %select_n3A_92 {add = true} : memref<10240xf32, #tpu.memory_space<vmem>>[vector<16xi32>], vector<16xf32>,
      %eq3A_93 = arith.cmpi eq, %and3A_82, %shift_right_logical3A_85 : vector<16xi32>
      tpu.vector_store_idx %arg9[%and3A_82], %get3A_88 masked %eq3A_93 : memref<10240xf32, #tpu.memory_space<vmem>>[vector<16xi32>], vector<16xf32>, vector<16xi1>
      %get3A_94 = arith.index_cast %scan3A_32 : i32 to index
      %get3A_95 = arith.constant 64 : index
      %get3A_96 = tpu.vector_load %arg6[%get3A_94, %get3A_95] {strides = array<i32>} : memref<125x80xi32, #tpu.memory_space<vmem>>, vector<16xi32>,
      %and3A_97 = arith.constant 16383 : i32
      %and3A_98 = vector.broadcast %and3A_97 : i32 to vector<16xi32>
      %and3A_99 = arith.andi %get3A_96, %and3A_98 : vector<16xi32>
      %shift_right_logical3A_100 = arith.constant 14 : i32
      %shift_right_logical3A_101 = vector.broadcast %shift_right_logical3A_100 : i32 to vector<16xi32>
      %shift_right_logical3A_102 = arith.shrui %get3A_96, %shift_right_logical3A_101 : vector<16xi32>
      %get3A_103 = arith.index_cast %scan3A_32 : i32 to index
      %get3A_104 = arith.constant 64 : index
      %get3A_105 = tpu.vector_load %arg7[%get3A_103, %get3A_104] {strides = array<i32>} : memref<125x80xf32, #tpu.memory_space<vmem>>, vector<16xf32>,
      %ne3A_106 = arith.cmpi ne, %and3A_99, %shift_right_logical3A_102 : vector<16xi32>
      %jit3A_107 = arith.constant 0.000000e+00 : f32
      %broadcast_in_dim3A_108 = vector.broadcast %jit3A_107 : f32 to vector<16xf32>
      %select_n3A_109 = arith.select %ne3A_106, %get3A_105, %broadcast_in_dim3A_108 : vector<16xi1>, vector<16xf32>
      tpu.vector_store_idx %arg8[%and3A_99], %select_n3A_109 {add = true} : memref<10240xf32, #tpu.memory_space<vmem>>[vector<16xi32>], vector<16xf32>,
      %eq3A_110 = arith.cmpi eq, %and3A_99, %shift_right_logical3A_102 : vector<16xi32>
      tpu.vector_store_idx %arg9[%and3A_99], %get3A_105 masked %eq3A_110 : memref<10240xf32, #tpu.memory_space<vmem>>[vector<16xi32>], vector<16xf32>, vector<16xi1>
      %scan3A_111 = arith.constant 0 : i32
      scf.yield %scan3A_111 : i32
    }
    %scan3A_13 = arith.constant 125 : i32
    %mul3A_14 = arith.constant 640 : i32
    %mul3A_15 = arith.muli %arg1, %mul3A_14 : i32
    "tpu.region"() ({
      %run_scoped3A = tpu.sem_alloc : memref<!tpu.dma_semaphore, #tpu.memory_space<semaphore_mem>>
      %dma_start3A = arith.constant 0 : i32
      %dma_start3A_32 = tpu.memref_slice %arg11[%arg1, %dma_start3A] : memref<16x10240xf32, #tpu.memory_space<vmem_shared>> -> memref<1x10240xf32, #tpu.memory_space<vmem_shared>>
      %dma_start3A_33 = tpu.memref_squeeze %dma_start3A_32 : memref<1x10240xf32, #tpu.memory_space<vmem_shared>> -> memref<10240xf32, #tpu.memory_space<vmem_shared>>
      %dma_start3A_34 = arith.constant 0 : i32
      %dma_start3A_35 = tpu.memref_slice %arg11[%arg1, %dma_start3A_34] : memref<16x10240xf32, #tpu.memory_space<vmem_shared>> -> memref<1x10240xf32, #tpu.memory_space<vmem_shared>>
      %dma_start3A_36 = tpu.memref_squeeze %dma_start3A_35 : memref<1x10240xf32, #tpu.memory_space<vmem_shared>> -> memref<10240xf32, #tpu.memory_space<vmem_shared>>
      tpu.enqueue_dma source(%arg8 : memref<10240xf32, #tpu.memory_space<vmem>>) target(%dma_start3A_36 : memref<10240xf32, #tpu.memory_space<vmem_shared>>) target_semaphore(%run_scoped3A : memref<!tpu.dma_semaphore, #tpu.memory_space<semaphore_mem>>)
      %dma_wait3A = arith.constant 0 : i32
      %dma_wait3A_37 = tpu.memref_slice %arg11[%arg1, %dma_wait3A] : memref<16x10240xf32, #tpu.memory_space<vmem_shared>> -> memref<1x10240xf32, #tpu.memory_space<vmem_shared>>
      %dma_wait3A_38 = tpu.memref_squeeze %dma_wait3A_37 : memref<1x10240xf32, #tpu.memory_space<vmem_shared>> -> memref<10240xf32, #tpu.memory_space<vmem_shared>>
      %dma_wait3A_39 = arith.constant 0 : i32
      %dma_wait3A_40 = tpu.memref_slice %arg11[%arg1, %dma_wait3A_39] : memref<16x10240xf32, #tpu.memory_space<vmem_shared>> -> memref<1x10240xf32, #tpu.memory_space<vmem_shared>>
      %dma_wait3A_41 = tpu.memref_squeeze %dma_wait3A_40 : memref<1x10240xf32, #tpu.memory_space<vmem_shared>> -> memref<10240xf32, #tpu.memory_space<vmem_shared>>
      tpu.wait_dma2 semaphore(%run_scoped3A : memref<!tpu.dma_semaphore, #tpu.memory_space<semaphore_mem>>) src(%arg8 : memref<10240xf32, #tpu.memory_space<vmem>>) dst(%dma_wait3A_41 : memref<10240xf32, #tpu.memory_space<vmem_shared>>)
      tpu.yield
    }) : () -> ()
    %barrier3A = arith.constant 0 : index
    tpu.barrier barrier_id(%barrier3A)
    "tpu.region"() ({
      %run_scoped3A = tpu.sem_alloc : memref<!tpu.dma_semaphore, #tpu.memory_space<semaphore_mem>>
      %dma_start3A = arith.constant 0 : i32
      %dma_start3A_32 = tpu.memref_slice %arg11[%dma_start3A, %mul3A_15] : memref<16x10240xf32, #tpu.memory_space<vmem_shared>> -> memref<16x640xf32, #tpu.memory_space<vmem_shared>>
      %dma_start3A_33 = arith.constant 0 : i32
      %dma_start3A_34 = tpu.memref_slice %arg11[%dma_start3A_33, %mul3A_15] : memref<16x10240xf32, #tpu.memory_space<vmem_shared>> -> memref<16x640xf32, #tpu.memory_space<vmem_shared>>
      tpu.enqueue_dma source(%dma_start3A_34 : memref<16x640xf32, #tpu.memory_space<vmem_shared>>) target(%arg10 : memref<16x640xf32, #tpu.memory_space<vmem>>) target_semaphore(%run_scoped3A : memref<!tpu.dma_semaphore, #tpu.memory_space<semaphore_mem>>)
      %dma_wait3A = arith.constant 0 : i32
      %dma_wait3A_35 = tpu.memref_slice %arg11[%dma_wait3A, %mul3A_15] : memref<16x10240xf32, #tpu.memory_space<vmem_shared>> -> memref<16x640xf32, #tpu.memory_space<vmem_shared>>
      %dma_wait3A_36 = arith.constant 0 : i32
      %dma_wait3A_37 = tpu.memref_slice %arg11[%dma_wait3A_36, %mul3A_15] : memref<16x10240xf32, #tpu.memory_space<vmem_shared>> -> memref<16x640xf32, #tpu.memory_space<vmem_shared>>
      tpu.wait_dma2 semaphore(%run_scoped3A : memref<!tpu.dma_semaphore, #tpu.memory_space<semaphore_mem>>) src(%dma_wait3A_37 : memref<16x640xf32, #tpu.memory_space<vmem_shared>>) dst(%arg10 : memref<16x640xf32, #tpu.memory_space<vmem>>)
      tpu.yield
    }) : () -> ()
    %scan3A_16 = arith.constant 0 : i32
    %scan3A_17 = arith.constant 0 : i32
    %scan3A_18 = arith.constant 40 : i32
    %scan3A_19 = arith.addi %scan3A_17, %scan3A_18 : i32
    %scan3A_20 = arith.constant 1 : i32
    %scan3A_21 = scf.for %scan3A_32 = %scan3A_17 to %scan3A_19 step %scan3A_20 iter_args(%scan3A_33 = %scan3A_16) -> (i32)  : i32 {
      %broadcast_in_dim3A = arith.constant 0.000000e+00 : f32
      %broadcast_in_dim3A_34 = vector.broadcast %broadcast_in_dim3A : f32 to vector<16xf32>
      %mul3A_35 = arith.constant 16 : i32
      %mul3A_36 = arith.muli %scan3A_32, %mul3A_35 : i32
      %get3A = arith.constant 0 : i32
      %get3A_37 = arith.index_cast %get3A : i32 to index
      %get3A_38 = arith.index_cast %mul3A_36 : i32 to index
      %get3A_39 = tpu.vector_load %arg10[%get3A_37, %get3A_38] {strides = array<i32>} : memref<16x640xf32, #tpu.memory_space<vmem>>, vector<16xf32>,
      %add3A = arith.addf %broadcast_in_dim3A_34, %get3A_39 : vector<16xf32>
      %mul3A_40 = arith.constant 16 : i32
      %mul3A_41 = arith.muli %scan3A_32, %mul3A_40 : i32
      %get3A_42 = arith.constant 1 : i32
      %get3A_43 = arith.index_cast %get3A_42 : i32 to index
      %get3A_44 = arith.index_cast %mul3A_41 : i32 to index
      %get3A_45 = tpu.vector_load %arg10[%get3A_43, %get3A_44] {strides = array<i32>} : memref<16x640xf32, #tpu.memory_space<vmem>>, vector<16xf32>,
      %add3A_46 = arith.addf %add3A, %get3A_45 : vector<16xf32>
      %mul3A_47 = arith.constant 16 : i32
      %mul3A_48 = arith.muli %scan3A_32, %mul3A_47 : i32
      %get3A_49 = arith.constant 2 : i32
      %get3A_50 = arith.index_cast %get3A_49 : i32 to index
      %get3A_51 = arith.index_cast %mul3A_48 : i32 to index
      %get3A_52 = tpu.vector_load %arg10[%get3A_50, %get3A_51] {strides = array<i32>} : memref<16x640xf32, #tpu.memory_space<vmem>>, vector<16xf32>,
      %add3A_53 = arith.addf %add3A_46, %get3A_52 : vector<16xf32>
      %mul3A_54 = arith.constant 16 : i32
      %mul3A_55 = arith.muli %scan3A_32, %mul3A_54 : i32
      %get3A_56 = arith.constant 3 : i32
      %get3A_57 = arith.index_cast %get3A_56 : i32 to index
      %get3A_58 = arith.index_cast %mul3A_55 : i32 to index
      %get3A_59 = tpu.vector_load %arg10[%get3A_57, %get3A_58] {strides = array<i32>} : memref<16x640xf32, #tpu.memory_space<vmem>>, vector<16xf32>,
      %add3A_60 = arith.addf %add3A_53, %get3A_59 : vector<16xf32>
      %mul3A_61 = arith.constant 16 : i32
      %mul3A_62 = arith.muli %scan3A_32, %mul3A_61 : i32
      %get3A_63 = arith.constant 4 : i32
      %get3A_64 = arith.index_cast %get3A_63 : i32 to index
      %get3A_65 = arith.index_cast %mul3A_62 : i32 to index
      %get3A_66 = tpu.vector_load %arg10[%get3A_64, %get3A_65] {strides = array<i32>} : memref<16x640xf32, #tpu.memory_space<vmem>>, vector<16xf32>,
      %add3A_67 = arith.addf %add3A_60, %get3A_66 : vector<16xf32>
      %mul3A_68 = arith.constant 16 : i32
      %mul3A_69 = arith.muli %scan3A_32, %mul3A_68 : i32
      %get3A_70 = arith.constant 5 : i32
      %get3A_71 = arith.index_cast %get3A_70 : i32 to index
      %get3A_72 = arith.index_cast %mul3A_69 : i32 to index
      %get3A_73 = tpu.vector_load %arg10[%get3A_71, %get3A_72] {strides = array<i32>} : memref<16x640xf32, #tpu.memory_space<vmem>>, vector<16xf32>,
      %add3A_74 = arith.addf %add3A_67, %get3A_73 : vector<16xf32>
      %mul3A_75 = arith.constant 16 : i32
      %mul3A_76 = arith.muli %scan3A_32, %mul3A_75 : i32
      %get3A_77 = arith.constant 6 : i32
      %get3A_78 = arith.index_cast %get3A_77 : i32 to index
      %get3A_79 = arith.index_cast %mul3A_76 : i32 to index
      %get3A_80 = tpu.vector_load %arg10[%get3A_78, %get3A_79] {strides = array<i32>} : memref<16x640xf32, #tpu.memory_space<vmem>>, vector<16xf32>,
      %add3A_81 = arith.addf %add3A_74, %get3A_80 : vector<16xf32>
      %mul3A_82 = arith.constant 16 : i32
      %mul3A_83 = arith.muli %scan3A_32, %mul3A_82 : i32
      %get3A_84 = arith.constant 7 : i32
      %get3A_85 = arith.index_cast %get3A_84 : i32 to index
      %get3A_86 = arith.index_cast %mul3A_83 : i32 to index
      %get3A_87 = tpu.vector_load %arg10[%get3A_85, %get3A_86] {strides = array<i32>} : memref<16x640xf32, #tpu.memory_space<vmem>>, vector<16xf32>,
      %add3A_88 = arith.addf %add3A_81, %get3A_87 : vector<16xf32>
      %mul3A_89 = arith.constant 16 : i32
      %mul3A_90 = arith.muli %scan3A_32, %mul3A_89 : i32
      %get3A_91 = arith.constant 8 : i32
      %get3A_92 = arith.index_cast %get3A_91 : i32 to index
      %get3A_93 = arith.index_cast %mul3A_90 : i32 to index
      %get3A_94 = tpu.vector_load %arg10[%get3A_92, %get3A_93] {strides = array<i32>} : memref<16x640xf32, #tpu.memory_space<vmem>>, vector<16xf32>,
      %add3A_95 = arith.addf %add3A_88, %get3A_94 : vector<16xf32>
      %mul3A_96 = arith.constant 16 : i32
      %mul3A_97 = arith.muli %scan3A_32, %mul3A_96 : i32
      %get3A_98 = arith.constant 9 : i32
      %get3A_99 = arith.index_cast %get3A_98 : i32 to index
      %get3A_100 = arith.index_cast %mul3A_97 : i32 to index
      %get3A_101 = tpu.vector_load %arg10[%get3A_99, %get3A_100] {strides = array<i32>} : memref<16x640xf32, #tpu.memory_space<vmem>>, vector<16xf32>,
      %add3A_102 = arith.addf %add3A_95, %get3A_101 : vector<16xf32>
      %mul3A_103 = arith.constant 16 : i32
      %mul3A_104 = arith.muli %scan3A_32, %mul3A_103 : i32
      %get3A_105 = arith.constant 10 : i32
      %get3A_106 = arith.index_cast %get3A_105 : i32 to index
      %get3A_107 = arith.index_cast %mul3A_104 : i32 to index
      %get3A_108 = tpu.vector_load %arg10[%get3A_106, %get3A_107] {strides = array<i32>} : memref<16x640xf32, #tpu.memory_space<vmem>>, vector<16xf32>,
      %add3A_109 = arith.addf %add3A_102, %get3A_108 : vector<16xf32>
      %mul3A_110 = arith.constant 16 : i32
      %mul3A_111 = arith.muli %scan3A_32, %mul3A_110 : i32
      %get3A_112 = arith.constant 11 : i32
      %get3A_113 = arith.index_cast %get3A_112 : i32 to index
      %get3A_114 = arith.index_cast %mul3A_111 : i32 to index
      %get3A_115 = tpu.vector_load %arg10[%get3A_113, %get3A_114] {strides = array<i32>} : memref<16x640xf32, #tpu.memory_space<vmem>>, vector<16xf32>,
      %add3A_116 = arith.addf %add3A_109, %get3A_115 : vector<16xf32>
      %mul3A_117 = arith.constant 16 : i32
      %mul3A_118 = arith.muli %scan3A_32, %mul3A_117 : i32
      %get3A_119 = arith.constant 12 : i32
      %get3A_120 = arith.index_cast %get3A_119 : i32 to index
      %get3A_121 = arith.index_cast %mul3A_118 : i32 to index
      %get3A_122 = tpu.vector_load %arg10[%get3A_120, %get3A_121] {strides = array<i32>} : memref<16x640xf32, #tpu.memory_space<vmem>>, vector<16xf32>,
      %add3A_123 = arith.addf %add3A_116, %get3A_122 : vector<16xf32>
      %mul3A_124 = arith.constant 16 : i32
      %mul3A_125 = arith.muli %scan3A_32, %mul3A_124 : i32
      %get3A_126 = arith.constant 13 : i32
      %get3A_127 = arith.index_cast %get3A_126 : i32 to index
      %get3A_128 = arith.index_cast %mul3A_125 : i32 to index
      %get3A_129 = tpu.vector_load %arg10[%get3A_127, %get3A_128] {strides = array<i32>} : memref<16x640xf32, #tpu.memory_space<vmem>>, vector<16xf32>,
      %add3A_130 = arith.addf %add3A_123, %get3A_129 : vector<16xf32>
      %mul3A_131 = arith.constant 16 : i32
      %mul3A_132 = arith.muli %scan3A_32, %mul3A_131 : i32
      %get3A_133 = arith.constant 14 : i32
      %get3A_134 = arith.index_cast %get3A_133 : i32 to index
      %get3A_135 = arith.index_cast %mul3A_132 : i32 to index
      %get3A_136 = tpu.vector_load %arg10[%get3A_134, %get3A_135] {strides = array<i32>} : memref<16x640xf32, #tpu.memory_space<vmem>>, vector<16xf32>,
      %add3A_137 = arith.addf %add3A_130, %get3A_136 : vector<16xf32>
      %mul3A_138 = arith.constant 16 : i32
      %mul3A_139 = arith.muli %scan3A_32, %mul3A_138 : i32
      %get3A_140 = arith.constant 15 : i32
      %get3A_141 = arith.index_cast %get3A_140 : i32 to index
      %get3A_142 = arith.index_cast %mul3A_139 : i32 to index
      %get3A_143 = tpu.vector_load %arg10[%get3A_141, %get3A_142] {strides = array<i32>} : memref<16x640xf32, #tpu.memory_space<vmem>>, vector<16xf32>,
      %add3A_144 = arith.addf %add3A_137, %get3A_143 : vector<16xf32>
      %mul3A_145 = arith.constant 16 : i32
      %mul3A_146 = arith.muli %scan3A_32, %mul3A_145 : i32
      %swap3A = arith.index_cast %mul3A_146 : i32 to index
      %swap3A_147 = tpu.vector_load %arg8[%swap3A] {strides = array<i32>} : memref<10240xf32, #tpu.memory_space<vmem>>, vector<16xf32>,
      tpu.vector_store %arg8[%swap3A], %add3A_144 {strides = array<i32>} : memref<10240xf32, #tpu.memory_space<vmem>>, vector<16xf32>,
      %scan3A_148 = arith.constant 0 : i32
      scf.yield %scan3A_148 : i32
    }
    %scan3A_22 = arith.constant 40 : i32
    "tpu.region"() ({
      %run_scoped3A = tpu.sem_alloc : memref<!tpu.dma_semaphore, #tpu.memory_space<semaphore_mem>>
      %dma_start3A = arith.constant 0 : i32
      %dma_start3A_32 = tpu.memref_slice %arg8[%dma_start3A] : memref<10240xf32, #tpu.memory_space<vmem>> -> memref<640xf32, #tpu.memory_space<vmem>>
      %dma_start3A_33 = tpu.memref_slice %arg4[%arg0, %mul3A_15] : memref<2x10240xf32, #tpu.memory_space<hbm>> -> memref<1x640xf32, #tpu.memory_space<hbm>>
      %dma_start3A_34 = tpu.memref_squeeze %dma_start3A_33 : memref<1x640xf32, #tpu.memory_space<hbm>> -> memref<640xf32, #tpu.memory_space<hbm>>
      %dma_start3A_35 = tpu.memref_slice %arg4[%arg0, %mul3A_15] : memref<2x10240xf32, #tpu.memory_space<hbm>> -> memref<1x640xf32, #tpu.memory_space<hbm>>
      %dma_start3A_36 = tpu.memref_squeeze %dma_start3A_35 : memref<1x640xf32, #tpu.memory_space<hbm>> -> memref<640xf32, #tpu.memory_space<hbm>>
      %dma_start3A_37 = arith.constant 0 : i32
      %dma_start3A_38 = tpu.memref_slice %arg8[%dma_start3A_37] : memref<10240xf32, #tpu.memory_space<vmem>> -> memref<640xf32, #tpu.memory_space<vmem>>
      tpu.enqueue_dma source(%dma_start3A_38 : memref<640xf32, #tpu.memory_space<vmem>>) target(%dma_start3A_36 : memref<640xf32, #tpu.memory_space<hbm>>) target_semaphore(%run_scoped3A : memref<!tpu.dma_semaphore, #tpu.memory_space<semaphore_mem>>)
      %dma_wait3A = arith.constant 0 : i32
      %dma_wait3A_39 = tpu.memref_slice %arg8[%dma_wait3A] : memref<10240xf32, #tpu.memory_space<vmem>> -> memref<640xf32, #tpu.memory_space<vmem>>
      %dma_wait3A_40 = tpu.memref_slice %arg4[%arg0, %mul3A_15] : memref<2x10240xf32, #tpu.memory_space<hbm>> -> memref<1x640xf32, #tpu.memory_space<hbm>>
      %dma_wait3A_41 = tpu.memref_squeeze %dma_wait3A_40 : memref<1x640xf32, #tpu.memory_space<hbm>> -> memref<640xf32, #tpu.memory_space<hbm>>
      %dma_wait3A_42 = tpu.memref_slice %arg4[%arg0, %mul3A_15] : memref<2x10240xf32, #tpu.memory_space<hbm>> -> memref<1x640xf32, #tpu.memory_space<hbm>>
      %dma_wait3A_43 = tpu.memref_squeeze %dma_wait3A_42 : memref<1x640xf32, #tpu.memory_space<hbm>> -> memref<640xf32, #tpu.memory_space<hbm>>
      %dma_wait3A_44 = arith.constant 0 : i32
      %dma_wait3A_45 = tpu.memref_slice %arg8[%dma_wait3A_44] : memref<10240xf32, #tpu.memory_space<vmem>> -> memref<640xf32, #tpu.memory_space<vmem>>
      tpu.wait_dma2 semaphore(%run_scoped3A : memref<!tpu.dma_semaphore, #tpu.memory_space<semaphore_mem>>) src(%dma_wait3A_45 : memref<640xf32, #tpu.memory_space<vmem>>) dst(%dma_wait3A_43 : memref<640xf32, #tpu.memory_space<hbm>>)
      tpu.yield
    }) : () -> ()
    %barrier3A_23 = arith.constant 0 : index
    tpu.barrier barrier_id(%barrier3A_23)
    "tpu.region"() ({
      %run_scoped3A = tpu.sem_alloc : memref<!tpu.dma_semaphore, #tpu.memory_space<semaphore_mem>>
      %dma_start3A = arith.constant 0 : i32
      %dma_start3A_32 = tpu.memref_slice %arg11[%arg1, %dma_start3A] : memref<16x10240xf32, #tpu.memory_space<vmem_shared>> -> memref<1x10240xf32, #tpu.memory_space<vmem_shared>>
      %dma_start3A_33 = tpu.memref_squeeze %dma_start3A_32 : memref<1x10240xf32, #tpu.memory_space<vmem_shared>> -> memref<10240xf32, #tpu.memory_space<vmem_shared>>
      %dma_start3A_34 = arith.constant 0 : i32
      %dma_start3A_35 = tpu.memref_slice %arg11[%arg1, %dma_start3A_34] : memref<16x10240xf32, #tpu.memory_space<vmem_shared>> -> memref<1x10240xf32, #tpu.memory_space<vmem_shared>>
      %dma_start3A_36 = tpu.memref_squeeze %dma_start3A_35 : memref<1x10240xf32, #tpu.memory_space<vmem_shared>> -> memref<10240xf32, #tpu.memory_space<vmem_shared>>
      tpu.enqueue_dma source(%arg9 : memref<10240xf32, #tpu.memory_space<vmem>>) target(%dma_start3A_36 : memref<10240xf32, #tpu.memory_space<vmem_shared>>) target_semaphore(%run_scoped3A : memref<!tpu.dma_semaphore, #tpu.memory_space<semaphore_mem>>)
      %dma_wait3A = arith.constant 0 : i32
      %dma_wait3A_37 = tpu.memref_slice %arg11[%arg1, %dma_wait3A] : memref<16x10240xf32, #tpu.memory_space<vmem_shared>> -> memref<1x10240xf32, #tpu.memory_space<vmem_shared>>
      %dma_wait3A_38 = tpu.memref_squeeze %dma_wait3A_37 : memref<1x10240xf32, #tpu.memory_space<vmem_shared>> -> memref<10240xf32, #tpu.memory_space<vmem_shared>>
      %dma_wait3A_39 = arith.constant 0 : i32
      %dma_wait3A_40 = tpu.memref_slice %arg11[%arg1, %dma_wait3A_39] : memref<16x10240xf32, #tpu.memory_space<vmem_shared>> -> memref<1x10240xf32, #tpu.memory_space<vmem_shared>>
      %dma_wait3A_41 = tpu.memref_squeeze %dma_wait3A_40 : memref<1x10240xf32, #tpu.memory_space<vmem_shared>> -> memref<10240xf32, #tpu.memory_space<vmem_shared>>
      tpu.wait_dma2 semaphore(%run_scoped3A : memref<!tpu.dma_semaphore, #tpu.memory_space<semaphore_mem>>) src(%arg9 : memref<10240xf32, #tpu.memory_space<vmem>>) dst(%dma_wait3A_41 : memref<10240xf32, #tpu.memory_space<vmem_shared>>)
      tpu.yield
    }) : () -> ()
    %barrier3A_24 = arith.constant 0 : index
    tpu.barrier barrier_id(%barrier3A_24)
    "tpu.region"() ({
      %run_scoped3A = tpu.sem_alloc : memref<!tpu.dma_semaphore, #tpu.memory_space<semaphore_mem>>
      %dma_start3A = arith.constant 0 : i32
      %dma_start3A_32 = tpu.memref_slice %arg11[%dma_start3A, %mul3A_15] : memref<16x10240xf32, #tpu.memory_space<vmem_shared>> -> memref<16x640xf32, #tpu.memory_space<vmem_shared>>
      %dma_start3A_33 = arith.constant 0 : i32
      %dma_start3A_34 = tpu.memref_slice %arg11[%dma_start3A_33, %mul3A_15] : memref<16x10240xf32, #tpu.memory_space<vmem_shared>> -> memref<16x640xf32, #tpu.memory_space<vmem_shared>>
      tpu.enqueue_dma source(%dma_start3A_34 : memref<16x640xf32, #tpu.memory_space<vmem_shared>>) target(%arg10 : memref<16x640xf32, #tpu.memory_space<vmem>>) target_semaphore(%run_scoped3A : memref<!tpu.dma_semaphore, #tpu.memory_space<semaphore_mem>>)
      %dma_wait3A = arith.constant 0 : i32
      %dma_wait3A_35 = tpu.memref_slice %arg11[%dma_wait3A, %mul3A_15] : memref<16x10240xf32, #tpu.memory_space<vmem_shared>> -> memref<16x640xf32, #tpu.memory_space<vmem_shared>>
      %dma_wait3A_36 = arith.constant 0 : i32
      %dma_wait3A_37 = tpu.memref_slice %arg11[%dma_wait3A_36, %mul3A_15] : memref<16x10240xf32, #tpu.memory_space<vmem_shared>> -> memref<16x640xf32, #tpu.memory_space<vmem_shared>>
      tpu.wait_dma2 semaphore(%run_scoped3A : memref<!tpu.dma_semaphore, #tpu.memory_space<semaphore_mem>>) src(%dma_wait3A_37 : memref<16x640xf32, #tpu.memory_space<vmem_shared>>) dst(%arg10 : memref<16x640xf32, #tpu.memory_space<vmem>>)
      tpu.yield
    }) : () -> ()
    %scan3A_25 = arith.constant 0 : i32
    %scan3A_26 = arith.constant 0 : i32
    %scan3A_27 = arith.constant 40 : i32
    %scan3A_28 = arith.addi %scan3A_26, %scan3A_27 : i32
    %scan3A_29 = arith.constant 1 : i32
    %scan3A_30 = scf.for %scan3A_32 = %scan3A_26 to %scan3A_28 step %scan3A_29 iter_args(%scan3A_33 = %scan3A_25) -> (i32)  : i32 {
      %broadcast_in_dim3A = arith.constant -1.000000e+00 : f32
      %broadcast_in_dim3A_34 = vector.broadcast %broadcast_in_dim3A : f32 to vector<16xf32>
      %mul3A_35 = arith.constant 16 : i32
      %mul3A_36 = arith.muli %scan3A_32, %mul3A_35 : i32
      %get3A = arith.constant 0 : i32
      %get3A_37 = arith.index_cast %get3A : i32 to index
      %get3A_38 = arith.index_cast %mul3A_36 : i32 to index
      %get3A_39 = tpu.vector_load %arg10[%get3A_37, %get3A_38] {strides = array<i32>} : memref<16x640xf32, #tpu.memory_space<vmem>>, vector<16xf32>,
      %max3A = arith.maximumf %broadcast_in_dim3A_34, %get3A_39 : vector<16xf32>
      %mul3A_40 = arith.constant 16 : i32
      %mul3A_41 = arith.muli %scan3A_32, %mul3A_40 : i32
      %get3A_42 = arith.constant 1 : i32
      %get3A_43 = arith.index_cast %get3A_42 : i32 to index
      %get3A_44 = arith.index_cast %mul3A_41 : i32 to index
      %get3A_45 = tpu.vector_load %arg10[%get3A_43, %get3A_44] {strides = array<i32>} : memref<16x640xf32, #tpu.memory_space<vmem>>, vector<16xf32>,
      %max3A_46 = arith.maximumf %max3A, %get3A_45 : vector<16xf32>
      %mul3A_47 = arith.constant 16 : i32
      %mul3A_48 = arith.muli %scan3A_32, %mul3A_47 : i32
      %get3A_49 = arith.constant 2 : i32
      %get3A_50 = arith.index_cast %get3A_49 : i32 to index
      %get3A_51 = arith.index_cast %mul3A_48 : i32 to index
      %get3A_52 = tpu.vector_load %arg10[%get3A_50, %get3A_51] {strides = array<i32>} : memref<16x640xf32, #tpu.memory_space<vmem>>, vector<16xf32>,
      %max3A_53 = arith.maximumf %max3A_46, %get3A_52 : vector<16xf32>
      %mul3A_54 = arith.constant 16 : i32
      %mul3A_55 = arith.muli %scan3A_32, %mul3A_54 : i32
      %get3A_56 = arith.constant 3 : i32
      %get3A_57 = arith.index_cast %get3A_56 : i32 to index
      %get3A_58 = arith.index_cast %mul3A_55 : i32 to index
      %get3A_59 = tpu.vector_load %arg10[%get3A_57, %get3A_58] {strides = array<i32>} : memref<16x640xf32, #tpu.memory_space<vmem>>, vector<16xf32>,
      %max3A_60 = arith.maximumf %max3A_53, %get3A_59 : vector<16xf32>
      %mul3A_61 = arith.constant 16 : i32
      %mul3A_62 = arith.muli %scan3A_32, %mul3A_61 : i32
      %get3A_63 = arith.constant 4 : i32
      %get3A_64 = arith.index_cast %get3A_63 : i32 to index
      %get3A_65 = arith.index_cast %mul3A_62 : i32 to index
      %get3A_66 = tpu.vector_load %arg10[%get3A_64, %get3A_65] {strides = array<i32>} : memref<16x640xf32, #tpu.memory_space<vmem>>, vector<16xf32>,
      %max3A_67 = arith.maximumf %max3A_60, %get3A_66 : vector<16xf32>
      %mul3A_68 = arith.constant 16 : i32
      %mul3A_69 = arith.muli %scan3A_32, %mul3A_68 : i32
      %get3A_70 = arith.constant 5 : i32
      %get3A_71 = arith.index_cast %get3A_70 : i32 to index
      %get3A_72 = arith.index_cast %mul3A_69 : i32 to index
      %get3A_73 = tpu.vector_load %arg10[%get3A_71, %get3A_72] {strides = array<i32>} : memref<16x640xf32, #tpu.memory_space<vmem>>, vector<16xf32>,
      %max3A_74 = arith.maximumf %max3A_67, %get3A_73 : vector<16xf32>
      %mul3A_75 = arith.constant 16 : i32
      %mul3A_76 = arith.muli %scan3A_32, %mul3A_75 : i32
      %get3A_77 = arith.constant 6 : i32
      %get3A_78 = arith.index_cast %get3A_77 : i32 to index
      %get3A_79 = arith.index_cast %mul3A_76 : i32 to index
      %get3A_80 = tpu.vector_load %arg10[%get3A_78, %get3A_79] {strides = array<i32>} : memref<16x640xf32, #tpu.memory_space<vmem>>, vector<16xf32>,
      %max3A_81 = arith.maximumf %max3A_74, %get3A_80 : vector<16xf32>
      %mul3A_82 = arith.constant 16 : i32
      %mul3A_83 = arith.muli %scan3A_32, %mul3A_82 : i32
      %get3A_84 = arith.constant 7 : i32
      %get3A_85 = arith.index_cast %get3A_84 : i32 to index
      %get3A_86 = arith.index_cast %mul3A_83 : i32 to index
      %get3A_87 = tpu.vector_load %arg10[%get3A_85, %get3A_86] {strides = array<i32>} : memref<16x640xf32, #tpu.memory_space<vmem>>, vector<16xf32>,
      %max3A_88 = arith.maximumf %max3A_81, %get3A_87 : vector<16xf32>
      %mul3A_89 = arith.constant 16 : i32
      %mul3A_90 = arith.muli %scan3A_32, %mul3A_89 : i32
      %get3A_91 = arith.constant 8 : i32
      %get3A_92 = arith.index_cast %get3A_91 : i32 to index
      %get3A_93 = arith.index_cast %mul3A_90 : i32 to index
      %get3A_94 = tpu.vector_load %arg10[%get3A_92, %get3A_93] {strides = array<i32>} : memref<16x640xf32, #tpu.memory_space<vmem>>, vector<16xf32>,
      %max3A_95 = arith.maximumf %max3A_88, %get3A_94 : vector<16xf32>
      %mul3A_96 = arith.constant 16 : i32
      %mul3A_97 = arith.muli %scan3A_32, %mul3A_96 : i32
      %get3A_98 = arith.constant 9 : i32
      %get3A_99 = arith.index_cast %get3A_98 : i32 to index
      %get3A_100 = arith.index_cast %mul3A_97 : i32 to index
      %get3A_101 = tpu.vector_load %arg10[%get3A_99, %get3A_100] {strides = array<i32>} : memref<16x640xf32, #tpu.memory_space<vmem>>, vector<16xf32>,
      %max3A_102 = arith.maximumf %max3A_95, %get3A_101 : vector<16xf32>
      %mul3A_103 = arith.constant 16 : i32
      %mul3A_104 = arith.muli %scan3A_32, %mul3A_103 : i32
      %get3A_105 = arith.constant 10 : i32
      %get3A_106 = arith.index_cast %get3A_105 : i32 to index
      %get3A_107 = arith.index_cast %mul3A_104 : i32 to index
      %get3A_108 = tpu.vector_load %arg10[%get3A_106, %get3A_107] {strides = array<i32>} : memref<16x640xf32, #tpu.memory_space<vmem>>, vector<16xf32>,
      %max3A_109 = arith.maximumf %max3A_102, %get3A_108 : vector<16xf32>
      %mul3A_110 = arith.constant 16 : i32
      %mul3A_111 = arith.muli %scan3A_32, %mul3A_110 : i32
      %get3A_112 = arith.constant 11 : i32
      %get3A_113 = arith.index_cast %get3A_112 : i32 to index
      %get3A_114 = arith.index_cast %mul3A_111 : i32 to index
      %get3A_115 = tpu.vector_load %arg10[%get3A_113, %get3A_114] {strides = array<i32>} : memref<16x640xf32, #tpu.memory_space<vmem>>, vector<16xf32>,
      %max3A_116 = arith.maximumf %max3A_109, %get3A_115 : vector<16xf32>
      %mul3A_117 = arith.constant 16 : i32
      %mul3A_118 = arith.muli %scan3A_32, %mul3A_117 : i32
      %get3A_119 = arith.constant 12 : i32
      %get3A_120 = arith.index_cast %get3A_119 : i32 to index
      %get3A_121 = arith.index_cast %mul3A_118 : i32 to index
      %get3A_122 = tpu.vector_load %arg10[%get3A_120, %get3A_121] {strides = array<i32>} : memref<16x640xf32, #tpu.memory_space<vmem>>, vector<16xf32>,
      %max3A_123 = arith.maximumf %max3A_116, %get3A_122 : vector<16xf32>
      %mul3A_124 = arith.constant 16 : i32
      %mul3A_125 = arith.muli %scan3A_32, %mul3A_124 : i32
      %get3A_126 = arith.constant 13 : i32
      %get3A_127 = arith.index_cast %get3A_126 : i32 to index
      %get3A_128 = arith.index_cast %mul3A_125 : i32 to index
      %get3A_129 = tpu.vector_load %arg10[%get3A_127, %get3A_128] {strides = array<i32>} : memref<16x640xf32, #tpu.memory_space<vmem>>, vector<16xf32>,
      %max3A_130 = arith.maximumf %max3A_123, %get3A_129 : vector<16xf32>
      %mul3A_131 = arith.constant 16 : i32
      %mul3A_132 = arith.muli %scan3A_32, %mul3A_131 : i32
      %get3A_133 = arith.constant 14 : i32
      %get3A_134 = arith.index_cast %get3A_133 : i32 to index
      %get3A_135 = arith.index_cast %mul3A_132 : i32 to index
      %get3A_136 = tpu.vector_load %arg10[%get3A_134, %get3A_135] {strides = array<i32>} : memref<16x640xf32, #tpu.memory_space<vmem>>, vector<16xf32>,
      %max3A_137 = arith.maximumf %max3A_130, %get3A_136 : vector<16xf32>
      %mul3A_138 = arith.constant 16 : i32
      %mul3A_139 = arith.muli %scan3A_32, %mul3A_138 : i32
      %get3A_140 = arith.constant 15 : i32
      %get3A_141 = arith.index_cast %get3A_140 : i32 to index
      %get3A_142 = arith.index_cast %mul3A_139 : i32 to index
      %get3A_143 = tpu.vector_load %arg10[%get3A_141, %get3A_142] {strides = array<i32>} : memref<16x640xf32, #tpu.memory_space<vmem>>, vector<16xf32>,
      %max3A_144 = arith.maximumf %max3A_137, %get3A_143 : vector<16xf32>
      %mul3A_145 = arith.constant 16 : i32
      %mul3A_146 = arith.muli %scan3A_32, %mul3A_145 : i32
      %swap3A = arith.index_cast %mul3A_146 : i32 to index
      %swap3A_147 = tpu.vector_load %arg9[%swap3A] {strides = array<i32>} : memref<10240xf32, #tpu.memory_space<vmem>>, vector<16xf32>,
      tpu.vector_store %arg9[%swap3A], %max3A_144 {strides = array<i32>} : memref<10240xf32, #tpu.memory_space<vmem>>, vector<16xf32>,
      %scan3A_148 = arith.constant 0 : i32
      scf.yield %scan3A_148 : i32
    }
    %scan3A_31 = arith.constant 40 : i32
    "tpu.region"() ({
      %run_scoped3A = tpu.sem_alloc : memref<!tpu.dma_semaphore, #tpu.memory_space<semaphore_mem>>
      %dma_start3A = arith.constant 0 : i32
      %dma_start3A_32 = tpu.memref_slice %arg9[%dma_start3A] : memref<10240xf32, #tpu.memory_space<vmem>> -> memref<640xf32, #tpu.memory_space<vmem>>
      %dma_start3A_33 = tpu.memref_slice %arg5[%arg0, %mul3A_15] : memref<2x10240xf32, #tpu.memory_space<hbm>> -> memref<1x640xf32, #tpu.memory_space<hbm>>
      %dma_start3A_34 = tpu.memref_squeeze %dma_start3A_33 : memref<1x640xf32, #tpu.memory_space<hbm>> -> memref<640xf32, #tpu.memory_space<hbm>>
      %dma_start3A_35 = tpu.memref_slice %arg5[%arg0, %mul3A_15] : memref<2x10240xf32, #tpu.memory_space<hbm>> -> memref<1x640xf32, #tpu.memory_space<hbm>>
      %dma_start3A_36 = tpu.memref_squeeze %dma_start3A_35 : memref<1x640xf32, #tpu.memory_space<hbm>> -> memref<640xf32, #tpu.memory_space<hbm>>
      %dma_start3A_37 = arith.constant 0 : i32
      %dma_start3A_38 = tpu.memref_slice %arg9[%dma_start3A_37] : memref<10240xf32, #tpu.memory_space<vmem>> -> memref<640xf32, #tpu.memory_space<vmem>>
      tpu.enqueue_dma source(%dma_start3A_38 : memref<640xf32, #tpu.memory_space<vmem>>) target(%dma_start3A_36 : memref<640xf32, #tpu.memory_space<hbm>>) target_semaphore(%run_scoped3A : memref<!tpu.dma_semaphore, #tpu.memory_space<semaphore_mem>>)
      %dma_wait3A = arith.constant 0 : i32
      %dma_wait3A_39 = tpu.memref_slice %arg9[%dma_wait3A] : memref<10240xf32, #tpu.memory_space<vmem>> -> memref<640xf32, #tpu.memory_space<vmem>>
      %dma_wait3A_40 = tpu.memref_slice %arg5[%arg0, %mul3A_15] : memref<2x10240xf32, #tpu.memory_space<hbm>> -> memref<1x640xf32, #tpu.memory_space<hbm>>
      %dma_wait3A_41 = tpu.memref_squeeze %dma_wait3A_40 : memref<1x640xf32, #tpu.memory_space<hbm>> -> memref<640xf32, #tpu.memory_space<hbm>>
      %dma_wait3A_42 = tpu.memref_slice %arg5[%arg0, %mul3A_15] : memref<2x10240xf32, #tpu.memory_space<hbm>> -> memref<1x640xf32, #tpu.memory_space<hbm>>
      %dma_wait3A_43 = tpu.memref_squeeze %dma_wait3A_42 : memref<1x640xf32, #tpu.memory_space<hbm>> -> memref<640xf32, #tpu.memory_space<hbm>>
      %dma_wait3A_44 = arith.constant 0 : i32
      %dma_wait3A_45 = tpu.memref_slice %arg9[%dma_wait3A_44] : memref<10240xf32, #tpu.memory_space<vmem>> -> memref<640xf32, #tpu.memory_space<vmem>>
      tpu.wait_dma2 semaphore(%run_scoped3A : memref<!tpu.dma_semaphore, #tpu.memory_space<semaphore_mem>>) src(%dma_wait3A_45 : memref<640xf32, #tpu.memory_space<vmem>>) dst(%dma_wait3A_43 : memref<640xf32, #tpu.memory_space<hbm>>)
      tpu.yield
    }) : () -> ()
    return
  }
}

#map = affine_map<(d0, d1) -> (0, 0, 0)>
#map1 = affine_map<(d0, d1) -> (0, 0)>
module attributes {stable_mosaic.version = 14 : i64} {
  func.func @edge_kernel(%arg0: i32, %arg1: i32, %arg2: memref<16x250x80xi32, #tpu.memory_space<hbm>>, %arg3: memref<16x250x80xf32, #tpu.memory_space<hbm>>, %arg4: memref<10000x128xf32, #tpu.memory_space<hbm>>, %arg5: memref<2x10240x128xf32, #tpu.memory_space<hbm>>, %arg6: memref<126x80xi32, #tpu.memory_space<vmem>>, %arg7: memref<2x80xf32, #tpu.memory_space<vmem>>, %arg8: memref<2x80xi32, #tpu.memory_space<vmem>>, %arg9: memref<2x80xi32, #tpu.memory_space<vmem>>, %arg10: memref<2x80xf32, #tpu.memory_space<vmem>>, %arg11: memref<80x128xf32, #tpu.memory_space<vmem>>, %arg12: memref<80x128xf32, #tpu.memory_space<vmem>>, %arg13: memref<10240x128xf32, #tpu.memory_space<vmem_shared>>, %arg14: memref<!tpu.dma_semaphore, #tpu.memory_space<semaphore_mem>>, %arg15: memref<!tpu.dma_semaphore, #tpu.memory_space<semaphore_mem>>, %arg16: memref<!tpu.dma_semaphore, #tpu.memory_space<semaphore_mem>>, %arg17: memref<!tpu.dma_semaphore, #tpu.memory_space<semaphore_mem>>) attributes {dimension_semantics = [#tpu.dimension_semantics<core_parallel>, #tpu.dimension_semantics<subcore_parallel>], iteration_bounds = array<i64: 2, 16>, scalar_prefetch = 0 : i64, scratch_operands = 12 : i64, tpu.core_type = #tpu.core_type<sc_vector_subcore>, window_params = [{transform_indices = #map}, {transform_indices = #map}, {transform_indices = #map1}, {transform_indices = #map}]} {
    %mul3A = arith.constant 640 : i32
    %mul3A_0 = arith.muli %arg1, %mul3A : i32
    %eq3A = arith.constant 0 : i32
    %eq3A_1 = arith.cmpi eq, %arg0, %eq3A : i32
    %jit3A = arith.constant 124 : i32
    %jit3A_2 = arith.constant 126 : i32
    %select_n3A = arith.select %eq3A_1, %jit3A, %jit3A_2 : i32
    %eq3A_3 = arith.constant 0 : i32
    %eq3A_4 = arith.cmpi eq, %arg0, %eq3A_3 : i32
    %jit3A_5 = arith.constant 0 : i32
    %jit3A_6 = arith.constant 124 : i32
    %select_n3A_7 = arith.select %eq3A_4, %jit3A_5, %jit3A_6 : i32
    "tpu.region"() ({
      %run_scoped3A = tpu.sem_alloc : memref<!tpu.dma_semaphore, #tpu.memory_space<semaphore_mem>>
      %dma_start3A_275 = arith.constant 0 : i32
      %dma_start3A_276 = tpu.memref_slice %arg2[%arg1, %select_n3A_7, %dma_start3A_275] : memref<16x250x80xi32, #tpu.memory_space<hbm>> -> memref<1x126x80xi32, #tpu.memory_space<hbm>>
      %dma_start3A_277 = tpu.memref_squeeze %dma_start3A_276 : memref<1x126x80xi32, #tpu.memory_space<hbm>> -> memref<126x80xi32, #tpu.memory_space<hbm>>
      %dma_start3A_278 = arith.constant 0 : i32
      %dma_start3A_279 = tpu.memref_slice %arg2[%arg1, %select_n3A_7, %dma_start3A_278] : memref<16x250x80xi32, #tpu.memory_space<hbm>> -> memref<1x126x80xi32, #tpu.memory_space<hbm>>
      %dma_start3A_280 = tpu.memref_squeeze %dma_start3A_279 : memref<1x126x80xi32, #tpu.memory_space<hbm>> -> memref<126x80xi32, #tpu.memory_space<hbm>>
      tpu.enqueue_dma source(%dma_start3A_280 : memref<126x80xi32, #tpu.memory_space<hbm>>) target(%arg6 : memref<126x80xi32, #tpu.memory_space<vmem>>) target_semaphore(%run_scoped3A : memref<!tpu.dma_semaphore, #tpu.memory_space<semaphore_mem>>)
      %dma_wait3A = arith.constant 0 : i32
      %dma_wait3A_281 = tpu.memref_slice %arg2[%arg1, %select_n3A_7, %dma_wait3A] : memref<16x250x80xi32, #tpu.memory_space<hbm>> -> memref<1x126x80xi32, #tpu.memory_space<hbm>>
      %dma_wait3A_282 = tpu.memref_squeeze %dma_wait3A_281 : memref<1x126x80xi32, #tpu.memory_space<hbm>> -> memref<126x80xi32, #tpu.memory_space<hbm>>
      %dma_wait3A_283 = arith.constant 0 : i32
      %dma_wait3A_284 = tpu.memref_slice %arg2[%arg1, %select_n3A_7, %dma_wait3A_283] : memref<16x250x80xi32, #tpu.memory_space<hbm>> -> memref<1x126x80xi32, #tpu.memory_space<hbm>>
      %dma_wait3A_285 = tpu.memref_squeeze %dma_wait3A_284 : memref<1x126x80xi32, #tpu.memory_space<hbm>> -> memref<126x80xi32, #tpu.memory_space<hbm>>
      tpu.wait_dma2 semaphore(%run_scoped3A : memref<!tpu.dma_semaphore, #tpu.memory_space<semaphore_mem>>) src(%dma_wait3A_285 : memref<126x80xi32, #tpu.memory_space<hbm>>) dst(%arg6 : memref<126x80xi32, #tpu.memory_space<vmem>>)
      tpu.yield
    }) : () -> ()
    %scan3A = arith.constant 0 : i32
    %scan3A_8 = arith.constant 0 : i32
    %scan3A_9 = arith.constant 80 : i32
    %scan3A_10 = arith.addi %scan3A_8, %scan3A_9 : i32
    %scan3A_11 = arith.constant 1 : i32
    %scan3A_12 = scf.for %scan3A_275 = %scan3A_8 to %scan3A_10 step %scan3A_11 iter_args(%scan3A_276 = %scan3A) -> (i32)  : i32 {
      %broadcast_in_dim3A = arith.constant 0.000000e+00 : f32
      %broadcast_in_dim3A_277 = vector.broadcast %broadcast_in_dim3A : f32 to vector<16xf32>
      %swap3A_278 = arith.index_cast %scan3A_275 : i32 to index
      %swap3A_279 = arith.constant 0 : index
      %swap3A_280 = tpu.vector_load %arg11[%swap3A_278, %swap3A_279] {strides = array<i32>} : memref<80x128xf32, #tpu.memory_space<vmem>>, vector<16xf32>,
      tpu.vector_store %arg11[%swap3A_278, %swap3A_279], %broadcast_in_dim3A_277 {strides = array<i32>} : memref<80x128xf32, #tpu.memory_space<vmem>>, vector<16xf32>,
      %broadcast_in_dim3A_281 = arith.constant 0.000000e+00 : f32
      %broadcast_in_dim3A_282 = vector.broadcast %broadcast_in_dim3A_281 : f32 to vector<16xf32>
      %swap3A_283 = arith.index_cast %scan3A_275 : i32 to index
      %swap3A_284 = arith.constant 16 : index
      %swap3A_285 = tpu.vector_load %arg11[%swap3A_283, %swap3A_284] {strides = array<i32>} : memref<80x128xf32, #tpu.memory_space<vmem>>, vector<16xf32>,
      tpu.vector_store %arg11[%swap3A_283, %swap3A_284], %broadcast_in_dim3A_282 {strides = array<i32>} : memref<80x128xf32, #tpu.memory_space<vmem>>, vector<16xf32>,
      %broadcast_in_dim3A_286 = arith.constant 0.000000e+00 : f32
      %broadcast_in_dim3A_287 = vector.broadcast %broadcast_in_dim3A_286 : f32 to vector<16xf32>
      %swap3A_288 = arith.index_cast %scan3A_275 : i32 to index
      %swap3A_289 = arith.constant 32 : index
      %swap3A_290 = tpu.vector_load %arg11[%swap3A_288, %swap3A_289] {strides = array<i32>} : memref<80x128xf32, #tpu.memory_space<vmem>>, vector<16xf32>,
      tpu.vector_store %arg11[%swap3A_288, %swap3A_289], %broadcast_in_dim3A_287 {strides = array<i32>} : memref<80x128xf32, #tpu.memory_space<vmem>>, vector<16xf32>,
      %broadcast_in_dim3A_291 = arith.constant 0.000000e+00 : f32
      %broadcast_in_dim3A_292 = vector.broadcast %broadcast_in_dim3A_291 : f32 to vector<16xf32>
      %swap3A_293 = arith.index_cast %scan3A_275 : i32 to index
      %swap3A_294 = arith.constant 48 : index
      %swap3A_295 = tpu.vector_load %arg11[%swap3A_293, %swap3A_294] {strides = array<i32>} : memref<80x128xf32, #tpu.memory_space<vmem>>, vector<16xf32>,
      tpu.vector_store %arg11[%swap3A_293, %swap3A_294], %broadcast_in_dim3A_292 {strides = array<i32>} : memref<80x128xf32, #tpu.memory_space<vmem>>, vector<16xf32>,
      %broadcast_in_dim3A_296 = arith.constant 0.000000e+00 : f32
      %broadcast_in_dim3A_297 = vector.broadcast %broadcast_in_dim3A_296 : f32 to vector<16xf32>
      %swap3A_298 = arith.index_cast %scan3A_275 : i32 to index
      %swap3A_299 = arith.constant 64 : index
      %swap3A_300 = tpu.vector_load %arg11[%swap3A_298, %swap3A_299] {strides = array<i32>} : memref<80x128xf32, #tpu.memory_space<vmem>>, vector<16xf32>,
      tpu.vector_store %arg11[%swap3A_298, %swap3A_299], %broadcast_in_dim3A_297 {strides = array<i32>} : memref<80x128xf32, #tpu.memory_space<vmem>>, vector<16xf32>,
      %broadcast_in_dim3A_301 = arith.constant 0.000000e+00 : f32
      %broadcast_in_dim3A_302 = vector.broadcast %broadcast_in_dim3A_301 : f32 to vector<16xf32>
      %swap3A_303 = arith.index_cast %scan3A_275 : i32 to index
      %swap3A_304 = arith.constant 80 : index
      %swap3A_305 = tpu.vector_load %arg11[%swap3A_303, %swap3A_304] {strides = array<i32>} : memref<80x128xf32, #tpu.memory_space<vmem>>, vector<16xf32>,
      tpu.vector_store %arg11[%swap3A_303, %swap3A_304], %broadcast_in_dim3A_302 {strides = array<i32>} : memref<80x128xf32, #tpu.memory_space<vmem>>, vector<16xf32>,
      %broadcast_in_dim3A_306 = arith.constant 0.000000e+00 : f32
      %broadcast_in_dim3A_307 = vector.broadcast %broadcast_in_dim3A_306 : f32 to vector<16xf32>
      %swap3A_308 = arith.index_cast %scan3A_275 : i32 to index
      %swap3A_309 = arith.constant 96 : index
      %swap3A_310 = tpu.vector_load %arg11[%swap3A_308, %swap3A_309] {strides = array<i32>} : memref<80x128xf32, #tpu.memory_space<vmem>>, vector<16xf32>,
      tpu.vector_store %arg11[%swap3A_308, %swap3A_309], %broadcast_in_dim3A_307 {strides = array<i32>} : memref<80x128xf32, #tpu.memory_space<vmem>>, vector<16xf32>,
      %broadcast_in_dim3A_311 = arith.constant 0.000000e+00 : f32
      %broadcast_in_dim3A_312 = vector.broadcast %broadcast_in_dim3A_311 : f32 to vector<16xf32>
      %swap3A_313 = arith.index_cast %scan3A_275 : i32 to index
      %swap3A_314 = arith.constant 112 : index
      %swap3A_315 = tpu.vector_load %arg11[%swap3A_313, %swap3A_314] {strides = array<i32>} : memref<80x128xf32, #tpu.memory_space<vmem>>, vector<16xf32>,
      tpu.vector_store %arg11[%swap3A_313, %swap3A_314], %broadcast_in_dim3A_312 {strides = array<i32>} : memref<80x128xf32, #tpu.memory_space<vmem>>, vector<16xf32>,
      %scan3A_316 = arith.constant 0 : i32
      scf.yield %scan3A_316 : i32
    }
    %scan3A_13 = arith.constant 80 : i32
    %scan3A_14 = arith.constant 0 : i32
    %scan3A_15 = arith.constant 0 : i32
    %scan3A_16 = arith.constant 8 : i32
    %scan3A_17 = arith.addi %scan3A_15, %scan3A_16 : i32
    %scan3A_18 = arith.constant 1 : i32
    %scan3A_19 = scf.for %scan3A_275 = %scan3A_15 to %scan3A_17 step %scan3A_18 iter_args(%scan3A_276 = %scan3A_14) -> (i32)  : i32 {
      %mul3A_277 = arith.constant 80 : i32
      %mul3A_278 = arith.muli %scan3A_275, %mul3A_277 : i32
      %add3A_279 = arith.addi %mul3A_0, %mul3A_278 : i32
      %multiple_of3A = tpu.assume_multiple %add3A_279, 80 : i32
      "tpu.region"() ({
        %run_scoped3A = tpu.sem_alloc : memref<!tpu.dma_semaphore, #tpu.memory_space<semaphore_mem>>
        %dma_start3A_281 = arith.constant 0 : i32
        %dma_start3A_282 = tpu.memref_slice %arg13[%multiple_of3A, %dma_start3A_281] : memref<10240x128xf32, #tpu.memory_space<vmem_shared>> -> memref<80x128xf32, #tpu.memory_space<vmem_shared>>
        %dma_start3A_283 = arith.constant 0 : i32
        %dma_start3A_284 = tpu.memref_slice %arg13[%multiple_of3A, %dma_start3A_283] : memref<10240x128xf32, #tpu.memory_space<vmem_shared>> -> memref<80x128xf32, #tpu.memory_space<vmem_shared>>
        tpu.enqueue_dma source(%arg11 : memref<80x128xf32, #tpu.memory_space<vmem>>) target(%dma_start3A_284 : memref<80x128xf32, #tpu.memory_space<vmem_shared>>) target_semaphore(%run_scoped3A : memref<!tpu.dma_semaphore, #tpu.memory_space<semaphore_mem>>)
        %dma_wait3A = arith.constant 0 : i32
        %dma_wait3A_285 = tpu.memref_slice %arg13[%multiple_of3A, %dma_wait3A] : memref<10240x128xf32, #tpu.memory_space<vmem_shared>> -> memref<80x128xf32, #tpu.memory_space<vmem_shared>>
        %dma_wait3A_286 = arith.constant 0 : i32
        %dma_wait3A_287 = tpu.memref_slice %arg13[%multiple_of3A, %dma_wait3A_286] : memref<10240x128xf32, #tpu.memory_space<vmem_shared>> -> memref<80x128xf32, #tpu.memory_space<vmem_shared>>
        tpu.wait_dma2 semaphore(%run_scoped3A : memref<!tpu.dma_semaphore, #tpu.memory_space<semaphore_mem>>) src(%arg11 : memref<80x128xf32, #tpu.memory_space<vmem>>) dst(%dma_wait3A_287 : memref<80x128xf32, #tpu.memory_space<vmem_shared>>)
        tpu.yield
      }) : () -> ()
      %scan3A_280 = arith.constant 0 : i32
      scf.yield %scan3A_280 : i32
    }
    %scan3A_20 = arith.constant 8 : i32
    %barrier3A = arith.constant 0 : index
    tpu.barrier barrier_id(%barrier3A)
    %get3A = arith.constant 0 : i32
    %get3A_21 = arith.index_cast %get3A : i32 to index
    %get3A_22 = arith.constant 0 : index
    %get3A_23 = tpu.vector_load %arg6[%get3A_21, %get3A_22] {strides = array<i32>} : memref<126x80xi32, #tpu.memory_space<vmem>>, vector<16xi32>,
    %and3A = arith.constant 16383 : i32
    %and3A_24 = vector.broadcast %and3A : i32 to vector<16xi32>
    %and3A_25 = arith.andi %get3A_23, %and3A_24 : vector<16xi32>
    %shift_right_logical3A = arith.constant 14 : i32
    %shift_right_logical3A_26 = vector.broadcast %shift_right_logical3A : i32 to vector<16xi32>
    %shift_right_logical3A_27 = arith.shrui %get3A_23, %shift_right_logical3A_26 : vector<16xi32>
    %swap3A = arith.constant 0 : i32
    %swap3A_28 = arith.index_cast %swap3A : i32 to index
    %swap3A_29 = arith.constant 0 : index
    %swap3A_30 = tpu.vector_load %arg8[%swap3A_28, %swap3A_29] {strides = array<i32>} : memref<2x80xi32, #tpu.memory_space<vmem>>, vector<16xi32>,
    tpu.vector_store %arg8[%swap3A_28, %swap3A_29], %and3A_25 {strides = array<i32>} : memref<2x80xi32, #tpu.memory_space<vmem>>, vector<16xi32>,
    %swap3A_31 = arith.constant 0 : i32
    %swap3A_32 = arith.index_cast %swap3A_31 : i32 to index
    %swap3A_33 = arith.constant 0 : index
    %swap3A_34 = tpu.vector_load %arg9[%swap3A_32, %swap3A_33] {strides = array<i32>} : memref<2x80xi32, #tpu.memory_space<vmem>>, vector<16xi32>,
    tpu.vector_store %arg9[%swap3A_32, %swap3A_33], %shift_right_logical3A_27 {strides = array<i32>} : memref<2x80xi32, #tpu.memory_space<vmem>>, vector<16xi32>,
    %get3A_35 = arith.constant 0 : i32
    %get3A_36 = arith.index_cast %get3A_35 : i32 to index
    %get3A_37 = arith.constant 16 : index
    %get3A_38 = tpu.vector_load %arg6[%get3A_36, %get3A_37] {strides = array<i32>} : memref<126x80xi32, #tpu.memory_space<vmem>>, vector<16xi32>,
    %and3A_39 = arith.constant 16383 : i32
    %and3A_40 = vector.broadcast %and3A_39 : i32 to vector<16xi32>
    %and3A_41 = arith.andi %get3A_38, %and3A_40 : vector<16xi32>
    %shift_right_logical3A_42 = arith.constant 14 : i32
    %shift_right_logical3A_43 = vector.broadcast %shift_right_logical3A_42 : i32 to vector<16xi32>
    %shift_right_logical3A_44 = arith.shrui %get3A_38, %shift_right_logical3A_43 : vector<16xi32>
    %swap3A_45 = arith.constant 0 : i32
    %swap3A_46 = arith.index_cast %swap3A_45 : i32 to index
    %swap3A_47 = arith.constant 16 : index
    %swap3A_48 = tpu.vector_load %arg8[%swap3A_46, %swap3A_47] {strides = array<i32>} : memref<2x80xi32, #tpu.memory_space<vmem>>, vector<16xi32>,
    tpu.vector_store %arg8[%swap3A_46, %swap3A_47], %and3A_41 {strides = array<i32>} : memref<2x80xi32, #tpu.memory_space<vmem>>, vector<16xi32>,
    %swap3A_49 = arith.constant 0 : i32
    %swap3A_50 = arith.index_cast %swap3A_49 : i32 to index
    %swap3A_51 = arith.constant 16 : index
    %swap3A_52 = tpu.vector_load %arg9[%swap3A_50, %swap3A_51] {strides = array<i32>} : memref<2x80xi32, #tpu.memory_space<vmem>>, vector<16xi32>,
    tpu.vector_store %arg9[%swap3A_50, %swap3A_51], %shift_right_logical3A_44 {strides = array<i32>} : memref<2x80xi32, #tpu.memory_space<vmem>>, vector<16xi32>,
    %get3A_53 = arith.constant 0 : i32
    %get3A_54 = arith.index_cast %get3A_53 : i32 to index
    %get3A_55 = arith.constant 32 : index
    %get3A_56 = tpu.vector_load %arg6[%get3A_54, %get3A_55] {strides = array<i32>} : memref<126x80xi32, #tpu.memory_space<vmem>>, vector<16xi32>,
    %and3A_57 = arith.constant 16383 : i32
    %and3A_58 = vector.broadcast %and3A_57 : i32 to vector<16xi32>
    %and3A_59 = arith.andi %get3A_56, %and3A_58 : vector<16xi32>
    %shift_right_logical3A_60 = arith.constant 14 : i32
    %shift_right_logical3A_61 = vector.broadcast %shift_right_logical3A_60 : i32 to vector<16xi32>
    %shift_right_logical3A_62 = arith.shrui %get3A_56, %shift_right_logical3A_61 : vector<16xi32>
    %swap3A_63 = arith.constant 0 : i32
    %swap3A_64 = arith.index_cast %swap3A_63 : i32 to index
    %swap3A_65 = arith.constant 32 : index
    %swap3A_66 = tpu.vector_load %arg8[%swap3A_64, %swap3A_65] {strides = array<i32>} : memref<2x80xi32, #tpu.memory_space<vmem>>, vector<16xi32>,
    tpu.vector_store %arg8[%swap3A_64, %swap3A_65], %and3A_59 {strides = array<i32>} : memref<2x80xi32, #tpu.memory_space<vmem>>, vector<16xi32>,
    %swap3A_67 = arith.constant 0 : i32
    %swap3A_68 = arith.index_cast %swap3A_67 : i32 to index
    %swap3A_69 = arith.constant 32 : index
    %swap3A_70 = tpu.vector_load %arg9[%swap3A_68, %swap3A_69] {strides = array<i32>} : memref<2x80xi32, #tpu.memory_space<vmem>>, vector<16xi32>,
    tpu.vector_store %arg9[%swap3A_68, %swap3A_69], %shift_right_logical3A_62 {strides = array<i32>} : memref<2x80xi32, #tpu.memory_space<vmem>>, vector<16xi32>,
    %get3A_71 = arith.constant 0 : i32
    %get3A_72 = arith.index_cast %get3A_71 : i32 to index
    %get3A_73 = arith.constant 48 : index
    %get3A_74 = tpu.vector_load %arg6[%get3A_72, %get3A_73] {strides = array<i32>} : memref<126x80xi32, #tpu.memory_space<vmem>>, vector<16xi32>,
    %and3A_75 = arith.constant 16383 : i32
    %and3A_76 = vector.broadcast %and3A_75 : i32 to vector<16xi32>
    %and3A_77 = arith.andi %get3A_74, %and3A_76 : vector<16xi32>
    %shift_right_logical3A_78 = arith.constant 14 : i32
    %shift_right_logical3A_79 = vector.broadcast %shift_right_logical3A_78 : i32 to vector<16xi32>
    %shift_right_logical3A_80 = arith.shrui %get3A_74, %shift_right_logical3A_79 : vector<16xi32>
    %swap3A_81 = arith.constant 0 : i32
    %swap3A_82 = arith.index_cast %swap3A_81 : i32 to index
    %swap3A_83 = arith.constant 48 : index
    %swap3A_84 = tpu.vector_load %arg8[%swap3A_82, %swap3A_83] {strides = array<i32>} : memref<2x80xi32, #tpu.memory_space<vmem>>, vector<16xi32>,
    tpu.vector_store %arg8[%swap3A_82, %swap3A_83], %and3A_77 {strides = array<i32>} : memref<2x80xi32, #tpu.memory_space<vmem>>, vector<16xi32>,
    %swap3A_85 = arith.constant 0 : i32
    %swap3A_86 = arith.index_cast %swap3A_85 : i32 to index
    %swap3A_87 = arith.constant 48 : index
    %swap3A_88 = tpu.vector_load %arg9[%swap3A_86, %swap3A_87] {strides = array<i32>} : memref<2x80xi32, #tpu.memory_space<vmem>>, vector<16xi32>,
    tpu.vector_store %arg9[%swap3A_86, %swap3A_87], %shift_right_logical3A_80 {strides = array<i32>} : memref<2x80xi32, #tpu.memory_space<vmem>>, vector<16xi32>,
    %get3A_89 = arith.constant 0 : i32
    %get3A_90 = arith.index_cast %get3A_89 : i32 to index
    %get3A_91 = arith.constant 64 : index
    %get3A_92 = tpu.vector_load %arg6[%get3A_90, %get3A_91] {strides = array<i32>} : memref<126x80xi32, #tpu.memory_space<vmem>>, vector<16xi32>,
    %and3A_93 = arith.constant 16383 : i32
    %and3A_94 = vector.broadcast %and3A_93 : i32 to vector<16xi32>
    %and3A_95 = arith.andi %get3A_92, %and3A_94 : vector<16xi32>
    %shift_right_logical3A_96 = arith.constant 14 : i32
    %shift_right_logical3A_97 = vector.broadcast %shift_right_logical3A_96 : i32 to vector<16xi32>
    %shift_right_logical3A_98 = arith.shrui %get3A_92, %shift_right_logical3A_97 : vector<16xi32>
    %swap3A_99 = arith.constant 0 : i32
    %swap3A_100 = arith.index_cast %swap3A_99 : i32 to index
    %swap3A_101 = arith.constant 64 : index
    %swap3A_102 = tpu.vector_load %arg8[%swap3A_100, %swap3A_101] {strides = array<i32>} : memref<2x80xi32, #tpu.memory_space<vmem>>, vector<16xi32>,
    tpu.vector_store %arg8[%swap3A_100, %swap3A_101], %and3A_95 {strides = array<i32>} : memref<2x80xi32, #tpu.memory_space<vmem>>, vector<16xi32>,
    %swap3A_103 = arith.constant 0 : i32
    %swap3A_104 = arith.index_cast %swap3A_103 : i32 to index
    %swap3A_105 = arith.constant 64 : index
    %swap3A_106 = tpu.vector_load %arg9[%swap3A_104, %swap3A_105] {strides = array<i32>} : memref<2x80xi32, #tpu.memory_space<vmem>>, vector<16xi32>,
    tpu.vector_store %arg9[%swap3A_104, %swap3A_105], %shift_right_logical3A_98 {strides = array<i32>} : memref<2x80xi32, #tpu.memory_space<vmem>>, vector<16xi32>,
    %dma_start3A = arith.constant 0 : i32
    %dma_start3A_107 = arith.constant 0 : i32
    %dma_start3A_108 = tpu.memref_slice %arg8[%dma_start3A, %dma_start3A_107] : memref<2x80xi32, #tpu.memory_space<vmem>> -> memref<1x80xi32, #tpu.memory_space<vmem>>
    %dma_start3A_109 = tpu.memref_squeeze %dma_start3A_108 : memref<1x80xi32, #tpu.memory_space<vmem>> -> memref<80xi32, #tpu.memory_space<vmem>>
    %dma_start3A_110 = arith.constant 0 : i32
    %dma_start3A_111 = arith.constant 0 : i32
    %dma_start3A_112 = tpu.memref_slice %arg4[%dma_start3A_110, %dma_start3A_111] : memref<10000x128xf32, #tpu.memory_space<hbm>> -> memref<10000x128xf32, #tpu.memory_space<hbm>>
    tpu.enqueue_indirect_dma source(%dma_start3A_112 : memref<10000x128xf32, #tpu.memory_space<hbm>>) target(%arg11 : memref<80x128xf32, #tpu.memory_space<vmem>>) offsets(%dma_start3A_109 : memref<80xi32, #tpu.memory_space<vmem>>) semaphore(%arg14 : memref<!tpu.dma_semaphore, #tpu.memory_space<semaphore_mem>>)
    %add3A = arith.constant 0 : i32
    %add3A_113 = arith.addi %select_n3A_7, %add3A : i32
    %dma_start3A_114 = arith.constant 0 : i32
    %dma_start3A_115 = arith.constant 0 : i32
    %dma_start3A_116 = tpu.memref_slice %arg7[%dma_start3A_114, %dma_start3A_115] : memref<2x80xf32, #tpu.memory_space<vmem>> -> memref<1x80xf32, #tpu.memory_space<vmem>>
    %dma_start3A_117 = arith.constant 0 : i32
    %dma_start3A_118 = tpu.memref_slice %arg3[%arg1, %add3A_113, %dma_start3A_117] : memref<16x250x80xf32, #tpu.memory_space<hbm>> -> memref<1x1x80xf32, #tpu.memory_space<hbm>>
    %dma_start3A_119 = tpu.memref_squeeze %dma_start3A_118 : memref<1x1x80xf32, #tpu.memory_space<hbm>> -> memref<1x80xf32, #tpu.memory_space<hbm>>
    %dma_start3A_120 = arith.constant 0 : i32
    %dma_start3A_121 = arith.constant 0 : i32
    %dma_start3A_122 = tpu.memref_slice %arg7[%dma_start3A_120, %dma_start3A_121] : memref<2x80xf32, #tpu.memory_space<vmem>> -> memref<1x80xf32, #tpu.memory_space<vmem>>
    %dma_start3A_123 = arith.constant 0 : i32
    %dma_start3A_124 = tpu.memref_slice %arg3[%arg1, %add3A_113, %dma_start3A_123] : memref<16x250x80xf32, #tpu.memory_space<hbm>> -> memref<1x1x80xf32, #tpu.memory_space<hbm>>
    %dma_start3A_125 = tpu.memref_squeeze %dma_start3A_124 : memref<1x1x80xf32, #tpu.memory_space<hbm>> -> memref<1x80xf32, #tpu.memory_space<hbm>>
    tpu.enqueue_dma source(%dma_start3A_125 : memref<1x80xf32, #tpu.memory_space<hbm>>) target(%dma_start3A_122 : memref<1x80xf32, #tpu.memory_space<vmem>>) target_semaphore(%arg16 : memref<!tpu.dma_semaphore, #tpu.memory_space<semaphore_mem>>)
    %get3A_126 = arith.constant 1 : i32
    %get3A_127 = arith.index_cast %get3A_126 : i32 to index
    %get3A_128 = arith.constant 0 : index
    %get3A_129 = tpu.vector_load %arg6[%get3A_127, %get3A_128] {strides = array<i32>} : memref<126x80xi32, #tpu.memory_space<vmem>>, vector<16xi32>,
    %and3A_130 = arith.constant 16383 : i32
    %and3A_131 = vector.broadcast %and3A_130 : i32 to vector<16xi32>
    %and3A_132 = arith.andi %get3A_129, %and3A_131 : vector<16xi32>
    %shift_right_logical3A_133 = arith.constant 14 : i32
    %shift_right_logical3A_134 = vector.broadcast %shift_right_logical3A_133 : i32 to vector<16xi32>
    %shift_right_logical3A_135 = arith.shrui %get3A_129, %shift_right_logical3A_134 : vector<16xi32>
    %swap3A_136 = arith.constant 1 : i32
    %swap3A_137 = arith.index_cast %swap3A_136 : i32 to index
    %swap3A_138 = arith.constant 0 : index
    %swap3A_139 = tpu.vector_load %arg8[%swap3A_137, %swap3A_138] {strides = array<i32>} : memref<2x80xi32, #tpu.memory_space<vmem>>, vector<16xi32>,
    tpu.vector_store %arg8[%swap3A_137, %swap3A_138], %and3A_132 {strides = array<i32>} : memref<2x80xi32, #tpu.memory_space<vmem>>, vector<16xi32>,
    %swap3A_140 = arith.constant 1 : i32
    %swap3A_141 = arith.index_cast %swap3A_140 : i32 to index
    %swap3A_142 = arith.constant 0 : index
    %swap3A_143 = tpu.vector_load %arg9[%swap3A_141, %swap3A_142] {strides = array<i32>} : memref<2x80xi32, #tpu.memory_space<vmem>>, vector<16xi32>,
    tpu.vector_store %arg9[%swap3A_141, %swap3A_142], %shift_right_logical3A_135 {strides = array<i32>} : memref<2x80xi32, #tpu.memory_space<vmem>>, vector<16xi32>,
    %get3A_144 = arith.constant 1 : i32
    %get3A_145 = arith.index_cast %get3A_144 : i32 to index
    %get3A_146 = arith.constant 16 : index
    %get3A_147 = tpu.vector_load %arg6[%get3A_145, %get3A_146] {strides = array<i32>} : memref<126x80xi32, #tpu.memory_space<vmem>>, vector<16xi32>,
    %and3A_148 = arith.constant 16383 : i32
    %and3A_149 = vector.broadcast %and3A_148 : i32 to vector<16xi32>
    %and3A_150 = arith.andi %get3A_147, %and3A_149 : vector<16xi32>
    %shift_right_logical3A_151 = arith.constant 14 : i32
    %shift_right_logical3A_152 = vector.broadcast %shift_right_logical3A_151 : i32 to vector<16xi32>
    %shift_right_logical3A_153 = arith.shrui %get3A_147, %shift_right_logical3A_152 : vector<16xi32>
    %swap3A_154 = arith.constant 1 : i32
    %swap3A_155 = arith.index_cast %swap3A_154 : i32 to index
    %swap3A_156 = arith.constant 16 : index
    %swap3A_157 = tpu.vector_load %arg8[%swap3A_155, %swap3A_156] {strides = array<i32>} : memref<2x80xi32, #tpu.memory_space<vmem>>, vector<16xi32>,
    tpu.vector_store %arg8[%swap3A_155, %swap3A_156], %and3A_150 {strides = array<i32>} : memref<2x80xi32, #tpu.memory_space<vmem>>, vector<16xi32>,
    %swap3A_158 = arith.constant 1 : i32
    %swap3A_159 = arith.index_cast %swap3A_158 : i32 to index
    %swap3A_160 = arith.constant 16 : index
    %swap3A_161 = tpu.vector_load %arg9[%swap3A_159, %swap3A_160] {strides = array<i32>} : memref<2x80xi32, #tpu.memory_space<vmem>>, vector<16xi32>,
    tpu.vector_store %arg9[%swap3A_159, %swap3A_160], %shift_right_logical3A_153 {strides = array<i32>} : memref<2x80xi32, #tpu.memory_space<vmem>>, vector<16xi32>,
    %get3A_162 = arith.constant 1 : i32
    %get3A_163 = arith.index_cast %get3A_162 : i32 to index
    %get3A_164 = arith.constant 32 : index
    %get3A_165 = tpu.vector_load %arg6[%get3A_163, %get3A_164] {strides = array<i32>} : memref<126x80xi32, #tpu.memory_space<vmem>>, vector<16xi32>,
    %and3A_166 = arith.constant 16383 : i32
    %and3A_167 = vector.broadcast %and3A_166 : i32 to vector<16xi32>
    %and3A_168 = arith.andi %get3A_165, %and3A_167 : vector<16xi32>
    %shift_right_logical3A_169 = arith.constant 14 : i32
    %shift_right_logical3A_170 = vector.broadcast %shift_right_logical3A_169 : i32 to vector<16xi32>
    %shift_right_logical3A_171 = arith.shrui %get3A_165, %shift_right_logical3A_170 : vector<16xi32>
    %swap3A_172 = arith.constant 1 : i32
    %swap3A_173 = arith.index_cast %swap3A_172 : i32 to index
    %swap3A_174 = arith.constant 32 : index
    %swap3A_175 = tpu.vector_load %arg8[%swap3A_173, %swap3A_174] {strides = array<i32>} : memref<2x80xi32, #tpu.memory_space<vmem>>, vector<16xi32>,
    tpu.vector_store %arg8[%swap3A_173, %swap3A_174], %and3A_168 {strides = array<i32>} : memref<2x80xi32, #tpu.memory_space<vmem>>, vector<16xi32>,
    %swap3A_176 = arith.constant 1 : i32
    %swap3A_177 = arith.index_cast %swap3A_176 : i32 to index
    %swap3A_178 = arith.constant 32 : index
    %swap3A_179 = tpu.vector_load %arg9[%swap3A_177, %swap3A_178] {strides = array<i32>} : memref<2x80xi32, #tpu.memory_space<vmem>>, vector<16xi32>,
    tpu.vector_store %arg9[%swap3A_177, %swap3A_178], %shift_right_logical3A_171 {strides = array<i32>} : memref<2x80xi32, #tpu.memory_space<vmem>>, vector<16xi32>,
    %get3A_180 = arith.constant 1 : i32
    %get3A_181 = arith.index_cast %get3A_180 : i32 to index
    %get3A_182 = arith.constant 48 : index
    %get3A_183 = tpu.vector_load %arg6[%get3A_181, %get3A_182] {strides = array<i32>} : memref<126x80xi32, #tpu.memory_space<vmem>>, vector<16xi32>,
    %and3A_184 = arith.constant 16383 : i32
    %and3A_185 = vector.broadcast %and3A_184 : i32 to vector<16xi32>
    %and3A_186 = arith.andi %get3A_183, %and3A_185 : vector<16xi32>
    %shift_right_logical3A_187 = arith.constant 14 : i32
    %shift_right_logical3A_188 = vector.broadcast %shift_right_logical3A_187 : i32 to vector<16xi32>
    %shift_right_logical3A_189 = arith.shrui %get3A_183, %shift_right_logical3A_188 : vector<16xi32>
    %swap3A_190 = arith.constant 1 : i32
    %swap3A_191 = arith.index_cast %swap3A_190 : i32 to index
    %swap3A_192 = arith.constant 48 : index
    %swap3A_193 = tpu.vector_load %arg8[%swap3A_191, %swap3A_192] {strides = array<i32>} : memref<2x80xi32, #tpu.memory_space<vmem>>, vector<16xi32>,
    tpu.vector_store %arg8[%swap3A_191, %swap3A_192], %and3A_186 {strides = array<i32>} : memref<2x80xi32, #tpu.memory_space<vmem>>, vector<16xi32>,
    %swap3A_194 = arith.constant 1 : i32
    %swap3A_195 = arith.index_cast %swap3A_194 : i32 to index
    %swap3A_196 = arith.constant 48 : index
    %swap3A_197 = tpu.vector_load %arg9[%swap3A_195, %swap3A_196] {strides = array<i32>} : memref<2x80xi32, #tpu.memory_space<vmem>>, vector<16xi32>,
    tpu.vector_store %arg9[%swap3A_195, %swap3A_196], %shift_right_logical3A_189 {strides = array<i32>} : memref<2x80xi32, #tpu.memory_space<vmem>>, vector<16xi32>,
    %get3A_198 = arith.constant 1 : i32
    %get3A_199 = arith.index_cast %get3A_198 : i32 to index
    %get3A_200 = arith.constant 64 : index
    %get3A_201 = tpu.vector_load %arg6[%get3A_199, %get3A_200] {strides = array<i32>} : memref<126x80xi32, #tpu.memory_space<vmem>>, vector<16xi32>,
    %and3A_202 = arith.constant 16383 : i32
    %and3A_203 = vector.broadcast %and3A_202 : i32 to vector<16xi32>
    %and3A_204 = arith.andi %get3A_201, %and3A_203 : vector<16xi32>
    %shift_right_logical3A_205 = arith.constant 14 : i32
    %shift_right_logical3A_206 = vector.broadcast %shift_right_logical3A_205 : i32 to vector<16xi32>
    %shift_right_logical3A_207 = arith.shrui %get3A_201, %shift_right_logical3A_206 : vector<16xi32>
    %swap3A_208 = arith.constant 1 : i32
    %swap3A_209 = arith.index_cast %swap3A_208 : i32 to index
    %swap3A_210 = arith.constant 64 : index
    %swap3A_211 = tpu.vector_load %arg8[%swap3A_209, %swap3A_210] {strides = array<i32>} : memref<2x80xi32, #tpu.memory_space<vmem>>, vector<16xi32>,
    tpu.vector_store %arg8[%swap3A_209, %swap3A_210], %and3A_204 {strides = array<i32>} : memref<2x80xi32, #tpu.memory_space<vmem>>, vector<16xi32>,
    %swap3A_212 = arith.constant 1 : i32
    %swap3A_213 = arith.index_cast %swap3A_212 : i32 to index
    %swap3A_214 = arith.constant 64 : index
    %swap3A_215 = tpu.vector_load %arg9[%swap3A_213, %swap3A_214] {strides = array<i32>} : memref<2x80xi32, #tpu.memory_space<vmem>>, vector<16xi32>,
    tpu.vector_store %arg9[%swap3A_213, %swap3A_214], %shift_right_logical3A_207 {strides = array<i32>} : memref<2x80xi32, #tpu.memory_space<vmem>>, vector<16xi32>,
    %dma_start3A_216 = arith.constant 1 : i32
    %dma_start3A_217 = arith.constant 0 : i32
    %dma_start3A_218 = tpu.memref_slice %arg8[%dma_start3A_216, %dma_start3A_217] : memref<2x80xi32, #tpu.memory_space<vmem>> -> memref<1x80xi32, #tpu.memory_space<vmem>>
    %dma_start3A_219 = tpu.memref_squeeze %dma_start3A_218 : memref<1x80xi32, #tpu.memory_space<vmem>> -> memref<80xi32, #tpu.memory_space<vmem>>
    %dma_start3A_220 = arith.constant 0 : i32
    %dma_start3A_221 = arith.constant 0 : i32
    %dma_start3A_222 = tpu.memref_slice %arg4[%dma_start3A_220, %dma_start3A_221] : memref<10000x128xf32, #tpu.memory_space<hbm>> -> memref<10000x128xf32, #tpu.memory_space<hbm>>
    tpu.enqueue_indirect_dma source(%dma_start3A_222 : memref<10000x128xf32, #tpu.memory_space<hbm>>) target(%arg12 : memref<80x128xf32, #tpu.memory_space<vmem>>) offsets(%dma_start3A_219 : memref<80xi32, #tpu.memory_space<vmem>>) semaphore(%arg15 : memref<!tpu.dma_semaphore, #tpu.memory_space<semaphore_mem>>)
    %add3A_223 = arith.constant 1 : i32
    %add3A_224 = arith.addi %select_n3A_7, %add3A_223 : i32
    %dma_start3A_225 = arith.constant 1 : i32
    %dma_start3A_226 = arith.constant 0 : i32
    %dma_start3A_227 = tpu.memref_slice %arg7[%dma_start3A_225, %dma_start3A_226] : memref<2x80xf32, #tpu.memory_space<vmem>> -> memref<1x80xf32, #tpu.memory_space<vmem>>
    %dma_start3A_228 = arith.constant 0 : i32
    %dma_start3A_229 = tpu.memref_slice %arg3[%arg1, %add3A_224, %dma_start3A_228] : memref<16x250x80xf32, #tpu.memory_space<hbm>> -> memref<1x1x80xf32, #tpu.memory_space<hbm>>
    %dma_start3A_230 = tpu.memref_squeeze %dma_start3A_229 : memref<1x1x80xf32, #tpu.memory_space<hbm>> -> memref<1x80xf32, #tpu.memory_space<hbm>>
    %dma_start3A_231 = arith.constant 1 : i32
    %dma_start3A_232 = arith.constant 0 : i32
    %dma_start3A_233 = tpu.memref_slice %arg7[%dma_start3A_231, %dma_start3A_232] : memref<2x80xf32, #tpu.memory_space<vmem>> -> memref<1x80xf32, #tpu.memory_space<vmem>>
    %dma_start3A_234 = arith.constant 0 : i32
    %dma_start3A_235 = tpu.memref_slice %arg3[%arg1, %add3A_224, %dma_start3A_234] : memref<16x250x80xf32, #tpu.memory_space<hbm>> -> memref<1x1x80xf32, #tpu.memory_space<hbm>>
    %dma_start3A_236 = tpu.memref_squeeze %dma_start3A_235 : memref<1x1x80xf32, #tpu.memory_space<hbm>> -> memref<1x80xf32, #tpu.memory_space<hbm>>
    tpu.enqueue_dma source(%dma_start3A_236 : memref<1x80xf32, #tpu.memory_space<hbm>>) target(%dma_start3A_233 : memref<1x80xf32, #tpu.memory_space<vmem>>) target_semaphore(%arg17 : memref<!tpu.dma_semaphore, #tpu.memory_space<semaphore_mem>>)
    %jit3A_237 = arith.constant 2 : i32
    %div3A = arith.divsi %select_n3A, %jit3A_237 : i32
    %sign3A = arith.constant 0 : i32
    %sign3A_238 = arith.cmpi sgt, %select_n3A, %sign3A : i32
    %sign3A_239 = arith.extui %sign3A_238 : i1 to i32
    %sign3A_240 = arith.constant 0 : i32
    %sign3A_241 = arith.cmpi slt, %select_n3A, %sign3A_240 : i32
    %sign3A_242 = arith.extui %sign3A_241 : i1 to i32
    %sign3A_243 = arith.subi %sign3A_239, %sign3A_242 : i32
    %sign3A_244 = arith.constant 0 : i32
    %sign3A_245 = arith.cmpi sgt, %jit3A_237, %sign3A_244 : i32
    %sign3A_246 = arith.extui %sign3A_245 : i1 to i32
    %sign3A_247 = arith.constant 0 : i32
    %sign3A_248 = arith.cmpi slt, %jit3A_237, %sign3A_247 : i32
    %sign3A_249 = arith.extui %sign3A_248 : i1 to i32
    %sign3A_250 = arith.subi %sign3A_246, %sign3A_249 : i32
    %ne3A = arith.cmpi ne, %sign3A_243, %sign3A_250 : i32
    %rem3A = arith.remsi %select_n3A, %jit3A_237 : i32
    %ne3A_251 = arith.constant 0 : i32
    %ne3A_252 = arith.cmpi ne, %rem3A, %ne3A_251 : i32
    %and3A_253 = arith.andi %ne3A, %ne3A_252 : i1
    %sub3A = arith.constant 1 : i32
    %sub3A_254 = arith.subi %div3A, %sub3A : i32
    %select_n3A_255 = arith.select %and3A_253, %sub3A_254, %div3A : i32
    %while3A = arith.constant 0 : i32
    %while3A_256 = arith.constant 0 : i32
    %while3A_257 = arith.subi %select_n3A_255, %while3A : i32
    %while3A_258 = arith.addi %while3A, %while3A_257 : i32
    %while3A_259 = arith.constant 1 : i32
    %while3A_260 = arith.divsi %while3A_257, %while3A_259 : i32
    %while3A_261 = arith.muli %while3A_260, %while3A_259 : i32
    %while3A_262 = arith.addi %while3A, %while3A_261 : i32
    %while3A_263 = arith.constant 1 : i32
    %while3A_264 = scf.for %while3A_275 = %while3A to %while3A_262 step %while3A_263 iter_args(%while3A_276 = %while3A_256) -> (i32)  : i32 {
      %mul3A_277 = arith.constant 2 : i32
      %mul3A_278 = arith.muli %while3A_275, %mul3A_277 : i32
      %add3A_279 = arith.constant 0 : i32
      %add3A_280 = arith.addi %mul3A_278, %add3A_279 : i32
      %dma_wait3A = arith.constant 0 : i32
      %dma_wait3A_281 = arith.constant 0 : i32
      %dma_wait3A_282 = tpu.memref_slice %arg8[%dma_wait3A, %dma_wait3A_281] : memref<2x80xi32, #tpu.memory_space<vmem>> -> memref<1x80xi32, #tpu.memory_space<vmem>>
      %dma_wait3A_283 = tpu.memref_squeeze %dma_wait3A_282 : memref<1x80xi32, #tpu.memory_space<vmem>> -> memref<80xi32, #tpu.memory_space<vmem>>
      %dma_wait3A_284 = arith.constant 0 : i32
      %dma_wait3A_285 = arith.constant 0 : i32
      %dma_wait3A_286 = tpu.memref_slice %arg4[%dma_wait3A_284, %dma_wait3A_285] : memref<10000x128xf32, #tpu.memory_space<hbm>> -> memref<10000x128xf32, #tpu.memory_space<hbm>>
      tpu.wait_indirect_dma semaphore(%arg14 : memref<!tpu.dma_semaphore, #tpu.memory_space<semaphore_mem>>) src(%dma_wait3A_286 : memref<10000x128xf32, #tpu.memory_space<hbm>>) dst(%arg11 : memref<80x128xf32, #tpu.memory_space<vmem>>)
      %add3A_287 = arith.addi %select_n3A_7, %add3A_280 : i32
      %dma_wait3A_288 = arith.constant 0 : i32
      %dma_wait3A_289 = arith.constant 0 : i32
      %dma_wait3A_290 = tpu.memref_slice %arg7[%dma_wait3A_288, %dma_wait3A_289] : memref<2x80xf32, #tpu.memory_space<vmem>> -> memref<1x80xf32, #tpu.memory_space<vmem>>
      %dma_wait3A_291 = arith.constant 0 : i32
      %dma_wait3A_292 = tpu.memref_slice %arg3[%arg1, %add3A_287, %dma_wait3A_291] : memref<16x250x80xf32, #tpu.memory_space<hbm>> -> memref<1x1x80xf32, #tpu.memory_space<hbm>>
      %dma_wait3A_293 = tpu.memref_squeeze %dma_wait3A_292 : memref<1x1x80xf32, #tpu.memory_space<hbm>> -> memref<1x80xf32, #tpu.memory_space<hbm>>
      %dma_wait3A_294 = arith.constant 0 : i32
      %dma_wait3A_295 = arith.constant 0 : i32
      %dma_wait3A_296 = tpu.memref_slice %arg7[%dma_wait3A_294, %dma_wait3A_295] : memref<2x80xf32, #tpu.memory_space<vmem>> -> memref<1x80xf32, #tpu.memory_space<vmem>>
      %dma_wait3A_297 = arith.constant 0 : i32
      %dma_wait3A_298 = tpu.memref_slice %arg3[%arg1, %add3A_287, %dma_wait3A_297] : memref<16x250x80xf32, #tpu.memory_space<hbm>> -> memref<1x1x80xf32, #tpu.memory_space<hbm>>
      %dma_wait3A_299 = tpu.memref_squeeze %dma_wait3A_298 : memref<1x1x80xf32, #tpu.memory_space<hbm>> -> memref<1x80xf32, #tpu.memory_space<hbm>>
      tpu.wait_dma2 semaphore(%arg16 : memref<!tpu.dma_semaphore, #tpu.memory_space<semaphore_mem>>) src(%dma_wait3A_299 : memref<1x80xf32, #tpu.memory_space<hbm>>) dst(%dma_wait3A_296 : memref<1x80xf32, #tpu.memory_space<vmem>>)
      %get3A_300 = arith.constant 0 : i32
      %get3A_301 = arith.index_cast %get3A_300 : i32 to index
      %get3A_302 = arith.constant 0 : index
      %get3A_303 = tpu.vector_load %arg8[%get3A_301, %get3A_302] {strides = array<i32>} : memref<2x80xi32, #tpu.memory_space<vmem>>, vector<16xi32>,
      %get3A_304 = arith.constant 0 : i32
      %get3A_305 = arith.index_cast %get3A_304 : i32 to index
      %get3A_306 = arith.constant 0 : index
      %get3A_307 = tpu.vector_load %arg9[%get3A_305, %get3A_306] {strides = array<i32>} : memref<2x80xi32, #tpu.memory_space<vmem>>, vector<16xi32>,
      %get3A_308 = arith.constant 0 : i32
      %get3A_309 = arith.index_cast %get3A_308 : i32 to index
      %get3A_310 = arith.constant 0 : index
      %get3A_311 = tpu.vector_load %arg7[%get3A_309, %get3A_310] {strides = array<i32>} : memref<2x80xf32, #tpu.memory_space<vmem>>, vector<16xf32>,
      %ne3A_312 = arith.cmpi ne, %get3A_303, %get3A_307 : vector<16xi32>
      %jit3A_313 = arith.constant 0.000000e+00 : f32
      %broadcast_in_dim3A = vector.broadcast %jit3A_313 : f32 to vector<16xf32>
      %select_n3A_314 = arith.select %ne3A_312, %get3A_311, %broadcast_in_dim3A : vector<16xi1>, vector<16xf32>
      %swap3A_315 = arith.constant 0 : i32
      %swap3A_316 = arith.index_cast %swap3A_315 : i32 to index
      %swap3A_317 = arith.constant 0 : index
      %swap3A_318 = tpu.vector_load %arg10[%swap3A_316, %swap3A_317] {strides = array<i32>} : memref<2x80xf32, #tpu.memory_space<vmem>>, vector<16xf32>,
      tpu.vector_store %arg10[%swap3A_316, %swap3A_317], %select_n3A_314 {strides = array<i32>} : memref<2x80xf32, #tpu.memory_space<vmem>>, vector<16xf32>,
      %get3A_319 = arith.constant 0 : i32
      %get3A_320 = arith.index_cast %get3A_319 : i32 to index
      %get3A_321 = arith.constant 16 : index
      %get3A_322 = tpu.vector_load %arg8[%get3A_320, %get3A_321] {strides = array<i32>} : memref<2x80xi32, #tpu.memory_space<vmem>>, vector<16xi32>,
      %get3A_323 = arith.constant 0 : i32
      %get3A_324 = arith.index_cast %get3A_323 : i32 to index
      %get3A_325 = arith.constant 16 : index
      %get3A_326 = tpu.vector_load %arg9[%get3A_324, %get3A_325] {strides = array<i32>} : memref<2x80xi32, #tpu.memory_space<vmem>>, vector<16xi32>,
      %get3A_327 = arith.constant 0 : i32
      %get3A_328 = arith.index_cast %get3A_327 : i32 to index
      %get3A_329 = arith.constant 16 : index
      %get3A_330 = tpu.vector_load %arg7[%get3A_328, %get3A_329] {strides = array<i32>} : memref<2x80xf32, #tpu.memory_space<vmem>>, vector<16xf32>,
      %ne3A_331 = arith.cmpi ne, %get3A_322, %get3A_326 : vector<16xi32>
      %jit3A_332 = arith.constant 0.000000e+00 : f32
      %broadcast_in_dim3A_333 = vector.broadcast %jit3A_332 : f32 to vector<16xf32>
      %select_n3A_334 = arith.select %ne3A_331, %get3A_330, %broadcast_in_dim3A_333 : vector<16xi1>, vector<16xf32>
      %swap3A_335 = arith.constant 0 : i32
      %swap3A_336 = arith.index_cast %swap3A_335 : i32 to index
      %swap3A_337 = arith.constant 16 : index
      %swap3A_338 = tpu.vector_load %arg10[%swap3A_336, %swap3A_337] {strides = array<i32>} : memref<2x80xf32, #tpu.memory_space<vmem>>, vector<16xf32>,
      tpu.vector_store %arg10[%swap3A_336, %swap3A_337], %select_n3A_334 {strides = array<i32>} : memref<2x80xf32, #tpu.memory_space<vmem>>, vector<16xf32>,
      %get3A_339 = arith.constant 0 : i32
      %get3A_340 = arith.index_cast %get3A_339 : i32 to index
      %get3A_341 = arith.constant 32 : index
      %get3A_342 = tpu.vector_load %arg8[%get3A_340, %get3A_341] {strides = array<i32>} : memref<2x80xi32, #tpu.memory_space<vmem>>, vector<16xi32>,
      %get3A_343 = arith.constant 0 : i32
      %get3A_344 = arith.index_cast %get3A_343 : i32 to index
      %get3A_345 = arith.constant 32 : index
      %get3A_346 = tpu.vector_load %arg9[%get3A_344, %get3A_345] {strides = array<i32>} : memref<2x80xi32, #tpu.memory_space<vmem>>, vector<16xi32>,
      %get3A_347 = arith.constant 0 : i32
      %get3A_348 = arith.index_cast %get3A_347 : i32 to index
      %get3A_349 = arith.constant 32 : index
      %get3A_350 = tpu.vector_load %arg7[%get3A_348, %get3A_349] {strides = array<i32>} : memref<2x80xf32, #tpu.memory_space<vmem>>, vector<16xf32>,
      %ne3A_351 = arith.cmpi ne, %get3A_342, %get3A_346 : vector<16xi32>
      %jit3A_352 = arith.constant 0.000000e+00 : f32
      %broadcast_in_dim3A_353 = vector.broadcast %jit3A_352 : f32 to vector<16xf32>
      %select_n3A_354 = arith.select %ne3A_351, %get3A_350, %broadcast_in_dim3A_353 : vector<16xi1>, vector<16xf32>
      %swap3A_355 = arith.constant 0 : i32
      %swap3A_356 = arith.index_cast %swap3A_355 : i32 to index
      %swap3A_357 = arith.constant 32 : index
      %swap3A_358 = tpu.vector_load %arg10[%swap3A_356, %swap3A_357] {strides = array<i32>} : memref<2x80xf32, #tpu.memory_space<vmem>>, vector<16xf32>,
      tpu.vector_store %arg10[%swap3A_356, %swap3A_357], %select_n3A_354 {strides = array<i32>} : memref<2x80xf32, #tpu.memory_space<vmem>>, vector<16xf32>,
      %get3A_359 = arith.constant 0 : i32
      %get3A_360 = arith.index_cast %get3A_359 : i32 to index
      %get3A_361 = arith.constant 48 : index
      %get3A_362 = tpu.vector_load %arg8[%get3A_360, %get3A_361] {strides = array<i32>} : memref<2x80xi32, #tpu.memory_space<vmem>>, vector<16xi32>,
      %get3A_363 = arith.constant 0 : i32
      %get3A_364 = arith.index_cast %get3A_363 : i32 to index
      %get3A_365 = arith.constant 48 : index
      %get3A_366 = tpu.vector_load %arg9[%get3A_364, %get3A_365] {strides = array<i32>} : memref<2x80xi32, #tpu.memory_space<vmem>>, vector<16xi32>,
      %get3A_367 = arith.constant 0 : i32
      %get3A_368 = arith.index_cast %get3A_367 : i32 to index
      %get3A_369 = arith.constant 48 : index
      %get3A_370 = tpu.vector_load %arg7[%get3A_368, %get3A_369] {strides = array<i32>} : memref<2x80xf32, #tpu.memory_space<vmem>>, vector<16xf32>,
      %ne3A_371 = arith.cmpi ne, %get3A_362, %get3A_366 : vector<16xi32>
      %jit3A_372 = arith.constant 0.000000e+00 : f32
      %broadcast_in_dim3A_373 = vector.broadcast %jit3A_372 : f32 to vector<16xf32>
      %select_n3A_374 = arith.select %ne3A_371, %get3A_370, %broadcast_in_dim3A_373 : vector<16xi1>, vector<16xf32>
      %swap3A_375 = arith.constant 0 : i32
      %swap3A_376 = arith.index_cast %swap3A_375 : i32 to index
      %swap3A_377 = arith.constant 48 : index
      %swap3A_378 = tpu.vector_load %arg10[%swap3A_376, %swap3A_377] {strides = array<i32>} : memref<2x80xf32, #tpu.memory_space<vmem>>, vector<16xf32>,
      tpu.vector_store %arg10[%swap3A_376, %swap3A_377], %select_n3A_374 {strides = array<i32>} : memref<2x80xf32, #tpu.memory_space<vmem>>, vector<16xf32>,
      %get3A_379 = arith.constant 0 : i32
      %get3A_380 = arith.index_cast %get3A_379 : i32 to index
      %get3A_381 = arith.constant 64 : index
      %get3A_382 = tpu.vector_load %arg8[%get3A_380, %get3A_381] {strides = array<i32>} : memref<2x80xi32, #tpu.memory_space<vmem>>, vector<16xi32>,
      %get3A_383 = arith.constant 0 : i32
      %get3A_384 = arith.index_cast %get3A_383 : i32 to index
      %get3A_385 = arith.constant 64 : index
      %get3A_386 = tpu.vector_load %arg9[%get3A_384, %get3A_385] {strides = array<i32>} : memref<2x80xi32, #tpu.memory_space<vmem>>, vector<16xi32>,
      %get3A_387 = arith.constant 0 : i32
      %get3A_388 = arith.index_cast %get3A_387 : i32 to index
      %get3A_389 = arith.constant 64 : index
      %get3A_390 = tpu.vector_load %arg7[%get3A_388, %get3A_389] {strides = array<i32>} : memref<2x80xf32, #tpu.memory_space<vmem>>, vector<16xf32>,
      %ne3A_391 = arith.cmpi ne, %get3A_382, %get3A_386 : vector<16xi32>
      %jit3A_392 = arith.constant 0.000000e+00 : f32
      %broadcast_in_dim3A_393 = vector.broadcast %jit3A_392 : f32 to vector<16xf32>
      %select_n3A_394 = arith.select %ne3A_391, %get3A_390, %broadcast_in_dim3A_393 : vector<16xi1>, vector<16xf32>
      %swap3A_395 = arith.constant 0 : i32
      %swap3A_396 = arith.index_cast %swap3A_395 : i32 to index
      %swap3A_397 = arith.constant 64 : index
      %swap3A_398 = tpu.vector_load %arg10[%swap3A_396, %swap3A_397] {strides = array<i32>} : memref<2x80xf32, #tpu.memory_space<vmem>>, vector<16xf32>,
      tpu.vector_store %arg10[%swap3A_396, %swap3A_397], %select_n3A_394 {strides = array<i32>} : memref<2x80xf32, #tpu.memory_space<vmem>>, vector<16xf32>,
      %scan3A_399 = arith.constant 0 : i32
      %scan3A_400 = arith.constant 0 : i32
      %scan3A_401 = arith.constant 80 : i32
      %scan3A_402 = arith.addi %scan3A_400, %scan3A_401 : i32
      %scan3A_403 = arith.constant 1 : i32
      %scan3A_404 = scf.for %scan3A_548 = %scan3A_400 to %scan3A_402 step %scan3A_403 iter_args(%scan3A_549 = %scan3A_399) -> (i32)  : i32 {
        %broadcast_in_dim3A_550 = arith.constant 0 : i32
        %broadcast_in_dim3A_551 = vector.broadcast %broadcast_in_dim3A_550 : i32 to vector<16xi32>
        %broadcast_in_dim3A_552 = vector.broadcast %scan3A_548 : i32 to vector<16xi32>
        %gather3A = tpu.vector_load_idx %arg10[%broadcast_in_dim3A_551, %broadcast_in_dim3A_552] : memref<2x80xf32, #tpu.memory_space<vmem>>[vector<16xi32>, vector<16xi32>], vector<16xf32>,
        %get3A_553 = arith.index_cast %scan3A_548 : i32 to index
        %get3A_554 = arith.constant 0 : index
        %get3A_555 = tpu.vector_load %arg11[%get3A_553, %get3A_554] {strides = array<i32>} : memref<80x128xf32, #tpu.memory_space<vmem>>, vector<16xf32>,
        %mul3A_556 = arith.mulf %get3A_555, %gather3A : vector<16xf32>
        %swap3A_557 = arith.index_cast %scan3A_548 : i32 to index
        %swap3A_558 = arith.constant 0 : index
        %swap3A_559 = tpu.vector_load %arg11[%swap3A_557, %swap3A_558] {strides = array<i32>} : memref<80x128xf32, #tpu.memory_space<vmem>>, vector<16xf32>,
        tpu.vector_store %arg11[%swap3A_557, %swap3A_558], %mul3A_556 {strides = array<i32>} : memref<80x128xf32, #tpu.memory_space<vmem>>, vector<16xf32>,
        %get3A_560 = arith.index_cast %scan3A_548 : i32 to index
        %get3A_561 = arith.constant 16 : index
        %get3A_562 = tpu.vector_load %arg11[%get3A_560, %get3A_561] {strides = array<i32>} : memref<80x128xf32, #tpu.memory_space<vmem>>, vector<16xf32>,
        %mul3A_563 = arith.mulf %get3A_562, %gather3A : vector<16xf32>
        %swap3A_564 = arith.index_cast %scan3A_548 : i32 to index
        %swap3A_565 = arith.constant 16 : index
        %swap3A_566 = tpu.vector_load %arg11[%swap3A_564, %swap3A_565] {strides = array<i32>} : memref<80x128xf32, #tpu.memory_space<vmem>>, vector<16xf32>,
        tpu.vector_store %arg11[%swap3A_564, %swap3A_565], %mul3A_563 {strides = array<i32>} : memref<80x128xf32, #tpu.memory_space<vmem>>, vector<16xf32>,
        %get3A_567 = arith.index_cast %scan3A_548 : i32 to index
        %get3A_568 = arith.constant 32 : index
        %get3A_569 = tpu.vector_load %arg11[%get3A_567, %get3A_568] {strides = array<i32>} : memref<80x128xf32, #tpu.memory_space<vmem>>, vector<16xf32>,
        %mul3A_570 = arith.mulf %get3A_569, %gather3A : vector<16xf32>
        %swap3A_571 = arith.index_cast %scan3A_548 : i32 to index
        %swap3A_572 = arith.constant 32 : index
        %swap3A_573 = tpu.vector_load %arg11[%swap3A_571, %swap3A_572] {strides = array<i32>} : memref<80x128xf32, #tpu.memory_space<vmem>>, vector<16xf32>,
        tpu.vector_store %arg11[%swap3A_571, %swap3A_572], %mul3A_570 {strides = array<i32>} : memref<80x128xf32, #tpu.memory_space<vmem>>, vector<16xf32>,
        %get3A_574 = arith.index_cast %scan3A_548 : i32 to index
        %get3A_575 = arith.constant 48 : index
        %get3A_576 = tpu.vector_load %arg11[%get3A_574, %get3A_575] {strides = array<i32>} : memref<80x128xf32, #tpu.memory_space<vmem>>, vector<16xf32>,
        %mul3A_577 = arith.mulf %get3A_576, %gather3A : vector<16xf32>
        %swap3A_578 = arith.index_cast %scan3A_548 : i32 to index
        %swap3A_579 = arith.constant 48 : index
        %swap3A_580 = tpu.vector_load %arg11[%swap3A_578, %swap3A_579] {strides = array<i32>} : memref<80x128xf32, #tpu.memory_space<vmem>>, vector<16xf32>,
        tpu.vector_store %arg11[%swap3A_578, %swap3A_579], %mul3A_577 {strides = array<i32>} : memref<80x128xf32, #tpu.memory_space<vmem>>, vector<16xf32>,
        %get3A_581 = arith.index_cast %scan3A_548 : i32 to index
        %get3A_582 = arith.constant 64 : index
        %get3A_583 = tpu.vector_load %arg11[%get3A_581, %get3A_582] {strides = array<i32>} : memref<80x128xf32, #tpu.memory_space<vmem>>, vector<16xf32>,
        %mul3A_584 = arith.mulf %get3A_583, %gather3A : vector<16xf32>
        %swap3A_585 = arith.index_cast %scan3A_548 : i32 to index
        %swap3A_586 = arith.constant 64 : index
        %swap3A_587 = tpu.vector_load %arg11[%swap3A_585, %swap3A_586] {strides = array<i32>} : memref<80x128xf32, #tpu.memory_space<vmem>>, vector<16xf32>,
        tpu.vector_store %arg11[%swap3A_585, %swap3A_586], %mul3A_584 {strides = array<i32>} : memref<80x128xf32, #tpu.memory_space<vmem>>, vector<16xf32>,
        %get3A_588 = arith.index_cast %scan3A_548 : i32 to index
        %get3A_589 = arith.constant 80 : index
        %get3A_590 = tpu.vector_load %arg11[%get3A_588, %get3A_589] {strides = array<i32>} : memref<80x128xf32, #tpu.memory_space<vmem>>, vector<16xf32>,
        %mul3A_591 = arith.mulf %get3A_590, %gather3A : vector<16xf32>
        %swap3A_592 = arith.index_cast %scan3A_548 : i32 to index
        %swap3A_593 = arith.constant 80 : index
        %swap3A_594 = tpu.vector_load %arg11[%swap3A_592, %swap3A_593] {strides = array<i32>} : memref<80x128xf32, #tpu.memory_space<vmem>>, vector<16xf32>,
        tpu.vector_store %arg11[%swap3A_592, %swap3A_593], %mul3A_591 {strides = array<i32>} : memref<80x128xf32, #tpu.memory_space<vmem>>, vector<16xf32>,
        %get3A_595 = arith.index_cast %scan3A_548 : i32 to index
        %get3A_596 = arith.constant 96 : index
        %get3A_597 = tpu.vector_load %arg11[%get3A_595, %get3A_596] {strides = array<i32>} : memref<80x128xf32, #tpu.memory_space<vmem>>, vector<16xf32>,
        %mul3A_598 = arith.mulf %get3A_597, %gather3A : vector<16xf32>
        %swap3A_599 = arith.index_cast %scan3A_548 : i32 to index
        %swap3A_600 = arith.constant 96 : index
        %swap3A_601 = tpu.vector_load %arg11[%swap3A_599, %swap3A_600] {strides = array<i32>} : memref<80x128xf32, #tpu.memory_space<vmem>>, vector<16xf32>,
        tpu.vector_store %arg11[%swap3A_599, %swap3A_600], %mul3A_598 {strides = array<i32>} : memref<80x128xf32, #tpu.memory_space<vmem>>, vector<16xf32>,
        %get3A_602 = arith.index_cast %scan3A_548 : i32 to index
        %get3A_603 = arith.constant 112 : index
        %get3A_604 = tpu.vector_load %arg11[%get3A_602, %get3A_603] {strides = array<i32>} : memref<80x128xf32, #tpu.memory_space<vmem>>, vector<16xf32>,
        %mul3A_605 = arith.mulf %get3A_604, %gather3A : vector<16xf32>
        %swap3A_606 = arith.index_cast %scan3A_548 : i32 to index
        %swap3A_607 = arith.constant 112 : index
        %swap3A_608 = tpu.vector_load %arg11[%swap3A_606, %swap3A_607] {strides = array<i32>} : memref<80x128xf32, #tpu.memory_space<vmem>>, vector<16xf32>,
        tpu.vector_store %arg11[%swap3A_606, %swap3A_607], %mul3A_605 {strides = array<i32>} : memref<80x128xf32, #tpu.memory_space<vmem>>, vector<16xf32>,
        %scan3A_609 = arith.constant 0 : i32
        scf.yield %scan3A_609 : i32
      }
      %scan3A_405 = arith.constant 80 : i32
      %run_scoped3A = arith.constant 0 : i32
      "tpu.region"() ({
        %run_scoped3A_548 = tpu.sem_alloc : memref<!tpu.dma_semaphore, #tpu.memory_space<semaphore_mem>>
        %dma_start3A_549 = arith.constant 0 : i32
        %dma_start3A_550 = tpu.memref_slice %arg9[%run_scoped3A, %dma_start3A_549] : memref<2x80xi32, #tpu.memory_space<vmem>> -> memref<1x80xi32, #tpu.memory_space<vmem>>
        %dma_start3A_551 = tpu.memref_squeeze %dma_start3A_550 : memref<1x80xi32, #tpu.memory_space<vmem>> -> memref<80xi32, #tpu.memory_space<vmem>>
        %dma_start3A_552 = arith.constant 0 : i32
        %dma_start3A_553 = arith.constant 0 : i32
        %dma_start3A_554 = tpu.memref_slice %arg13[%dma_start3A_552, %dma_start3A_553] : memref<10240x128xf32, #tpu.memory_space<vmem_shared>> -> memref<10240x128xf32, #tpu.memory_space<vmem_shared>>
        tpu.enqueue_indirect_dma source(%arg11 : memref<80x128xf32, #tpu.memory_space<vmem>>) target(%dma_start3A_554 : memref<10240x128xf32, #tpu.memory_space<vmem_shared>>) offsets(%dma_start3A_551 : memref<80xi32, #tpu.memory_space<vmem>>) semaphore(%run_scoped3A_548 : memref<!tpu.dma_semaphore, #tpu.memory_space<semaphore_mem>>) {add = true}
        %dma_wait3A_555 = arith.constant 0 : i32
        %dma_wait3A_556 = tpu.memref_slice %arg9[%run_scoped3A, %dma_wait3A_555] : memref<2x80xi32, #tpu.memory_space<vmem>> -> memref<1x80xi32, #tpu.memory_space<vmem>>
        %dma_wait3A_557 = tpu.memref_squeeze %dma_wait3A_556 : memref<1x80xi32, #tpu.memory_space<vmem>> -> memref<80xi32, #tpu.memory_space<vmem>>
        %dma_wait3A_558 = arith.constant 0 : i32
        %dma_wait3A_559 = arith.constant 0 : i32
        %dma_wait3A_560 = tpu.memref_slice %arg13[%dma_wait3A_558, %dma_wait3A_559] : memref<10240x128xf32, #tpu.memory_space<vmem_shared>> -> memref<10240x128xf32, #tpu.memory_space<vmem_shared>>
        tpu.wait_indirect_dma semaphore(%run_scoped3A_548 : memref<!tpu.dma_semaphore, #tpu.memory_space<semaphore_mem>>) src(%arg11 : memref<80x128xf32, #tpu.memory_space<vmem>>) dst(%dma_wait3A_560 : memref<10240x128xf32, #tpu.memory_space<vmem_shared>>)
        tpu.yield
      }) : () -> ()
      %add3A_406 = arith.constant 2 : i32
      %add3A_407 = arith.addi %add3A_280, %add3A_406 : i32
      %lt3A = arith.cmpi slt, %add3A_407, %select_n3A : i32
      %convert_element_type3A = arith.extui %lt3A : i1 to i32
      %cond3A = arith.constant 0 : i32
      %cond3A_408 = arith.cmpi ne, %convert_element_type3A, %cond3A : i32
      scf.if %cond3A_408 {
        %add3A_548 = arith.constant 2 : i32
        %add3A_549 = arith.addi %add3A_280, %add3A_548 : i32
        %get3A_550 = arith.index_cast %add3A_549 : i32 to index
        %get3A_551 = arith.constant 0 : index
        %get3A_552 = tpu.vector_load %arg6[%get3A_550, %get3A_551] {strides = array<i32>} : memref<126x80xi32, #tpu.memory_space<vmem>>, vector<16xi32>,
        %and3A_553 = arith.constant 16383 : i32
        %and3A_554 = vector.broadcast %and3A_553 : i32 to vector<16xi32>
        %and3A_555 = arith.andi %get3A_552, %and3A_554 : vector<16xi32>
        %shift_right_logical3A_556 = arith.constant 14 : i32
        %shift_right_logical3A_557 = vector.broadcast %shift_right_logical3A_556 : i32 to vector<16xi32>
        %shift_right_logical3A_558 = arith.shrui %get3A_552, %shift_right_logical3A_557 : vector<16xi32>
        %swap3A_559 = arith.constant 0 : i32
        %swap3A_560 = arith.index_cast %swap3A_559 : i32 to index
        %swap3A_561 = arith.constant 0 : index
        %swap3A_562 = tpu.vector_load %arg8[%swap3A_560, %swap3A_561] {strides = array<i32>} : memref<2x80xi32, #tpu.memory_space<vmem>>, vector<16xi32>,
        tpu.vector_store %arg8[%swap3A_560, %swap3A_561], %and3A_555 {strides = array<i32>} : memref<2x80xi32, #tpu.memory_space<vmem>>, vector<16xi32>,
        %swap3A_563 = arith.constant 0 : i32
        %swap3A_564 = arith.index_cast %swap3A_563 : i32 to index
        %swap3A_565 = arith.constant 0 : index
        %swap3A_566 = tpu.vector_load %arg9[%swap3A_564, %swap3A_565] {strides = array<i32>} : memref<2x80xi32, #tpu.memory_space<vmem>>, vector<16xi32>,
        tpu.vector_store %arg9[%swap3A_564, %swap3A_565], %shift_right_logical3A_558 {strides = array<i32>} : memref<2x80xi32, #tpu.memory_space<vmem>>, vector<16xi32>,
        %get3A_567 = arith.index_cast %add3A_549 : i32 to index
        %get3A_568 = arith.constant 16 : index
        %get3A_569 = tpu.vector_load %arg6[%get3A_567, %get3A_568] {strides = array<i32>} : memref<126x80xi32, #tpu.memory_space<vmem>>, vector<16xi32>,
        %and3A_570 = arith.constant 16383 : i32
        %and3A_571 = vector.broadcast %and3A_570 : i32 to vector<16xi32>
        %and3A_572 = arith.andi %get3A_569, %and3A_571 : vector<16xi32>
        %shift_right_logical3A_573 = arith.constant 14 : i32
        %shift_right_logical3A_574 = vector.broadcast %shift_right_logical3A_573 : i32 to vector<16xi32>
        %shift_right_logical3A_575 = arith.shrui %get3A_569, %shift_right_logical3A_574 : vector<16xi32>
        %swap3A_576 = arith.constant 0 : i32
        %swap3A_577 = arith.index_cast %swap3A_576 : i32 to index
        %swap3A_578 = arith.constant 16 : index
        %swap3A_579 = tpu.vector_load %arg8[%swap3A_577, %swap3A_578] {strides = array<i32>} : memref<2x80xi32, #tpu.memory_space<vmem>>, vector<16xi32>,
        tpu.vector_store %arg8[%swap3A_577, %swap3A_578], %and3A_572 {strides = array<i32>} : memref<2x80xi32, #tpu.memory_space<vmem>>, vector<16xi32>,
        %swap3A_580 = arith.constant 0 : i32
        %swap3A_581 = arith.index_cast %swap3A_580 : i32 to index
        %swap3A_582 = arith.constant 16 : index
        %swap3A_583 = tpu.vector_load %arg9[%swap3A_581, %swap3A_582] {strides = array<i32>} : memref<2x80xi32, #tpu.memory_space<vmem>>, vector<16xi32>,
        tpu.vector_store %arg9[%swap3A_581, %swap3A_582], %shift_right_logical3A_575 {strides = array<i32>} : memref<2x80xi32, #tpu.memory_space<vmem>>, vector<16xi32>,
        %get3A_584 = arith.index_cast %add3A_549 : i32 to index
        %get3A_585 = arith.constant 32 : index
        %get3A_586 = tpu.vector_load %arg6[%get3A_584, %get3A_585] {strides = array<i32>} : memref<126x80xi32, #tpu.memory_space<vmem>>, vector<16xi32>,
        %and3A_587 = arith.constant 16383 : i32
        %and3A_588 = vector.broadcast %and3A_587 : i32 to vector<16xi32>
        %and3A_589 = arith.andi %get3A_586, %and3A_588 : vector<16xi32>
        %shift_right_logical3A_590 = arith.constant 14 : i32
        %shift_right_logical3A_591 = vector.broadcast %shift_right_logical3A_590 : i32 to vector<16xi32>
        %shift_right_logical3A_592 = arith.shrui %get3A_586, %shift_right_logical3A_591 : vector<16xi32>
        %swap3A_593 = arith.constant 0 : i32
        %swap3A_594 = arith.index_cast %swap3A_593 : i32 to index
        %swap3A_595 = arith.constant 32 : index
        %swap3A_596 = tpu.vector_load %arg8[%swap3A_594, %swap3A_595] {strides = array<i32>} : memref<2x80xi32, #tpu.memory_space<vmem>>, vector<16xi32>,
        tpu.vector_store %arg8[%swap3A_594, %swap3A_595], %and3A_589 {strides = array<i32>} : memref<2x80xi32, #tpu.memory_space<vmem>>, vector<16xi32>,
        %swap3A_597 = arith.constant 0 : i32
        %swap3A_598 = arith.index_cast %swap3A_597 : i32 to index
        %swap3A_599 = arith.constant 32 : index
        %swap3A_600 = tpu.vector_load %arg9[%swap3A_598, %swap3A_599] {strides = array<i32>} : memref<2x80xi32, #tpu.memory_space<vmem>>, vector<16xi32>,
        tpu.vector_store %arg9[%swap3A_598, %swap3A_599], %shift_right_logical3A_592 {strides = array<i32>} : memref<2x80xi32, #tpu.memory_space<vmem>>, vector<16xi32>,
        %get3A_601 = arith.index_cast %add3A_549 : i32 to index
        %get3A_602 = arith.constant 48 : index
        %get3A_603 = tpu.vector_load %arg6[%get3A_601, %get3A_602] {strides = array<i32>} : memref<126x80xi32, #tpu.memory_space<vmem>>, vector<16xi32>,
        %and3A_604 = arith.constant 16383 : i32
        %and3A_605 = vector.broadcast %and3A_604 : i32 to vector<16xi32>
        %and3A_606 = arith.andi %get3A_603, %and3A_605 : vector<16xi32>
        %shift_right_logical3A_607 = arith.constant 14 : i32
        %shift_right_logical3A_608 = vector.broadcast %shift_right_logical3A_607 : i32 to vector<16xi32>
        %shift_right_logical3A_609 = arith.shrui %get3A_603, %shift_right_logical3A_608 : vector<16xi32>
        %swap3A_610 = arith.constant 0 : i32
        %swap3A_611 = arith.index_cast %swap3A_610 : i32 to index
        %swap3A_612 = arith.constant 48 : index
        %swap3A_613 = tpu.vector_load %arg8[%swap3A_611, %swap3A_612] {strides = array<i32>} : memref<2x80xi32, #tpu.memory_space<vmem>>, vector<16xi32>,
        tpu.vector_store %arg8[%swap3A_611, %swap3A_612], %and3A_606 {strides = array<i32>} : memref<2x80xi32, #tpu.memory_space<vmem>>, vector<16xi32>,
        %swap3A_614 = arith.constant 0 : i32
        %swap3A_615 = arith.index_cast %swap3A_614 : i32 to index
        %swap3A_616 = arith.constant 48 : index
        %swap3A_617 = tpu.vector_load %arg9[%swap3A_615, %swap3A_616] {strides = array<i32>} : memref<2x80xi32, #tpu.memory_space<vmem>>, vector<16xi32>,
        tpu.vector_store %arg9[%swap3A_615, %swap3A_616], %shift_right_logical3A_609 {strides = array<i32>} : memref<2x80xi32, #tpu.memory_space<vmem>>, vector<16xi32>,
        %get3A_618 = arith.index_cast %add3A_549 : i32 to index
        %get3A_619 = arith.constant 64 : index
        %get3A_620 = tpu.vector_load %arg6[%get3A_618, %get3A_619] {strides = array<i32>} : memref<126x80xi32, #tpu.memory_space<vmem>>, vector<16xi32>,
        %and3A_621 = arith.constant 16383 : i32
        %and3A_622 = vector.broadcast %and3A_621 : i32 to vector<16xi32>
        %and3A_623 = arith.andi %get3A_620, %and3A_622 : vector<16xi32>
        %shift_right_logical3A_624 = arith.constant 14 : i32
        %shift_right_logical3A_625 = vector.broadcast %shift_right_logical3A_624 : i32 to vector<16xi32>
        %shift_right_logical3A_626 = arith.shrui %get3A_620, %shift_right_logical3A_625 : vector<16xi32>
        %swap3A_627 = arith.constant 0 : i32
        %swap3A_628 = arith.index_cast %swap3A_627 : i32 to index
        %swap3A_629 = arith.constant 64 : index
        %swap3A_630 = tpu.vector_load %arg8[%swap3A_628, %swap3A_629] {strides = array<i32>} : memref<2x80xi32, #tpu.memory_space<vmem>>, vector<16xi32>,
        tpu.vector_store %arg8[%swap3A_628, %swap3A_629], %and3A_623 {strides = array<i32>} : memref<2x80xi32, #tpu.memory_space<vmem>>, vector<16xi32>,
        %swap3A_631 = arith.constant 0 : i32
        %swap3A_632 = arith.index_cast %swap3A_631 : i32 to index
        %swap3A_633 = arith.constant 64 : index
        %swap3A_634 = tpu.vector_load %arg9[%swap3A_632, %swap3A_633] {strides = array<i32>} : memref<2x80xi32, #tpu.memory_space<vmem>>, vector<16xi32>,
        tpu.vector_store %arg9[%swap3A_632, %swap3A_633], %shift_right_logical3A_626 {strides = array<i32>} : memref<2x80xi32, #tpu.memory_space<vmem>>, vector<16xi32>,
        %dma_start3A_635 = arith.constant 0 : i32
        %dma_start3A_636 = arith.constant 0 : i32
        %dma_start3A_637 = tpu.memref_slice %arg8[%dma_start3A_635, %dma_start3A_636] : memref<2x80xi32, #tpu.memory_space<vmem>> -> memref<1x80xi32, #tpu.memory_space<vmem>>
        %dma_start3A_638 = tpu.memref_squeeze %dma_start3A_637 : memref<1x80xi32, #tpu.memory_space<vmem>> -> memref<80xi32, #tpu.memory_space<vmem>>
        %dma_start3A_639 = arith.constant 0 : i32
        %dma_start3A_640 = arith.constant 0 : i32
        %dma_start3A_641 = tpu.memref_slice %arg4[%dma_start3A_639, %dma_start3A_640] : memref<10000x128xf32, #tpu.memory_space<hbm>> -> memref<10000x128xf32, #tpu.memory_space<hbm>>
        tpu.enqueue_indirect_dma source(%dma_start3A_641 : memref<10000x128xf32, #tpu.memory_space<hbm>>) target(%arg11 : memref<80x128xf32, #tpu.memory_space<vmem>>) offsets(%dma_start3A_638 : memref<80xi32, #tpu.memory_space<vmem>>) semaphore(%arg14 : memref<!tpu.dma_semaphore, #tpu.memory_space<semaphore_mem>>)
        %add3A_642 = arith.constant 2 : i32
        %add3A_643 = arith.addi %add3A_280, %add3A_642 : i32
        %add3A_644 = arith.addi %select_n3A_7, %add3A_643 : i32
        %dma_start3A_645 = arith.constant 0 : i32
        %dma_start3A_646 = arith.constant 0 : i32
        %dma_start3A_647 = tpu.memref_slice %arg7[%dma_start3A_645, %dma_start3A_646] : memref<2x80xf32, #tpu.memory_space<vmem>> -> memref<1x80xf32, #tpu.memory_space<vmem>>
        %dma_start3A_648 = arith.constant 0 : i32
        %dma_start3A_649 = tpu.memref_slice %arg3[%arg1, %add3A_644, %dma_start3A_648] : memref<16x250x80xf32, #tpu.memory_space<hbm>> -> memref<1x1x80xf32, #tpu.memory_space<hbm>>
        %dma_start3A_650 = tpu.memref_squeeze %dma_start3A_649 : memref<1x1x80xf32, #tpu.memory_space<hbm>> -> memref<1x80xf32, #tpu.memory_space<hbm>>
        %dma_start3A_651 = arith.constant 0 : i32
        %dma_start3A_652 = arith.constant 0 : i32
        %dma_start3A_653 = tpu.memref_slice %arg7[%dma_start3A_651, %dma_start3A_652] : memref<2x80xf32, #tpu.memory_space<vmem>> -> memref<1x80xf32, #tpu.memory_space<vmem>>
        %dma_start3A_654 = arith.constant 0 : i32
        %dma_start3A_655 = tpu.memref_slice %arg3[%arg1, %add3A_644, %dma_start3A_654] : memref<16x250x80xf32, #tpu.memory_space<hbm>> -> memref<1x1x80xf32, #tpu.memory_space<hbm>>
        %dma_start3A_656 = tpu.memref_squeeze %dma_start3A_655 : memref<1x1x80xf32, #tpu.memory_space<hbm>> -> memref<1x80xf32, #tpu.memory_space<hbm>>
        tpu.enqueue_dma source(%dma_start3A_656 : memref<1x80xf32, #tpu.memory_space<hbm>>) target(%dma_start3A_653 : memref<1x80xf32, #tpu.memory_space<vmem>>) target_semaphore(%arg16 : memref<!tpu.dma_semaphore, #tpu.memory_space<semaphore_mem>>)
      } else {
      }
      %mul3A_409 = arith.constant 2 : i32
      %mul3A_410 = arith.muli %while3A_275, %mul3A_409 : i32
      %add3A_411 = arith.constant 1 : i32
      %add3A_412 = arith.addi %mul3A_410, %add3A_411 : i32
      %dma_wait3A_413 = arith.constant 1 : i32
      %dma_wait3A_414 = arith.constant 0 : i32
      %dma_wait3A_415 = tpu.memref_slice %arg8[%dma_wait3A_413, %dma_wait3A_414] : memref<2x80xi32, #tpu.memory_space<vmem>> -> memref<1x80xi32, #tpu.memory_space<vmem>>
      %dma_wait3A_416 = tpu.memref_squeeze %dma_wait3A_415 : memref<1x80xi32, #tpu.memory_space<vmem>> -> memref<80xi32, #tpu.memory_space<vmem>>
      %dma_wait3A_417 = arith.constant 0 : i32
      %dma_wait3A_418 = arith.constant 0 : i32
      %dma_wait3A_419 = tpu.memref_slice %arg4[%dma_wait3A_417, %dma_wait3A_418] : memref<10000x128xf32, #tpu.memory_space<hbm>> -> memref<10000x128xf32, #tpu.memory_space<hbm>>
      tpu.wait_indirect_dma semaphore(%arg15 : memref<!tpu.dma_semaphore, #tpu.memory_space<semaphore_mem>>) src(%dma_wait3A_419 : memref<10000x128xf32, #tpu.memory_space<hbm>>) dst(%arg12 : memref<80x128xf32, #tpu.memory_space<vmem>>)
      %add3A_420 = arith.addi %select_n3A_7, %add3A_412 : i32
      %dma_wait3A_421 = arith.constant 1 : i32
      %dma_wait3A_422 = arith.constant 0 : i32
      %dma_wait3A_423 = tpu.memref_slice %arg7[%dma_wait3A_421, %dma_wait3A_422] : memref<2x80xf32, #tpu.memory_space<vmem>> -> memref<1x80xf32, #tpu.memory_space<vmem>>
      %dma_wait3A_424 = arith.constant 0 : i32
      %dma_wait3A_425 = tpu.memref_slice %arg3[%arg1, %add3A_420, %dma_wait3A_424] : memref<16x250x80xf32, #tpu.memory_space<hbm>> -> memref<1x1x80xf32, #tpu.memory_space<hbm>>
      %dma_wait3A_426 = tpu.memref_squeeze %dma_wait3A_425 : memref<1x1x80xf32, #tpu.memory_space<hbm>> -> memref<1x80xf32, #tpu.memory_space<hbm>>
      %dma_wait3A_427 = arith.constant 1 : i32
      %dma_wait3A_428 = arith.constant 0 : i32
      %dma_wait3A_429 = tpu.memref_slice %arg7[%dma_wait3A_427, %dma_wait3A_428] : memref<2x80xf32, #tpu.memory_space<vmem>> -> memref<1x80xf32, #tpu.memory_space<vmem>>
      %dma_wait3A_430 = arith.constant 0 : i32
      %dma_wait3A_431 = tpu.memref_slice %arg3[%arg1, %add3A_420, %dma_wait3A_430] : memref<16x250x80xf32, #tpu.memory_space<hbm>> -> memref<1x1x80xf32, #tpu.memory_space<hbm>>
      %dma_wait3A_432 = tpu.memref_squeeze %dma_wait3A_431 : memref<1x1x80xf32, #tpu.memory_space<hbm>> -> memref<1x80xf32, #tpu.memory_space<hbm>>
      tpu.wait_dma2 semaphore(%arg17 : memref<!tpu.dma_semaphore, #tpu.memory_space<semaphore_mem>>) src(%dma_wait3A_432 : memref<1x80xf32, #tpu.memory_space<hbm>>) dst(%dma_wait3A_429 : memref<1x80xf32, #tpu.memory_space<vmem>>)
      %get3A_433 = arith.constant 1 : i32
      %get3A_434 = arith.index_cast %get3A_433 : i32 to index
      %get3A_435 = arith.constant 0 : index
      %get3A_436 = tpu.vector_load %arg8[%get3A_434, %get3A_435] {strides = array<i32>} : memref<2x80xi32, #tpu.memory_space<vmem>>, vector<16xi32>,
      %get3A_437 = arith.constant 1 : i32
      %get3A_438 = arith.index_cast %get3A_437 : i32 to index
      %get3A_439 = arith.constant 0 : index
      %get3A_440 = tpu.vector_load %arg9[%get3A_438, %get3A_439] {strides = array<i32>} : memref<2x80xi32, #tpu.memory_space<vmem>>, vector<16xi32>,
      %get3A_441 = arith.constant 1 : i32
      %get3A_442 = arith.index_cast %get3A_441 : i32 to index
      %get3A_443 = arith.constant 0 : index
      %get3A_444 = tpu.vector_load %arg7[%get3A_442, %get3A_443] {strides = array<i32>} : memref<2x80xf32, #tpu.memory_space<vmem>>, vector<16xf32>,
      %ne3A_445 = arith.cmpi ne, %get3A_436, %get3A_440 : vector<16xi32>
      %jit3A_446 = arith.constant 0.000000e+00 : f32
      %broadcast_in_dim3A_447 = vector.broadcast %jit3A_446 : f32 to vector<16xf32>
      %select_n3A_448 = arith.select %ne3A_445, %get3A_444, %broadcast_in_dim3A_447 : vector<16xi1>, vector<16xf32>
      %swap3A_449 = arith.constant 1 : i32
      %swap3A_450 = arith.index_cast %swap3A_449 : i32 to index
      %swap3A_451 = arith.constant 0 : index
      %swap3A_452 = tpu.vector_load %arg10[%swap3A_450, %swap3A_451] {strides = array<i32>} : memref<2x80xf32, #tpu.memory_space<vmem>>, vector<16xf32>,
      tpu.vector_store %arg10[%swap3A_450, %swap3A_451], %select_n3A_448 {strides = array<i32>} : memref<2x80xf32, #tpu.memory_space<vmem>>, vector<16xf32>,
      %get3A_453 = arith.constant 1 : i32
      %get3A_454 = arith.index_cast %get3A_453 : i32 to index
      %get3A_455 = arith.constant 16 : index
      %get3A_456 = tpu.vector_load %arg8[%get3A_454, %get3A_455] {strides = array<i32>} : memref<2x80xi32, #tpu.memory_space<vmem>>, vector<16xi32>,
      %get3A_457 = arith.constant 1 : i32
      %get3A_458 = arith.index_cast %get3A_457 : i32 to index
      %get3A_459 = arith.constant 16 : index
      %get3A_460 = tpu.vector_load %arg9[%get3A_458, %get3A_459] {strides = array<i32>} : memref<2x80xi32, #tpu.memory_space<vmem>>, vector<16xi32>,
      %get3A_461 = arith.constant 1 : i32
      %get3A_462 = arith.index_cast %get3A_461 : i32 to index
      %get3A_463 = arith.constant 16 : index
      %get3A_464 = tpu.vector_load %arg7[%get3A_462, %get3A_463] {strides = array<i32>} : memref<2x80xf32, #tpu.memory_space<vmem>>, vector<16xf32>,
      %ne3A_465 = arith.cmpi ne, %get3A_456, %get3A_460 : vector<16xi32>
      %jit3A_466 = arith.constant 0.000000e+00 : f32
      %broadcast_in_dim3A_467 = vector.broadcast %jit3A_466 : f32 to vector<16xf32>
      %select_n3A_468 = arith.select %ne3A_465, %get3A_464, %broadcast_in_dim3A_467 : vector<16xi1>, vector<16xf32>
      %swap3A_469 = arith.constant 1 : i32
      %swap3A_470 = arith.index_cast %swap3A_469 : i32 to index
      %swap3A_471 = arith.constant 16 : index
      %swap3A_472 = tpu.vector_load %arg10[%swap3A_470, %swap3A_471] {strides = array<i32>} : memref<2x80xf32, #tpu.memory_space<vmem>>, vector<16xf32>,
      tpu.vector_store %arg10[%swap3A_470, %swap3A_471], %select_n3A_468 {strides = array<i32>} : memref<2x80xf32, #tpu.memory_space<vmem>>, vector<16xf32>,
      %get3A_473 = arith.constant 1 : i32
      %get3A_474 = arith.index_cast %get3A_473 : i32 to index
      %get3A_475 = arith.constant 32 : index
      %get3A_476 = tpu.vector_load %arg8[%get3A_474, %get3A_475] {strides = array<i32>} : memref<2x80xi32, #tpu.memory_space<vmem>>, vector<16xi32>,
      %get3A_477 = arith.constant 1 : i32
      %get3A_478 = arith.index_cast %get3A_477 : i32 to index
      %get3A_479 = arith.constant 32 : index
      %get3A_480 = tpu.vector_load %arg9[%get3A_478, %get3A_479] {strides = array<i32>} : memref<2x80xi32, #tpu.memory_space<vmem>>, vector<16xi32>,
      %get3A_481 = arith.constant 1 : i32
      %get3A_482 = arith.index_cast %get3A_481 : i32 to index
      %get3A_483 = arith.constant 32 : index
      %get3A_484 = tpu.vector_load %arg7[%get3A_482, %get3A_483] {strides = array<i32>} : memref<2x80xf32, #tpu.memory_space<vmem>>, vector<16xf32>,
      %ne3A_485 = arith.cmpi ne, %get3A_476, %get3A_480 : vector<16xi32>
      %jit3A_486 = arith.constant 0.000000e+00 : f32
      %broadcast_in_dim3A_487 = vector.broadcast %jit3A_486 : f32 to vector<16xf32>
      %select_n3A_488 = arith.select %ne3A_485, %get3A_484, %broadcast_in_dim3A_487 : vector<16xi1>, vector<16xf32>
      %swap3A_489 = arith.constant 1 : i32
      %swap3A_490 = arith.index_cast %swap3A_489 : i32 to index
      %swap3A_491 = arith.constant 32 : index
      %swap3A_492 = tpu.vector_load %arg10[%swap3A_490, %swap3A_491] {strides = array<i32>} : memref<2x80xf32, #tpu.memory_space<vmem>>, vector<16xf32>,
      tpu.vector_store %arg10[%swap3A_490, %swap3A_491], %select_n3A_488 {strides = array<i32>} : memref<2x80xf32, #tpu.memory_space<vmem>>, vector<16xf32>,
      %get3A_493 = arith.constant 1 : i32
      %get3A_494 = arith.index_cast %get3A_493 : i32 to index
      %get3A_495 = arith.constant 48 : index
      %get3A_496 = tpu.vector_load %arg8[%get3A_494, %get3A_495] {strides = array<i32>} : memref<2x80xi32, #tpu.memory_space<vmem>>, vector<16xi32>,
      %get3A_497 = arith.constant 1 : i32
      %get3A_498 = arith.index_cast %get3A_497 : i32 to index
      %get3A_499 = arith.constant 48 : index
      %get3A_500 = tpu.vector_load %arg9[%get3A_498, %get3A_499] {strides = array<i32>} : memref<2x80xi32, #tpu.memory_space<vmem>>, vector<16xi32>,
      %get3A_501 = arith.constant 1 : i32
      %get3A_502 = arith.index_cast %get3A_501 : i32 to index
      %get3A_503 = arith.constant 48 : index
      %get3A_504 = tpu.vector_load %arg7[%get3A_502, %get3A_503] {strides = array<i32>} : memref<2x80xf32, #tpu.memory_space<vmem>>, vector<16xf32>,
      %ne3A_505 = arith.cmpi ne, %get3A_496, %get3A_500 : vector<16xi32>
      %jit3A_506 = arith.constant 0.000000e+00 : f32
      %broadcast_in_dim3A_507 = vector.broadcast %jit3A_506 : f32 to vector<16xf32>
      %select_n3A_508 = arith.select %ne3A_505, %get3A_504, %broadcast_in_dim3A_507 : vector<16xi1>, vector<16xf32>
      %swap3A_509 = arith.constant 1 : i32
      %swap3A_510 = arith.index_cast %swap3A_509 : i32 to index
      %swap3A_511 = arith.constant 48 : index
      %swap3A_512 = tpu.vector_load %arg10[%swap3A_510, %swap3A_511] {strides = array<i32>} : memref<2x80xf32, #tpu.memory_space<vmem>>, vector<16xf32>,
      tpu.vector_store %arg10[%swap3A_510, %swap3A_511], %select_n3A_508 {strides = array<i32>} : memref<2x80xf32, #tpu.memory_space<vmem>>, vector<16xf32>,
      %get3A_513 = arith.constant 1 : i32
      %get3A_514 = arith.index_cast %get3A_513 : i32 to index
      %get3A_515 = arith.constant 64 : index
      %get3A_516 = tpu.vector_load %arg8[%get3A_514, %get3A_515] {strides = array<i32>} : memref<2x80xi32, #tpu.memory_space<vmem>>, vector<16xi32>,
      %get3A_517 = arith.constant 1 : i32
      %get3A_518 = arith.index_cast %get3A_517 : i32 to index
      %get3A_519 = arith.constant 64 : index
      %get3A_520 = tpu.vector_load %arg9[%get3A_518, %get3A_519] {strides = array<i32>} : memref<2x80xi32, #tpu.memory_space<vmem>>, vector<16xi32>,
      %get3A_521 = arith.constant 1 : i32
      %get3A_522 = arith.index_cast %get3A_521 : i32 to index
      %get3A_523 = arith.constant 64 : index
      %get3A_524 = tpu.vector_load %arg7[%get3A_522, %get3A_523] {strides = array<i32>} : memref<2x80xf32, #tpu.memory_space<vmem>>, vector<16xf32>,
      %ne3A_525 = arith.cmpi ne, %get3A_516, %get3A_520 : vector<16xi32>
      %jit3A_526 = arith.constant 0.000000e+00 : f32
      %broadcast_in_dim3A_527 = vector.broadcast %jit3A_526 : f32 to vector<16xf32>
      %select_n3A_528 = arith.select %ne3A_525, %get3A_524, %broadcast_in_dim3A_527 : vector<16xi1>, vector<16xf32>
      %swap3A_529 = arith.constant 1 : i32
      %swap3A_530 = arith.index_cast %swap3A_529 : i32 to index
      %swap3A_531 = arith.constant 64 : index
      %swap3A_532 = tpu.vector_load %arg10[%swap3A_530, %swap3A_531] {strides = array<i32>} : memref<2x80xf32, #tpu.memory_space<vmem>>, vector<16xf32>,
      tpu.vector_store %arg10[%swap3A_530, %swap3A_531], %select_n3A_528 {strides = array<i32>} : memref<2x80xf32, #tpu.memory_space<vmem>>, vector<16xf32>,
      %scan3A_533 = arith.constant 0 : i32
      %scan3A_534 = arith.constant 0 : i32
      %scan3A_535 = arith.constant 80 : i32
      %scan3A_536 = arith.addi %scan3A_534, %scan3A_535 : i32
      %scan3A_537 = arith.constant 1 : i32
      %scan3A_538 = scf.for %scan3A_548 = %scan3A_534 to %scan3A_536 step %scan3A_537 iter_args(%scan3A_549 = %scan3A_533) -> (i32)  : i32 {
        %broadcast_in_dim3A_550 = arith.constant 1 : i32
        %broadcast_in_dim3A_551 = vector.broadcast %broadcast_in_dim3A_550 : i32 to vector<16xi32>
        %broadcast_in_dim3A_552 = vector.broadcast %scan3A_548 : i32 to vector<16xi32>
        %gather3A = tpu.vector_load_idx %arg10[%broadcast_in_dim3A_551, %broadcast_in_dim3A_552] : memref<2x80xf32, #tpu.memory_space<vmem>>[vector<16xi32>, vector<16xi32>], vector<16xf32>,
        %get3A_553 = arith.index_cast %scan3A_548 : i32 to index
        %get3A_554 = arith.constant 0 : index
        %get3A_555 = tpu.vector_load %arg12[%get3A_553, %get3A_554] {strides = array<i32>} : memref<80x128xf32, #tpu.memory_space<vmem>>, vector<16xf32>,
        %mul3A_556 = arith.mulf %get3A_555, %gather3A : vector<16xf32>
        %swap3A_557 = arith.index_cast %scan3A_548 : i32 to index
        %swap3A_558 = arith.constant 0 : index
        %swap3A_559 = tpu.vector_load %arg12[%swap3A_557, %swap3A_558] {strides = array<i32>} : memref<80x128xf32, #tpu.memory_space<vmem>>, vector<16xf32>,
        tpu.vector_store %arg12[%swap3A_557, %swap3A_558], %mul3A_556 {strides = array<i32>} : memref<80x128xf32, #tpu.memory_space<vmem>>, vector<16xf32>,
        %get3A_560 = arith.index_cast %scan3A_548 : i32 to index
        %get3A_561 = arith.constant 16 : index
        %get3A_562 = tpu.vector_load %arg12[%get3A_560, %get3A_561] {strides = array<i32>} : memref<80x128xf32, #tpu.memory_space<vmem>>, vector<16xf32>,
        %mul3A_563 = arith.mulf %get3A_562, %gather3A : vector<16xf32>
        %swap3A_564 = arith.index_cast %scan3A_548 : i32 to index
        %swap3A_565 = arith.constant 16 : index
        %swap3A_566 = tpu.vector_load %arg12[%swap3A_564, %swap3A_565] {strides = array<i32>} : memref<80x128xf32, #tpu.memory_space<vmem>>, vector<16xf32>,
        tpu.vector_store %arg12[%swap3A_564, %swap3A_565], %mul3A_563 {strides = array<i32>} : memref<80x128xf32, #tpu.memory_space<vmem>>, vector<16xf32>,
        %get3A_567 = arith.index_cast %scan3A_548 : i32 to index
        %get3A_568 = arith.constant 32 : index
        %get3A_569 = tpu.vector_load %arg12[%get3A_567, %get3A_568] {strides = array<i32>} : memref<80x128xf32, #tpu.memory_space<vmem>>, vector<16xf32>,
        %mul3A_570 = arith.mulf %get3A_569, %gather3A : vector<16xf32>
        %swap3A_571 = arith.index_cast %scan3A_548 : i32 to index
        %swap3A_572 = arith.constant 32 : index
        %swap3A_573 = tpu.vector_load %arg12[%swap3A_571, %swap3A_572] {strides = array<i32>} : memref<80x128xf32, #tpu.memory_space<vmem>>, vector<16xf32>,
        tpu.vector_store %arg12[%swap3A_571, %swap3A_572], %mul3A_570 {strides = array<i32>} : memref<80x128xf32, #tpu.memory_space<vmem>>, vector<16xf32>,
        %get3A_574 = arith.index_cast %scan3A_548 : i32 to index
        %get3A_575 = arith.constant 48 : index
        %get3A_576 = tpu.vector_load %arg12[%get3A_574, %get3A_575] {strides = array<i32>} : memref<80x128xf32, #tpu.memory_space<vmem>>, vector<16xf32>,
        %mul3A_577 = arith.mulf %get3A_576, %gather3A : vector<16xf32>
        %swap3A_578 = arith.index_cast %scan3A_548 : i32 to index
        %swap3A_579 = arith.constant 48 : index
        %swap3A_580 = tpu.vector_load %arg12[%swap3A_578, %swap3A_579] {strides = array<i32>} : memref<80x128xf32, #tpu.memory_space<vmem>>, vector<16xf32>,
        tpu.vector_store %arg12[%swap3A_578, %swap3A_579], %mul3A_577 {strides = array<i32>} : memref<80x128xf32, #tpu.memory_space<vmem>>, vector<16xf32>,
        %get3A_581 = arith.index_cast %scan3A_548 : i32 to index
        %get3A_582 = arith.constant 64 : index
        %get3A_583 = tpu.vector_load %arg12[%get3A_581, %get3A_582] {strides = array<i32>} : memref<80x128xf32, #tpu.memory_space<vmem>>, vector<16xf32>,
        %mul3A_584 = arith.mulf %get3A_583, %gather3A : vector<16xf32>
        %swap3A_585 = arith.index_cast %scan3A_548 : i32 to index
        %swap3A_586 = arith.constant 64 : index
        %swap3A_587 = tpu.vector_load %arg12[%swap3A_585, %swap3A_586] {strides = array<i32>} : memref<80x128xf32, #tpu.memory_space<vmem>>, vector<16xf32>,
        tpu.vector_store %arg12[%swap3A_585, %swap3A_586], %mul3A_584 {strides = array<i32>} : memref<80x128xf32, #tpu.memory_space<vmem>>, vector<16xf32>,
        %get3A_588 = arith.index_cast %scan3A_548 : i32 to index
        %get3A_589 = arith.constant 80 : index
        %get3A_590 = tpu.vector_load %arg12[%get3A_588, %get3A_589] {strides = array<i32>} : memref<80x128xf32, #tpu.memory_space<vmem>>, vector<16xf32>,
        %mul3A_591 = arith.mulf %get3A_590, %gather3A : vector<16xf32>
        %swap3A_592 = arith.index_cast %scan3A_548 : i32 to index
        %swap3A_593 = arith.constant 80 : index
        %swap3A_594 = tpu.vector_load %arg12[%swap3A_592, %swap3A_593] {strides = array<i32>} : memref<80x128xf32, #tpu.memory_space<vmem>>, vector<16xf32>,
        tpu.vector_store %arg12[%swap3A_592, %swap3A_593], %mul3A_591 {strides = array<i32>} : memref<80x128xf32, #tpu.memory_space<vmem>>, vector<16xf32>,
        %get3A_595 = arith.index_cast %scan3A_548 : i32 to index
        %get3A_596 = arith.constant 96 : index
        %get3A_597 = tpu.vector_load %arg12[%get3A_595, %get3A_596] {strides = array<i32>} : memref<80x128xf32, #tpu.memory_space<vmem>>, vector<16xf32>,
        %mul3A_598 = arith.mulf %get3A_597, %gather3A : vector<16xf32>
        %swap3A_599 = arith.index_cast %scan3A_548 : i32 to index
        %swap3A_600 = arith.constant 96 : index
        %swap3A_601 = tpu.vector_load %arg12[%swap3A_599, %swap3A_600] {strides = array<i32>} : memref<80x128xf32, #tpu.memory_space<vmem>>, vector<16xf32>,
        tpu.vector_store %arg12[%swap3A_599, %swap3A_600], %mul3A_598 {strides = array<i32>} : memref<80x128xf32, #tpu.memory_space<vmem>>, vector<16xf32>,
        %get3A_602 = arith.index_cast %scan3A_548 : i32 to index
        %get3A_603 = arith.constant 112 : index
        %get3A_604 = tpu.vector_load %arg12[%get3A_602, %get3A_603] {strides = array<i32>} : memref<80x128xf32, #tpu.memory_space<vmem>>, vector<16xf32>,
        %mul3A_605 = arith.mulf %get3A_604, %gather3A : vector<16xf32>
        %swap3A_606 = arith.index_cast %scan3A_548 : i32 to index
        %swap3A_607 = arith.constant 112 : index
        %swap3A_608 = tpu.vector_load %arg12[%swap3A_606, %swap3A_607] {strides = array<i32>} : memref<80x128xf32, #tpu.memory_space<vmem>>, vector<16xf32>,
        tpu.vector_store %arg12[%swap3A_606, %swap3A_607], %mul3A_605 {strides = array<i32>} : memref<80x128xf32, #tpu.memory_space<vmem>>, vector<16xf32>,
        %scan3A_609 = arith.constant 0 : i32
        scf.yield %scan3A_609 : i32
      }
      %scan3A_539 = arith.constant 80 : i32
      %run_scoped3A_540 = arith.constant 1 : i32
      "tpu.region"() ({
        %run_scoped3A_548 = tpu.sem_alloc : memref<!tpu.dma_semaphore, #tpu.memory_space<semaphore_mem>>
        %dma_start3A_549 = arith.constant 0 : i32
        %dma_start3A_550 = tpu.memref_slice %arg9[%run_scoped3A_540, %dma_start3A_549] : memref<2x80xi32, #tpu.memory_space<vmem>> -> memref<1x80xi32, #tpu.memory_space<vmem>>
        %dma_start3A_551 = tpu.memref_squeeze %dma_start3A_550 : memref<1x80xi32, #tpu.memory_space<vmem>> -> memref<80xi32, #tpu.memory_space<vmem>>
        %dma_start3A_552 = arith.constant 0 : i32
        %dma_start3A_553 = arith.constant 0 : i32
        %dma_start3A_554 = tpu.memref_slice %arg13[%dma_start3A_552, %dma_start3A_553] : memref<10240x128xf32, #tpu.memory_space<vmem_shared>> -> memref<10240x128xf32, #tpu.memory_space<vmem_shared>>
        tpu.enqueue_indirect_dma source(%arg12 : memref<80x128xf32, #tpu.memory_space<vmem>>) target(%dma_start3A_554 : memref<10240x128xf32, #tpu.memory_space<vmem_shared>>) offsets(%dma_start3A_551 : memref<80xi32, #tpu.memory_space<vmem>>) semaphore(%run_scoped3A_548 : memref<!tpu.dma_semaphore, #tpu.memory_space<semaphore_mem>>) {add = true}
        %dma_wait3A_555 = arith.constant 0 : i32
        %dma_wait3A_556 = tpu.memref_slice %arg9[%run_scoped3A_540, %dma_wait3A_555] : memref<2x80xi32, #tpu.memory_space<vmem>> -> memref<1x80xi32, #tpu.memory_space<vmem>>
        %dma_wait3A_557 = tpu.memref_squeeze %dma_wait3A_556 : memref<1x80xi32, #tpu.memory_space<vmem>> -> memref<80xi32, #tpu.memory_space<vmem>>
        %dma_wait3A_558 = arith.constant 0 : i32
        %dma_wait3A_559 = arith.constant 0 : i32
        %dma_wait3A_560 = tpu.memref_slice %arg13[%dma_wait3A_558, %dma_wait3A_559] : memref<10240x128xf32, #tpu.memory_space<vmem_shared>> -> memref<10240x128xf32, #tpu.memory_space<vmem_shared>>
        tpu.wait_indirect_dma semaphore(%run_scoped3A_548 : memref<!tpu.dma_semaphore, #tpu.memory_space<semaphore_mem>>) src(%arg12 : memref<80x128xf32, #tpu.memory_space<vmem>>) dst(%dma_wait3A_560 : memref<10240x128xf32, #tpu.memory_space<vmem_shared>>)
        tpu.yield
      }) : () -> ()
      %add3A_541 = arith.constant 2 : i32
      %add3A_542 = arith.addi %add3A_412, %add3A_541 : i32
      %lt3A_543 = arith.cmpi slt, %add3A_542, %select_n3A : i32
      %convert_element_type3A_544 = arith.extui %lt3A_543 : i1 to i32
      %cond3A_545 = arith.constant 0 : i32
      %cond3A_546 = arith.cmpi ne, %convert_element_type3A_544, %cond3A_545 : i32
      scf.if %cond3A_546 {
        %add3A_548 = arith.constant 2 : i32
        %add3A_549 = arith.addi %add3A_412, %add3A_548 : i32
        %get3A_550 = arith.index_cast %add3A_549 : i32 to index
        %get3A_551 = arith.constant 0 : index
        %get3A_552 = tpu.vector_load %arg6[%get3A_550, %get3A_551] {strides = array<i32>} : memref<126x80xi32, #tpu.memory_space<vmem>>, vector<16xi32>,
        %and3A_553 = arith.constant 16383 : i32
        %and3A_554 = vector.broadcast %and3A_553 : i32 to vector<16xi32>
        %and3A_555 = arith.andi %get3A_552, %and3A_554 : vector<16xi32>
        %shift_right_logical3A_556 = arith.constant 14 : i32
        %shift_right_logical3A_557 = vector.broadcast %shift_right_logical3A_556 : i32 to vector<16xi32>
        %shift_right_logical3A_558 = arith.shrui %get3A_552, %shift_right_logical3A_557 : vector<16xi32>
        %swap3A_559 = arith.constant 1 : i32
        %swap3A_560 = arith.index_cast %swap3A_559 : i32 to index
        %swap3A_561 = arith.constant 0 : index
        %swap3A_562 = tpu.vector_load %arg8[%swap3A_560, %swap3A_561] {strides = array<i32>} : memref<2x80xi32, #tpu.memory_space<vmem>>, vector<16xi32>,
        tpu.vector_store %arg8[%swap3A_560, %swap3A_561], %and3A_555 {strides = array<i32>} : memref<2x80xi32, #tpu.memory_space<vmem>>, vector<16xi32>,
        %swap3A_563 = arith.constant 1 : i32
        %swap3A_564 = arith.index_cast %swap3A_563 : i32 to index
        %swap3A_565 = arith.constant 0 : index
        %swap3A_566 = tpu.vector_load %arg9[%swap3A_564, %swap3A_565] {strides = array<i32>} : memref<2x80xi32, #tpu.memory_space<vmem>>, vector<16xi32>,
        tpu.vector_store %arg9[%swap3A_564, %swap3A_565], %shift_right_logical3A_558 {strides = array<i32>} : memref<2x80xi32, #tpu.memory_space<vmem>>, vector<16xi32>,
        %get3A_567 = arith.index_cast %add3A_549 : i32 to index
        %get3A_568 = arith.constant 16 : index
        %get3A_569 = tpu.vector_load %arg6[%get3A_567, %get3A_568] {strides = array<i32>} : memref<126x80xi32, #tpu.memory_space<vmem>>, vector<16xi32>,
        %and3A_570 = arith.constant 16383 : i32
        %and3A_571 = vector.broadcast %and3A_570 : i32 to vector<16xi32>
        %and3A_572 = arith.andi %get3A_569, %and3A_571 : vector<16xi32>
        %shift_right_logical3A_573 = arith.constant 14 : i32
        %shift_right_logical3A_574 = vector.broadcast %shift_right_logical3A_573 : i32 to vector<16xi32>
        %shift_right_logical3A_575 = arith.shrui %get3A_569, %shift_right_logical3A_574 : vector<16xi32>
        %swap3A_576 = arith.constant 1 : i32
        %swap3A_577 = arith.index_cast %swap3A_576 : i32 to index
        %swap3A_578 = arith.constant 16 : index
        %swap3A_579 = tpu.vector_load %arg8[%swap3A_577, %swap3A_578] {strides = array<i32>} : memref<2x80xi32, #tpu.memory_space<vmem>>, vector<16xi32>,
        tpu.vector_store %arg8[%swap3A_577, %swap3A_578], %and3A_572 {strides = array<i32>} : memref<2x80xi32, #tpu.memory_space<vmem>>, vector<16xi32>,
        %swap3A_580 = arith.constant 1 : i32
        %swap3A_581 = arith.index_cast %swap3A_580 : i32 to index
        %swap3A_582 = arith.constant 16 : index
        %swap3A_583 = tpu.vector_load %arg9[%swap3A_581, %swap3A_582] {strides = array<i32>} : memref<2x80xi32, #tpu.memory_space<vmem>>, vector<16xi32>,
        tpu.vector_store %arg9[%swap3A_581, %swap3A_582], %shift_right_logical3A_575 {strides = array<i32>} : memref<2x80xi32, #tpu.memory_space<vmem>>, vector<16xi32>,
        %get3A_584 = arith.index_cast %add3A_549 : i32 to index
        %get3A_585 = arith.constant 32 : index
        %get3A_586 = tpu.vector_load %arg6[%get3A_584, %get3A_585] {strides = array<i32>} : memref<126x80xi32, #tpu.memory_space<vmem>>, vector<16xi32>,
        %and3A_587 = arith.constant 16383 : i32
        %and3A_588 = vector.broadcast %and3A_587 : i32 to vector<16xi32>
        %and3A_589 = arith.andi %get3A_586, %and3A_588 : vector<16xi32>
        %shift_right_logical3A_590 = arith.constant 14 : i32
        %shift_right_logical3A_591 = vector.broadcast %shift_right_logical3A_590 : i32 to vector<16xi32>
        %shift_right_logical3A_592 = arith.shrui %get3A_586, %shift_right_logical3A_591 : vector<16xi32>
        %swap3A_593 = arith.constant 1 : i32
        %swap3A_594 = arith.index_cast %swap3A_593 : i32 to index
        %swap3A_595 = arith.constant 32 : index
        %swap3A_596 = tpu.vector_load %arg8[%swap3A_594, %swap3A_595] {strides = array<i32>} : memref<2x80xi32, #tpu.memory_space<vmem>>, vector<16xi32>,
        tpu.vector_store %arg8[%swap3A_594, %swap3A_595], %and3A_589 {strides = array<i32>} : memref<2x80xi32, #tpu.memory_space<vmem>>, vector<16xi32>,
        %swap3A_597 = arith.constant 1 : i32
        %swap3A_598 = arith.index_cast %swap3A_597 : i32 to index
        %swap3A_599 = arith.constant 32 : index
        %swap3A_600 = tpu.vector_load %arg9[%swap3A_598, %swap3A_599] {strides = array<i32>} : memref<2x80xi32, #tpu.memory_space<vmem>>, vector<16xi32>,
        tpu.vector_store %arg9[%swap3A_598, %swap3A_599], %shift_right_logical3A_592 {strides = array<i32>} : memref<2x80xi32, #tpu.memory_space<vmem>>, vector<16xi32>,
        %get3A_601 = arith.index_cast %add3A_549 : i32 to index
        %get3A_602 = arith.constant 48 : index
        %get3A_603 = tpu.vector_load %arg6[%get3A_601, %get3A_602] {strides = array<i32>} : memref<126x80xi32, #tpu.memory_space<vmem>>, vector<16xi32>,
        %and3A_604 = arith.constant 16383 : i32
        %and3A_605 = vector.broadcast %and3A_604 : i32 to vector<16xi32>
        %and3A_606 = arith.andi %get3A_603, %and3A_605 : vector<16xi32>
        %shift_right_logical3A_607 = arith.constant 14 : i32
        %shift_right_logical3A_608 = vector.broadcast %shift_right_logical3A_607 : i32 to vector<16xi32>
        %shift_right_logical3A_609 = arith.shrui %get3A_603, %shift_right_logical3A_608 : vector<16xi32>
        %swap3A_610 = arith.constant 1 : i32
        %swap3A_611 = arith.index_cast %swap3A_610 : i32 to index
        %swap3A_612 = arith.constant 48 : index
        %swap3A_613 = tpu.vector_load %arg8[%swap3A_611, %swap3A_612] {strides = array<i32>} : memref<2x80xi32, #tpu.memory_space<vmem>>, vector<16xi32>,
        tpu.vector_store %arg8[%swap3A_611, %swap3A_612], %and3A_606 {strides = array<i32>} : memref<2x80xi32, #tpu.memory_space<vmem>>, vector<16xi32>,
        %swap3A_614 = arith.constant 1 : i32
        %swap3A_615 = arith.index_cast %swap3A_614 : i32 to index
        %swap3A_616 = arith.constant 48 : index
        %swap3A_617 = tpu.vector_load %arg9[%swap3A_615, %swap3A_616] {strides = array<i32>} : memref<2x80xi32, #tpu.memory_space<vmem>>, vector<16xi32>,
        tpu.vector_store %arg9[%swap3A_615, %swap3A_616], %shift_right_logical3A_609 {strides = array<i32>} : memref<2x80xi32, #tpu.memory_space<vmem>>, vector<16xi32>,
        %get3A_618 = arith.index_cast %add3A_549 : i32 to index
        %get3A_619 = arith.constant 64 : index
        %get3A_620 = tpu.vector_load %arg6[%get3A_618, %get3A_619] {strides = array<i32>} : memref<126x80xi32, #tpu.memory_space<vmem>>, vector<16xi32>,
        %and3A_621 = arith.constant 16383 : i32
        %and3A_622 = vector.broadcast %and3A_621 : i32 to vector<16xi32>
        %and3A_623 = arith.andi %get3A_620, %and3A_622 : vector<16xi32>
        %shift_right_logical3A_624 = arith.constant 14 : i32
        %shift_right_logical3A_625 = vector.broadcast %shift_right_logical3A_624 : i32 to vector<16xi32>
        %shift_right_logical3A_626 = arith.shrui %get3A_620, %shift_right_logical3A_625 : vector<16xi32>
        %swap3A_627 = arith.constant 1 : i32
        %swap3A_628 = arith.index_cast %swap3A_627 : i32 to index
        %swap3A_629 = arith.constant 64 : index
        %swap3A_630 = tpu.vector_load %arg8[%swap3A_628, %swap3A_629] {strides = array<i32>} : memref<2x80xi32, #tpu.memory_space<vmem>>, vector<16xi32>,
        tpu.vector_store %arg8[%swap3A_628, %swap3A_629], %and3A_623 {strides = array<i32>} : memref<2x80xi32, #tpu.memory_space<vmem>>, vector<16xi32>,
        %swap3A_631 = arith.constant 1 : i32
        %swap3A_632 = arith.index_cast %swap3A_631 : i32 to index
        %swap3A_633 = arith.constant 64 : index
        %swap3A_634 = tpu.vector_load %arg9[%swap3A_632, %swap3A_633] {strides = array<i32>} : memref<2x80xi32, #tpu.memory_space<vmem>>, vector<16xi32>,
        tpu.vector_store %arg9[%swap3A_632, %swap3A_633], %shift_right_logical3A_626 {strides = array<i32>} : memref<2x80xi32, #tpu.memory_space<vmem>>, vector<16xi32>,
        %dma_start3A_635 = arith.constant 1 : i32
        %dma_start3A_636 = arith.constant 0 : i32
        %dma_start3A_637 = tpu.memref_slice %arg8[%dma_start3A_635, %dma_start3A_636] : memref<2x80xi32, #tpu.memory_space<vmem>> -> memref<1x80xi32, #tpu.memory_space<vmem>>
        %dma_start3A_638 = tpu.memref_squeeze %dma_start3A_637 : memref<1x80xi32, #tpu.memory_space<vmem>> -> memref<80xi32, #tpu.memory_space<vmem>>
        %dma_start3A_639 = arith.constant 0 : i32
        %dma_start3A_640 = arith.constant 0 : i32
        %dma_start3A_641 = tpu.memref_slice %arg4[%dma_start3A_639, %dma_start3A_640] : memref<10000x128xf32, #tpu.memory_space<hbm>> -> memref<10000x128xf32, #tpu.memory_space<hbm>>
        tpu.enqueue_indirect_dma source(%dma_start3A_641 : memref<10000x128xf32, #tpu.memory_space<hbm>>) target(%arg12 : memref<80x128xf32, #tpu.memory_space<vmem>>) offsets(%dma_start3A_638 : memref<80xi32, #tpu.memory_space<vmem>>) semaphore(%arg15 : memref<!tpu.dma_semaphore, #tpu.memory_space<semaphore_mem>>)
        %add3A_642 = arith.constant 2 : i32
        %add3A_643 = arith.addi %add3A_412, %add3A_642 : i32
        %add3A_644 = arith.addi %select_n3A_7, %add3A_643 : i32
        %dma_start3A_645 = arith.constant 1 : i32
        %dma_start3A_646 = arith.constant 0 : i32
        %dma_start3A_647 = tpu.memref_slice %arg7[%dma_start3A_645, %dma_start3A_646] : memref<2x80xf32, #tpu.memory_space<vmem>> -> memref<1x80xf32, #tpu.memory_space<vmem>>
        %dma_start3A_648 = arith.constant 0 : i32
        %dma_start3A_649 = tpu.memref_slice %arg3[%arg1, %add3A_644, %dma_start3A_648] : memref<16x250x80xf32, #tpu.memory_space<hbm>> -> memref<1x1x80xf32, #tpu.memory_space<hbm>>
        %dma_start3A_650 = tpu.memref_squeeze %dma_start3A_649 : memref<1x1x80xf32, #tpu.memory_space<hbm>> -> memref<1x80xf32, #tpu.memory_space<hbm>>
        %dma_start3A_651 = arith.constant 1 : i32
        %dma_start3A_652 = arith.constant 0 : i32
        %dma_start3A_653 = tpu.memref_slice %arg7[%dma_start3A_651, %dma_start3A_652] : memref<2x80xf32, #tpu.memory_space<vmem>> -> memref<1x80xf32, #tpu.memory_space<vmem>>
        %dma_start3A_654 = arith.constant 0 : i32
        %dma_start3A_655 = tpu.memref_slice %arg3[%arg1, %add3A_644, %dma_start3A_654] : memref<16x250x80xf32, #tpu.memory_space<hbm>> -> memref<1x1x80xf32, #tpu.memory_space<hbm>>
        %dma_start3A_656 = tpu.memref_squeeze %dma_start3A_655 : memref<1x1x80xf32, #tpu.memory_space<hbm>> -> memref<1x80xf32, #tpu.memory_space<hbm>>
        tpu.enqueue_dma source(%dma_start3A_656 : memref<1x80xf32, #tpu.memory_space<hbm>>) target(%dma_start3A_653 : memref<1x80xf32, #tpu.memory_space<vmem>>) target_semaphore(%arg17 : memref<!tpu.dma_semaphore, #tpu.memory_space<semaphore_mem>>)
      } else {
      }
      %while3A_547 = arith.constant 0 : i32
      scf.yield %while3A_547 : i32
    }
    %while3A_265 = arith.constant 1 : i32
    %while3A_266 = scf.for %while3A_275 = %while3A_262 to %while3A_258 step %while3A_265 iter_args(%while3A_276 = %while3A_264) -> (i32)  : i32 {
      %mul3A_277 = arith.constant 2 : i32
      %mul3A_278 = arith.muli %while3A_275, %mul3A_277 : i32
      %add3A_279 = arith.constant 0 : i32
      %add3A_280 = arith.addi %mul3A_278, %add3A_279 : i32
      %dma_wait3A = arith.constant 0 : i32
      %dma_wait3A_281 = arith.constant 0 : i32
      %dma_wait3A_282 = tpu.memref_slice %arg8[%dma_wait3A, %dma_wait3A_281] : memref<2x80xi32, #tpu.memory_space<vmem>> -> memref<1x80xi32, #tpu.memory_space<vmem>>
      %dma_wait3A_283 = tpu.memref_squeeze %dma_wait3A_282 : memref<1x80xi32, #tpu.memory_space<vmem>> -> memref<80xi32, #tpu.memory_space<vmem>>
      %dma_wait3A_284 = arith.constant 0 : i32
      %dma_wait3A_285 = arith.constant 0 : i32
      %dma_wait3A_286 = tpu.memref_slice %arg4[%dma_wait3A_284, %dma_wait3A_285] : memref<10000x128xf32, #tpu.memory_space<hbm>> -> memref<10000x128xf32, #tpu.memory_space<hbm>>
      tpu.wait_indirect_dma semaphore(%arg14 : memref<!tpu.dma_semaphore, #tpu.memory_space<semaphore_mem>>) src(%dma_wait3A_286 : memref<10000x128xf32, #tpu.memory_space<hbm>>) dst(%arg11 : memref<80x128xf32, #tpu.memory_space<vmem>>)
      %add3A_287 = arith.addi %select_n3A_7, %add3A_280 : i32
      %dma_wait3A_288 = arith.constant 0 : i32
      %dma_wait3A_289 = arith.constant 0 : i32
      %dma_wait3A_290 = tpu.memref_slice %arg7[%dma_wait3A_288, %dma_wait3A_289] : memref<2x80xf32, #tpu.memory_space<vmem>> -> memref<1x80xf32, #tpu.memory_space<vmem>>
      %dma_wait3A_291 = arith.constant 0 : i32
      %dma_wait3A_292 = tpu.memref_slice %arg3[%arg1, %add3A_287, %dma_wait3A_291] : memref<16x250x80xf32, #tpu.memory_space<hbm>> -> memref<1x1x80xf32, #tpu.memory_space<hbm>>
      %dma_wait3A_293 = tpu.memref_squeeze %dma_wait3A_292 : memref<1x1x80xf32, #tpu.memory_space<hbm>> -> memref<1x80xf32, #tpu.memory_space<hbm>>
      %dma_wait3A_294 = arith.constant 0 : i32
      %dma_wait3A_295 = arith.constant 0 : i32
      %dma_wait3A_296 = tpu.memref_slice %arg7[%dma_wait3A_294, %dma_wait3A_295] : memref<2x80xf32, #tpu.memory_space<vmem>> -> memref<1x80xf32, #tpu.memory_space<vmem>>
      %dma_wait3A_297 = arith.constant 0 : i32
      %dma_wait3A_298 = tpu.memref_slice %arg3[%arg1, %add3A_287, %dma_wait3A_297] : memref<16x250x80xf32, #tpu.memory_space<hbm>> -> memref<1x1x80xf32, #tpu.memory_space<hbm>>
      %dma_wait3A_299 = tpu.memref_squeeze %dma_wait3A_298 : memref<1x1x80xf32, #tpu.memory_space<hbm>> -> memref<1x80xf32, #tpu.memory_space<hbm>>
      tpu.wait_dma2 semaphore(%arg16 : memref<!tpu.dma_semaphore, #tpu.memory_space<semaphore_mem>>) src(%dma_wait3A_299 : memref<1x80xf32, #tpu.memory_space<hbm>>) dst(%dma_wait3A_296 : memref<1x80xf32, #tpu.memory_space<vmem>>)
      %get3A_300 = arith.constant 0 : i32
      %get3A_301 = arith.index_cast %get3A_300 : i32 to index
      %get3A_302 = arith.constant 0 : index
      %get3A_303 = tpu.vector_load %arg8[%get3A_301, %get3A_302] {strides = array<i32>} : memref<2x80xi32, #tpu.memory_space<vmem>>, vector<16xi32>,
      %get3A_304 = arith.constant 0 : i32
      %get3A_305 = arith.index_cast %get3A_304 : i32 to index
      %get3A_306 = arith.constant 0 : index
      %get3A_307 = tpu.vector_load %arg9[%get3A_305, %get3A_306] {strides = array<i32>} : memref<2x80xi32, #tpu.memory_space<vmem>>, vector<16xi32>,
      %get3A_308 = arith.constant 0 : i32
      %get3A_309 = arith.index_cast %get3A_308 : i32 to index
      %get3A_310 = arith.constant 0 : index
      %get3A_311 = tpu.vector_load %arg7[%get3A_309, %get3A_310] {strides = array<i32>} : memref<2x80xf32, #tpu.memory_space<vmem>>, vector<16xf32>,
      %ne3A_312 = arith.cmpi ne, %get3A_303, %get3A_307 : vector<16xi32>
      %jit3A_313 = arith.constant 0.000000e+00 : f32
      %broadcast_in_dim3A = vector.broadcast %jit3A_313 : f32 to vector<16xf32>
      %select_n3A_314 = arith.select %ne3A_312, %get3A_311, %broadcast_in_dim3A : vector<16xi1>, vector<16xf32>
      %swap3A_315 = arith.constant 0 : i32
      %swap3A_316 = arith.index_cast %swap3A_315 : i32 to index
      %swap3A_317 = arith.constant 0 : index
      %swap3A_318 = tpu.vector_load %arg10[%swap3A_316, %swap3A_317] {strides = array<i32>} : memref<2x80xf32, #tpu.memory_space<vmem>>, vector<16xf32>,
      tpu.vector_store %arg10[%swap3A_316, %swap3A_317], %select_n3A_314 {strides = array<i32>} : memref<2x80xf32, #tpu.memory_space<vmem>>, vector<16xf32>,
      %get3A_319 = arith.constant 0 : i32
      %get3A_320 = arith.index_cast %get3A_319 : i32 to index
      %get3A_321 = arith.constant 16 : index
      %get3A_322 = tpu.vector_load %arg8[%get3A_320, %get3A_321] {strides = array<i32>} : memref<2x80xi32, #tpu.memory_space<vmem>>, vector<16xi32>,
      %get3A_323 = arith.constant 0 : i32
      %get3A_324 = arith.index_cast %get3A_323 : i32 to index
      %get3A_325 = arith.constant 16 : index
      %get3A_326 = tpu.vector_load %arg9[%get3A_324, %get3A_325] {strides = array<i32>} : memref<2x80xi32, #tpu.memory_space<vmem>>, vector<16xi32>,
      %get3A_327 = arith.constant 0 : i32
      %get3A_328 = arith.index_cast %get3A_327 : i32 to index
      %get3A_329 = arith.constant 16 : index
      %get3A_330 = tpu.vector_load %arg7[%get3A_328, %get3A_329] {strides = array<i32>} : memref<2x80xf32, #tpu.memory_space<vmem>>, vector<16xf32>,
      %ne3A_331 = arith.cmpi ne, %get3A_322, %get3A_326 : vector<16xi32>
      %jit3A_332 = arith.constant 0.000000e+00 : f32
      %broadcast_in_dim3A_333 = vector.broadcast %jit3A_332 : f32 to vector<16xf32>
      %select_n3A_334 = arith.select %ne3A_331, %get3A_330, %broadcast_in_dim3A_333 : vector<16xi1>, vector<16xf32>
      %swap3A_335 = arith.constant 0 : i32
      %swap3A_336 = arith.index_cast %swap3A_335 : i32 to index
      %swap3A_337 = arith.constant 16 : index
      %swap3A_338 = tpu.vector_load %arg10[%swap3A_336, %swap3A_337] {strides = array<i32>} : memref<2x80xf32, #tpu.memory_space<vmem>>, vector<16xf32>,
      tpu.vector_store %arg10[%swap3A_336, %swap3A_337], %select_n3A_334 {strides = array<i32>} : memref<2x80xf32, #tpu.memory_space<vmem>>, vector<16xf32>,
      %get3A_339 = arith.constant 0 : i32
      %get3A_340 = arith.index_cast %get3A_339 : i32 to index
      %get3A_341 = arith.constant 32 : index
      %get3A_342 = tpu.vector_load %arg8[%get3A_340, %get3A_341] {strides = array<i32>} : memref<2x80xi32, #tpu.memory_space<vmem>>, vector<16xi32>,
      %get3A_343 = arith.constant 0 : i32
      %get3A_344 = arith.index_cast %get3A_343 : i32 to index
      %get3A_345 = arith.constant 32 : index
      %get3A_346 = tpu.vector_load %arg9[%get3A_344, %get3A_345] {strides = array<i32>} : memref<2x80xi32, #tpu.memory_space<vmem>>, vector<16xi32>,
      %get3A_347 = arith.constant 0 : i32
      %get3A_348 = arith.index_cast %get3A_347 : i32 to index
      %get3A_349 = arith.constant 32 : index
      %get3A_350 = tpu.vector_load %arg7[%get3A_348, %get3A_349] {strides = array<i32>} : memref<2x80xf32, #tpu.memory_space<vmem>>, vector<16xf32>,
      %ne3A_351 = arith.cmpi ne, %get3A_342, %get3A_346 : vector<16xi32>
      %jit3A_352 = arith.constant 0.000000e+00 : f32
      %broadcast_in_dim3A_353 = vector.broadcast %jit3A_352 : f32 to vector<16xf32>
      %select_n3A_354 = arith.select %ne3A_351, %get3A_350, %broadcast_in_dim3A_353 : vector<16xi1>, vector<16xf32>
      %swap3A_355 = arith.constant 0 : i32
      %swap3A_356 = arith.index_cast %swap3A_355 : i32 to index
      %swap3A_357 = arith.constant 32 : index
      %swap3A_358 = tpu.vector_load %arg10[%swap3A_356, %swap3A_357] {strides = array<i32>} : memref<2x80xf32, #tpu.memory_space<vmem>>, vector<16xf32>,
      tpu.vector_store %arg10[%swap3A_356, %swap3A_357], %select_n3A_354 {strides = array<i32>} : memref<2x80xf32, #tpu.memory_space<vmem>>, vector<16xf32>,
      %get3A_359 = arith.constant 0 : i32
      %get3A_360 = arith.index_cast %get3A_359 : i32 to index
      %get3A_361 = arith.constant 48 : index
      %get3A_362 = tpu.vector_load %arg8[%get3A_360, %get3A_361] {strides = array<i32>} : memref<2x80xi32, #tpu.memory_space<vmem>>, vector<16xi32>,
      %get3A_363 = arith.constant 0 : i32
      %get3A_364 = arith.index_cast %get3A_363 : i32 to index
      %get3A_365 = arith.constant 48 : index
      %get3A_366 = tpu.vector_load %arg9[%get3A_364, %get3A_365] {strides = array<i32>} : memref<2x80xi32, #tpu.memory_space<vmem>>, vector<16xi32>,
      %get3A_367 = arith.constant 0 : i32
      %get3A_368 = arith.index_cast %get3A_367 : i32 to index
      %get3A_369 = arith.constant 48 : index
      %get3A_370 = tpu.vector_load %arg7[%get3A_368, %get3A_369] {strides = array<i32>} : memref<2x80xf32, #tpu.memory_space<vmem>>, vector<16xf32>,
      %ne3A_371 = arith.cmpi ne, %get3A_362, %get3A_366 : vector<16xi32>
      %jit3A_372 = arith.constant 0.000000e+00 : f32
      %broadcast_in_dim3A_373 = vector.broadcast %jit3A_372 : f32 to vector<16xf32>
      %select_n3A_374 = arith.select %ne3A_371, %get3A_370, %broadcast_in_dim3A_373 : vector<16xi1>, vector<16xf32>
      %swap3A_375 = arith.constant 0 : i32
      %swap3A_376 = arith.index_cast %swap3A_375 : i32 to index
      %swap3A_377 = arith.constant 48 : index
      %swap3A_378 = tpu.vector_load %arg10[%swap3A_376, %swap3A_377] {strides = array<i32>} : memref<2x80xf32, #tpu.memory_space<vmem>>, vector<16xf32>,
      tpu.vector_store %arg10[%swap3A_376, %swap3A_377], %select_n3A_374 {strides = array<i32>} : memref<2x80xf32, #tpu.memory_space<vmem>>, vector<16xf32>,
      %get3A_379 = arith.constant 0 : i32
      %get3A_380 = arith.index_cast %get3A_379 : i32 to index
      %get3A_381 = arith.constant 64 : index
      %get3A_382 = tpu.vector_load %arg8[%get3A_380, %get3A_381] {strides = array<i32>} : memref<2x80xi32, #tpu.memory_space<vmem>>, vector<16xi32>,
      %get3A_383 = arith.constant 0 : i32
      %get3A_384 = arith.index_cast %get3A_383 : i32 to index
      %get3A_385 = arith.constant 64 : index
      %get3A_386 = tpu.vector_load %arg9[%get3A_384, %get3A_385] {strides = array<i32>} : memref<2x80xi32, #tpu.memory_space<vmem>>, vector<16xi32>,
      %get3A_387 = arith.constant 0 : i32
      %get3A_388 = arith.index_cast %get3A_387 : i32 to index
      %get3A_389 = arith.constant 64 : index
      %get3A_390 = tpu.vector_load %arg7[%get3A_388, %get3A_389] {strides = array<i32>} : memref<2x80xf32, #tpu.memory_space<vmem>>, vector<16xf32>,
      %ne3A_391 = arith.cmpi ne, %get3A_382, %get3A_386 : vector<16xi32>
      %jit3A_392 = arith.constant 0.000000e+00 : f32
      %broadcast_in_dim3A_393 = vector.broadcast %jit3A_392 : f32 to vector<16xf32>
      %select_n3A_394 = arith.select %ne3A_391, %get3A_390, %broadcast_in_dim3A_393 : vector<16xi1>, vector<16xf32>
      %swap3A_395 = arith.constant 0 : i32
      %swap3A_396 = arith.index_cast %swap3A_395 : i32 to index
      %swap3A_397 = arith.constant 64 : index
      %swap3A_398 = tpu.vector_load %arg10[%swap3A_396, %swap3A_397] {strides = array<i32>} : memref<2x80xf32, #tpu.memory_space<vmem>>, vector<16xf32>,
      tpu.vector_store %arg10[%swap3A_396, %swap3A_397], %select_n3A_394 {strides = array<i32>} : memref<2x80xf32, #tpu.memory_space<vmem>>, vector<16xf32>,
      %scan3A_399 = arith.constant 0 : i32
      %scan3A_400 = arith.constant 0 : i32
      %scan3A_401 = arith.constant 80 : i32
      %scan3A_402 = arith.addi %scan3A_400, %scan3A_401 : i32
      %scan3A_403 = arith.constant 1 : i32
      %scan3A_404 = scf.for %scan3A_548 = %scan3A_400 to %scan3A_402 step %scan3A_403 iter_args(%scan3A_549 = %scan3A_399) -> (i32)  : i32 {
        %broadcast_in_dim3A_550 = arith.constant 0 : i32
        %broadcast_in_dim3A_551 = vector.broadcast %broadcast_in_dim3A_550 : i32 to vector<16xi32>
        %broadcast_in_dim3A_552 = vector.broadcast %scan3A_548 : i32 to vector<16xi32>
        %gather3A = tpu.vector_load_idx %arg10[%broadcast_in_dim3A_551, %broadcast_in_dim3A_552] : memref<2x80xf32, #tpu.memory_space<vmem>>[vector<16xi32>, vector<16xi32>], vector<16xf32>,
        %get3A_553 = arith.index_cast %scan3A_548 : i32 to index
        %get3A_554 = arith.constant 0 : index
        %get3A_555 = tpu.vector_load %arg11[%get3A_553, %get3A_554] {strides = array<i32>} : memref<80x128xf32, #tpu.memory_space<vmem>>, vector<16xf32>,
        %mul3A_556 = arith.mulf %get3A_555, %gather3A : vector<16xf32>
        %swap3A_557 = arith.index_cast %scan3A_548 : i32 to index
        %swap3A_558 = arith.constant 0 : index
        %swap3A_559 = tpu.vector_load %arg11[%swap3A_557, %swap3A_558] {strides = array<i32>} : memref<80x128xf32, #tpu.memory_space<vmem>>, vector<16xf32>,
        tpu.vector_store %arg11[%swap3A_557, %swap3A_558], %mul3A_556 {strides = array<i32>} : memref<80x128xf32, #tpu.memory_space<vmem>>, vector<16xf32>,
        %get3A_560 = arith.index_cast %scan3A_548 : i32 to index
        %get3A_561 = arith.constant 16 : index
        %get3A_562 = tpu.vector_load %arg11[%get3A_560, %get3A_561] {strides = array<i32>} : memref<80x128xf32, #tpu.memory_space<vmem>>, vector<16xf32>,
        %mul3A_563 = arith.mulf %get3A_562, %gather3A : vector<16xf32>
        %swap3A_564 = arith.index_cast %scan3A_548 : i32 to index
        %swap3A_565 = arith.constant 16 : index
        %swap3A_566 = tpu.vector_load %arg11[%swap3A_564, %swap3A_565] {strides = array<i32>} : memref<80x128xf32, #tpu.memory_space<vmem>>, vector<16xf32>,
        tpu.vector_store %arg11[%swap3A_564, %swap3A_565], %mul3A_563 {strides = array<i32>} : memref<80x128xf32, #tpu.memory_space<vmem>>, vector<16xf32>,
        %get3A_567 = arith.index_cast %scan3A_548 : i32 to index
        %get3A_568 = arith.constant 32 : index
        %get3A_569 = tpu.vector_load %arg11[%get3A_567, %get3A_568] {strides = array<i32>} : memref<80x128xf32, #tpu.memory_space<vmem>>, vector<16xf32>,
        %mul3A_570 = arith.mulf %get3A_569, %gather3A : vector<16xf32>
        %swap3A_571 = arith.index_cast %scan3A_548 : i32 to index
        %swap3A_572 = arith.constant 32 : index
        %swap3A_573 = tpu.vector_load %arg11[%swap3A_571, %swap3A_572] {strides = array<i32>} : memref<80x128xf32, #tpu.memory_space<vmem>>, vector<16xf32>,
        tpu.vector_store %arg11[%swap3A_571, %swap3A_572], %mul3A_570 {strides = array<i32>} : memref<80x128xf32, #tpu.memory_space<vmem>>, vector<16xf32>,
        %get3A_574 = arith.index_cast %scan3A_548 : i32 to index
        %get3A_575 = arith.constant 48 : index
        %get3A_576 = tpu.vector_load %arg11[%get3A_574, %get3A_575] {strides = array<i32>} : memref<80x128xf32, #tpu.memory_space<vmem>>, vector<16xf32>,
        %mul3A_577 = arith.mulf %get3A_576, %gather3A : vector<16xf32>
        %swap3A_578 = arith.index_cast %scan3A_548 : i32 to index
        %swap3A_579 = arith.constant 48 : index
        %swap3A_580 = tpu.vector_load %arg11[%swap3A_578, %swap3A_579] {strides = array<i32>} : memref<80x128xf32, #tpu.memory_space<vmem>>, vector<16xf32>,
        tpu.vector_store %arg11[%swap3A_578, %swap3A_579], %mul3A_577 {strides = array<i32>} : memref<80x128xf32, #tpu.memory_space<vmem>>, vector<16xf32>,
        %get3A_581 = arith.index_cast %scan3A_548 : i32 to index
        %get3A_582 = arith.constant 64 : index
        %get3A_583 = tpu.vector_load %arg11[%get3A_581, %get3A_582] {strides = array<i32>} : memref<80x128xf32, #tpu.memory_space<vmem>>, vector<16xf32>,
        %mul3A_584 = arith.mulf %get3A_583, %gather3A : vector<16xf32>
        %swap3A_585 = arith.index_cast %scan3A_548 : i32 to index
        %swap3A_586 = arith.constant 64 : index
        %swap3A_587 = tpu.vector_load %arg11[%swap3A_585, %swap3A_586] {strides = array<i32>} : memref<80x128xf32, #tpu.memory_space<vmem>>, vector<16xf32>,
        tpu.vector_store %arg11[%swap3A_585, %swap3A_586], %mul3A_584 {strides = array<i32>} : memref<80x128xf32, #tpu.memory_space<vmem>>, vector<16xf32>,
        %get3A_588 = arith.index_cast %scan3A_548 : i32 to index
        %get3A_589 = arith.constant 80 : index
        %get3A_590 = tpu.vector_load %arg11[%get3A_588, %get3A_589] {strides = array<i32>} : memref<80x128xf32, #tpu.memory_space<vmem>>, vector<16xf32>,
        %mul3A_591 = arith.mulf %get3A_590, %gather3A : vector<16xf32>
        %swap3A_592 = arith.index_cast %scan3A_548 : i32 to index
        %swap3A_593 = arith.constant 80 : index
        %swap3A_594 = tpu.vector_load %arg11[%swap3A_592, %swap3A_593] {strides = array<i32>} : memref<80x128xf32, #tpu.memory_space<vmem>>, vector<16xf32>,
        tpu.vector_store %arg11[%swap3A_592, %swap3A_593], %mul3A_591 {strides = array<i32>} : memref<80x128xf32, #tpu.memory_space<vmem>>, vector<16xf32>,
        %get3A_595 = arith.index_cast %scan3A_548 : i32 to index
        %get3A_596 = arith.constant 96 : index
        %get3A_597 = tpu.vector_load %arg11[%get3A_595, %get3A_596] {strides = array<i32>} : memref<80x128xf32, #tpu.memory_space<vmem>>, vector<16xf32>,
        %mul3A_598 = arith.mulf %get3A_597, %gather3A : vector<16xf32>
        %swap3A_599 = arith.index_cast %scan3A_548 : i32 to index
        %swap3A_600 = arith.constant 96 : index
        %swap3A_601 = tpu.vector_load %arg11[%swap3A_599, %swap3A_600] {strides = array<i32>} : memref<80x128xf32, #tpu.memory_space<vmem>>, vector<16xf32>,
        tpu.vector_store %arg11[%swap3A_599, %swap3A_600], %mul3A_598 {strides = array<i32>} : memref<80x128xf32, #tpu.memory_space<vmem>>, vector<16xf32>,
        %get3A_602 = arith.index_cast %scan3A_548 : i32 to index
        %get3A_603 = arith.constant 112 : index
        %get3A_604 = tpu.vector_load %arg11[%get3A_602, %get3A_603] {strides = array<i32>} : memref<80x128xf32, #tpu.memory_space<vmem>>, vector<16xf32>,
        %mul3A_605 = arith.mulf %get3A_604, %gather3A : vector<16xf32>
        %swap3A_606 = arith.index_cast %scan3A_548 : i32 to index
        %swap3A_607 = arith.constant 112 : index
        %swap3A_608 = tpu.vector_load %arg11[%swap3A_606, %swap3A_607] {strides = array<i32>} : memref<80x128xf32, #tpu.memory_space<vmem>>, vector<16xf32>,
        tpu.vector_store %arg11[%swap3A_606, %swap3A_607], %mul3A_605 {strides = array<i32>} : memref<80x128xf32, #tpu.memory_space<vmem>>, vector<16xf32>,
        %scan3A_609 = arith.constant 0 : i32
        scf.yield %scan3A_609 : i32
      }
      %scan3A_405 = arith.constant 80 : i32
      %run_scoped3A = arith.constant 0 : i32
      "tpu.region"() ({
        %run_scoped3A_548 = tpu.sem_alloc : memref<!tpu.dma_semaphore, #tpu.memory_space<semaphore_mem>>
        %dma_start3A_549 = arith.constant 0 : i32
        %dma_start3A_550 = tpu.memref_slice %arg9[%run_scoped3A, %dma_start3A_549] : memref<2x80xi32, #tpu.memory_space<vmem>> -> memref<1x80xi32, #tpu.memory_space<vmem>>
        %dma_start3A_551 = tpu.memref_squeeze %dma_start3A_550 : memref<1x80xi32, #tpu.memory_space<vmem>> -> memref<80xi32, #tpu.memory_space<vmem>>
        %dma_start3A_552 = arith.constant 0 : i32
        %dma_start3A_553 = arith.constant 0 : i32
        %dma_start3A_554 = tpu.memref_slice %arg13[%dma_start3A_552, %dma_start3A_553] : memref<10240x128xf32, #tpu.memory_space<vmem_shared>> -> memref<10240x128xf32, #tpu.memory_space<vmem_shared>>
        tpu.enqueue_indirect_dma source(%arg11 : memref<80x128xf32, #tpu.memory_space<vmem>>) target(%dma_start3A_554 : memref<10240x128xf32, #tpu.memory_space<vmem_shared>>) offsets(%dma_start3A_551 : memref<80xi32, #tpu.memory_space<vmem>>) semaphore(%run_scoped3A_548 : memref<!tpu.dma_semaphore, #tpu.memory_space<semaphore_mem>>) {add = true}
        %dma_wait3A_555 = arith.constant 0 : i32
        %dma_wait3A_556 = tpu.memref_slice %arg9[%run_scoped3A, %dma_wait3A_555] : memref<2x80xi32, #tpu.memory_space<vmem>> -> memref<1x80xi32, #tpu.memory_space<vmem>>
        %dma_wait3A_557 = tpu.memref_squeeze %dma_wait3A_556 : memref<1x80xi32, #tpu.memory_space<vmem>> -> memref<80xi32, #tpu.memory_space<vmem>>
        %dma_wait3A_558 = arith.constant 0 : i32
        %dma_wait3A_559 = arith.constant 0 : i32
        %dma_wait3A_560 = tpu.memref_slice %arg13[%dma_wait3A_558, %dma_wait3A_559] : memref<10240x128xf32, #tpu.memory_space<vmem_shared>> -> memref<10240x128xf32, #tpu.memory_space<vmem_shared>>
        tpu.wait_indirect_dma semaphore(%run_scoped3A_548 : memref<!tpu.dma_semaphore, #tpu.memory_space<semaphore_mem>>) src(%arg11 : memref<80x128xf32, #tpu.memory_space<vmem>>) dst(%dma_wait3A_560 : memref<10240x128xf32, #tpu.memory_space<vmem_shared>>)
        tpu.yield
      }) : () -> ()
      %add3A_406 = arith.constant 2 : i32
      %add3A_407 = arith.addi %add3A_280, %add3A_406 : i32
      %lt3A = arith.cmpi slt, %add3A_407, %select_n3A : i32
      %convert_element_type3A = arith.extui %lt3A : i1 to i32
      %cond3A = arith.constant 0 : i32
      %cond3A_408 = arith.cmpi ne, %convert_element_type3A, %cond3A : i32
      scf.if %cond3A_408 {
        %add3A_548 = arith.constant 2 : i32
        %add3A_549 = arith.addi %add3A_280, %add3A_548 : i32
        %get3A_550 = arith.index_cast %add3A_549 : i32 to index
        %get3A_551 = arith.constant 0 : index
        %get3A_552 = tpu.vector_load %arg6[%get3A_550, %get3A_551] {strides = array<i32>} : memref<126x80xi32, #tpu.memory_space<vmem>>, vector<16xi32>,
        %and3A_553 = arith.constant 16383 : i32
        %and3A_554 = vector.broadcast %and3A_553 : i32 to vector<16xi32>
        %and3A_555 = arith.andi %get3A_552, %and3A_554 : vector<16xi32>
        %shift_right_logical3A_556 = arith.constant 14 : i32
        %shift_right_logical3A_557 = vector.broadcast %shift_right_logical3A_556 : i32 to vector<16xi32>
        %shift_right_logical3A_558 = arith.shrui %get3A_552, %shift_right_logical3A_557 : vector<16xi32>
        %swap3A_559 = arith.constant 0 : i32
        %swap3A_560 = arith.index_cast %swap3A_559 : i32 to index
        %swap3A_561 = arith.constant 0 : index
        %swap3A_562 = tpu.vector_load %arg8[%swap3A_560, %swap3A_561] {strides = array<i32>} : memref<2x80xi32, #tpu.memory_space<vmem>>, vector<16xi32>,
        tpu.vector_store %arg8[%swap3A_560, %swap3A_561], %and3A_555 {strides = array<i32>} : memref<2x80xi32, #tpu.memory_space<vmem>>, vector<16xi32>,
        %swap3A_563 = arith.constant 0 : i32
        %swap3A_564 = arith.index_cast %swap3A_563 : i32 to index
        %swap3A_565 = arith.constant 0 : index
        %swap3A_566 = tpu.vector_load %arg9[%swap3A_564, %swap3A_565] {strides = array<i32>} : memref<2x80xi32, #tpu.memory_space<vmem>>, vector<16xi32>,
        tpu.vector_store %arg9[%swap3A_564, %swap3A_565], %shift_right_logical3A_558 {strides = array<i32>} : memref<2x80xi32, #tpu.memory_space<vmem>>, vector<16xi32>,
        %get3A_567 = arith.index_cast %add3A_549 : i32 to index
        %get3A_568 = arith.constant 16 : index
        %get3A_569 = tpu.vector_load %arg6[%get3A_567, %get3A_568] {strides = array<i32>} : memref<126x80xi32, #tpu.memory_space<vmem>>, vector<16xi32>,
        %and3A_570 = arith.constant 16383 : i32
        %and3A_571 = vector.broadcast %and3A_570 : i32 to vector<16xi32>
        %and3A_572 = arith.andi %get3A_569, %and3A_571 : vector<16xi32>
        %shift_right_logical3A_573 = arith.constant 14 : i32
        %shift_right_logical3A_574 = vector.broadcast %shift_right_logical3A_573 : i32 to vector<16xi32>
        %shift_right_logical3A_575 = arith.shrui %get3A_569, %shift_right_logical3A_574 : vector<16xi32>
        %swap3A_576 = arith.constant 0 : i32
        %swap3A_577 = arith.index_cast %swap3A_576 : i32 to index
        %swap3A_578 = arith.constant 16 : index
        %swap3A_579 = tpu.vector_load %arg8[%swap3A_577, %swap3A_578] {strides = array<i32>} : memref<2x80xi32, #tpu.memory_space<vmem>>, vector<16xi32>,
        tpu.vector_store %arg8[%swap3A_577, %swap3A_578], %and3A_572 {strides = array<i32>} : memref<2x80xi32, #tpu.memory_space<vmem>>, vector<16xi32>,
        %swap3A_580 = arith.constant 0 : i32
        %swap3A_581 = arith.index_cast %swap3A_580 : i32 to index
        %swap3A_582 = arith.constant 16 : index
        %swap3A_583 = tpu.vector_load %arg9[%swap3A_581, %swap3A_582] {strides = array<i32>} : memref<2x80xi32, #tpu.memory_space<vmem>>, vector<16xi32>,
        tpu.vector_store %arg9[%swap3A_581, %swap3A_582], %shift_right_logical3A_575 {strides = array<i32>} : memref<2x80xi32, #tpu.memory_space<vmem>>, vector<16xi32>,
        %get3A_584 = arith.index_cast %add3A_549 : i32 to index
        %get3A_585 = arith.constant 32 : index
        %get3A_586 = tpu.vector_load %arg6[%get3A_584, %get3A_585] {strides = array<i32>} : memref<126x80xi32, #tpu.memory_space<vmem>>, vector<16xi32>,
        %and3A_587 = arith.constant 16383 : i32
        %and3A_588 = vector.broadcast %and3A_587 : i32 to vector<16xi32>
        %and3A_589 = arith.andi %get3A_586, %and3A_588 : vector<16xi32>
        %shift_right_logical3A_590 = arith.constant 14 : i32
        %shift_right_logical3A_591 = vector.broadcast %shift_right_logical3A_590 : i32 to vector<16xi32>
        %shift_right_logical3A_592 = arith.shrui %get3A_586, %shift_right_logical3A_591 : vector<16xi32>
        %swap3A_593 = arith.constant 0 : i32
        %swap3A_594 = arith.index_cast %swap3A_593 : i32 to index
        %swap3A_595 = arith.constant 32 : index
        %swap3A_596 = tpu.vector_load %arg8[%swap3A_594, %swap3A_595] {strides = array<i32>} : memref<2x80xi32, #tpu.memory_space<vmem>>, vector<16xi32>,
        tpu.vector_store %arg8[%swap3A_594, %swap3A_595], %and3A_589 {strides = array<i32>} : memref<2x80xi32, #tpu.memory_space<vmem>>, vector<16xi32>,
        %swap3A_597 = arith.constant 0 : i32
        %swap3A_598 = arith.index_cast %swap3A_597 : i32 to index
        %swap3A_599 = arith.constant 32 : index
        %swap3A_600 = tpu.vector_load %arg9[%swap3A_598, %swap3A_599] {strides = array<i32>} : memref<2x80xi32, #tpu.memory_space<vmem>>, vector<16xi32>,
        tpu.vector_store %arg9[%swap3A_598, %swap3A_599], %shift_right_logical3A_592 {strides = array<i32>} : memref<2x80xi32, #tpu.memory_space<vmem>>, vector<16xi32>,
        %get3A_601 = arith.index_cast %add3A_549 : i32 to index
        %get3A_602 = arith.constant 48 : index
        %get3A_603 = tpu.vector_load %arg6[%get3A_601, %get3A_602] {strides = array<i32>} : memref<126x80xi32, #tpu.memory_space<vmem>>, vector<16xi32>,
        %and3A_604 = arith.constant 16383 : i32
        %and3A_605 = vector.broadcast %and3A_604 : i32 to vector<16xi32>
        %and3A_606 = arith.andi %get3A_603, %and3A_605 : vector<16xi32>
        %shift_right_logical3A_607 = arith.constant 14 : i32
        %shift_right_logical3A_608 = vector.broadcast %shift_right_logical3A_607 : i32 to vector<16xi32>
        %shift_right_logical3A_609 = arith.shrui %get3A_603, %shift_right_logical3A_608 : vector<16xi32>
        %swap3A_610 = arith.constant 0 : i32
        %swap3A_611 = arith.index_cast %swap3A_610 : i32 to index
        %swap3A_612 = arith.constant 48 : index
        %swap3A_613 = tpu.vector_load %arg8[%swap3A_611, %swap3A_612] {strides = array<i32>} : memref<2x80xi32, #tpu.memory_space<vmem>>, vector<16xi32>,
        tpu.vector_store %arg8[%swap3A_611, %swap3A_612], %and3A_606 {strides = array<i32>} : memref<2x80xi32, #tpu.memory_space<vmem>>, vector<16xi32>,
        %swap3A_614 = arith.constant 0 : i32
        %swap3A_615 = arith.index_cast %swap3A_614 : i32 to index
        %swap3A_616 = arith.constant 48 : index
        %swap3A_617 = tpu.vector_load %arg9[%swap3A_615, %swap3A_616] {strides = array<i32>} : memref<2x80xi32, #tpu.memory_space<vmem>>, vector<16xi32>,
        tpu.vector_store %arg9[%swap3A_615, %swap3A_616], %shift_right_logical3A_609 {strides = array<i32>} : memref<2x80xi32, #tpu.memory_space<vmem>>, vector<16xi32>,
        %get3A_618 = arith.index_cast %add3A_549 : i32 to index
        %get3A_619 = arith.constant 64 : index
        %get3A_620 = tpu.vector_load %arg6[%get3A_618, %get3A_619] {strides = array<i32>} : memref<126x80xi32, #tpu.memory_space<vmem>>, vector<16xi32>,
        %and3A_621 = arith.constant 16383 : i32
        %and3A_622 = vector.broadcast %and3A_621 : i32 to vector<16xi32>
        %and3A_623 = arith.andi %get3A_620, %and3A_622 : vector<16xi32>
        %shift_right_logical3A_624 = arith.constant 14 : i32
        %shift_right_logical3A_625 = vector.broadcast %shift_right_logical3A_624 : i32 to vector<16xi32>
        %shift_right_logical3A_626 = arith.shrui %get3A_620, %shift_right_logical3A_625 : vector<16xi32>
        %swap3A_627 = arith.constant 0 : i32
        %swap3A_628 = arith.index_cast %swap3A_627 : i32 to index
        %swap3A_629 = arith.constant 64 : index
        %swap3A_630 = tpu.vector_load %arg8[%swap3A_628, %swap3A_629] {strides = array<i32>} : memref<2x80xi32, #tpu.memory_space<vmem>>, vector<16xi32>,
        tpu.vector_store %arg8[%swap3A_628, %swap3A_629], %and3A_623 {strides = array<i32>} : memref<2x80xi32, #tpu.memory_space<vmem>>, vector<16xi32>,
        %swap3A_631 = arith.constant 0 : i32
        %swap3A_632 = arith.index_cast %swap3A_631 : i32 to index
        %swap3A_633 = arith.constant 64 : index
        %swap3A_634 = tpu.vector_load %arg9[%swap3A_632, %swap3A_633] {strides = array<i32>} : memref<2x80xi32, #tpu.memory_space<vmem>>, vector<16xi32>,
        tpu.vector_store %arg9[%swap3A_632, %swap3A_633], %shift_right_logical3A_626 {strides = array<i32>} : memref<2x80xi32, #tpu.memory_space<vmem>>, vector<16xi32>,
        %dma_start3A_635 = arith.constant 0 : i32
        %dma_start3A_636 = arith.constant 0 : i32
        %dma_start3A_637 = tpu.memref_slice %arg8[%dma_start3A_635, %dma_start3A_636] : memref<2x80xi32, #tpu.memory_space<vmem>> -> memref<1x80xi32, #tpu.memory_space<vmem>>
        %dma_start3A_638 = tpu.memref_squeeze %dma_start3A_637 : memref<1x80xi32, #tpu.memory_space<vmem>> -> memref<80xi32, #tpu.memory_space<vmem>>
        %dma_start3A_639 = arith.constant 0 : i32
        %dma_start3A_640 = arith.constant 0 : i32
        %dma_start3A_641 = tpu.memref_slice %arg4[%dma_start3A_639, %dma_start3A_640] : memref<10000x128xf32, #tpu.memory_space<hbm>> -> memref<10000x128xf32, #tpu.memory_space<hbm>>
        tpu.enqueue_indirect_dma source(%dma_start3A_641 : memref<10000x128xf32, #tpu.memory_space<hbm>>) target(%arg11 : memref<80x128xf32, #tpu.memory_space<vmem>>) offsets(%dma_start3A_638 : memref<80xi32, #tpu.memory_space<vmem>>) semaphore(%arg14 : memref<!tpu.dma_semaphore, #tpu.memory_space<semaphore_mem>>)
        %add3A_642 = arith.constant 2 : i32
        %add3A_643 = arith.addi %add3A_280, %add3A_642 : i32
        %add3A_644 = arith.addi %select_n3A_7, %add3A_643 : i32
        %dma_start3A_645 = arith.constant 0 : i32
        %dma_start3A_646 = arith.constant 0 : i32
        %dma_start3A_647 = tpu.memref_slice %arg7[%dma_start3A_645, %dma_start3A_646] : memref<2x80xf32, #tpu.memory_space<vmem>> -> memref<1x80xf32, #tpu.memory_space<vmem>>
        %dma_start3A_648 = arith.constant 0 : i32
        %dma_start3A_649 = tpu.memref_slice %arg3[%arg1, %add3A_644, %dma_start3A_648] : memref<16x250x80xf32, #tpu.memory_space<hbm>> -> memref<1x1x80xf32, #tpu.memory_space<hbm>>
        %dma_start3A_650 = tpu.memref_squeeze %dma_start3A_649 : memref<1x1x80xf32, #tpu.memory_space<hbm>> -> memref<1x80xf32, #tpu.memory_space<hbm>>
        %dma_start3A_651 = arith.constant 0 : i32
        %dma_start3A_652 = arith.constant 0 : i32
        %dma_start3A_653 = tpu.memref_slice %arg7[%dma_start3A_651, %dma_start3A_652] : memref<2x80xf32, #tpu.memory_space<vmem>> -> memref<1x80xf32, #tpu.memory_space<vmem>>
        %dma_start3A_654 = arith.constant 0 : i32
        %dma_start3A_655 = tpu.memref_slice %arg3[%arg1, %add3A_644, %dma_start3A_654] : memref<16x250x80xf32, #tpu.memory_space<hbm>> -> memref<1x1x80xf32, #tpu.memory_space<hbm>>
        %dma_start3A_656 = tpu.memref_squeeze %dma_start3A_655 : memref<1x1x80xf32, #tpu.memory_space<hbm>> -> memref<1x80xf32, #tpu.memory_space<hbm>>
        tpu.enqueue_dma source(%dma_start3A_656 : memref<1x80xf32, #tpu.memory_space<hbm>>) target(%dma_start3A_653 : memref<1x80xf32, #tpu.memory_space<vmem>>) target_semaphore(%arg16 : memref<!tpu.dma_semaphore, #tpu.memory_space<semaphore_mem>>)
      } else {
      }
      %mul3A_409 = arith.constant 2 : i32
      %mul3A_410 = arith.muli %while3A_275, %mul3A_409 : i32
      %add3A_411 = arith.constant 1 : i32
      %add3A_412 = arith.addi %mul3A_410, %add3A_411 : i32
      %dma_wait3A_413 = arith.constant 1 : i32
      %dma_wait3A_414 = arith.constant 0 : i32
      %dma_wait3A_415 = tpu.memref_slice %arg8[%dma_wait3A_413, %dma_wait3A_414] : memref<2x80xi32, #tpu.memory_space<vmem>> -> memref<1x80xi32, #tpu.memory_space<vmem>>
      %dma_wait3A_416 = tpu.memref_squeeze %dma_wait3A_415 : memref<1x80xi32, #tpu.memory_space<vmem>> -> memref<80xi32, #tpu.memory_space<vmem>>
      %dma_wait3A_417 = arith.constant 0 : i32
      %dma_wait3A_418 = arith.constant 0 : i32
      %dma_wait3A_419 = tpu.memref_slice %arg4[%dma_wait3A_417, %dma_wait3A_418] : memref<10000x128xf32, #tpu.memory_space<hbm>> -> memref<10000x128xf32, #tpu.memory_space<hbm>>
      tpu.wait_indirect_dma semaphore(%arg15 : memref<!tpu.dma_semaphore, #tpu.memory_space<semaphore_mem>>) src(%dma_wait3A_419 : memref<10000x128xf32, #tpu.memory_space<hbm>>) dst(%arg12 : memref<80x128xf32, #tpu.memory_space<vmem>>)
      %add3A_420 = arith.addi %select_n3A_7, %add3A_412 : i32
      %dma_wait3A_421 = arith.constant 1 : i32
      %dma_wait3A_422 = arith.constant 0 : i32
      %dma_wait3A_423 = tpu.memref_slice %arg7[%dma_wait3A_421, %dma_wait3A_422] : memref<2x80xf32, #tpu.memory_space<vmem>> -> memref<1x80xf32, #tpu.memory_space<vmem>>
      %dma_wait3A_424 = arith.constant 0 : i32
      %dma_wait3A_425 = tpu.memref_slice %arg3[%arg1, %add3A_420, %dma_wait3A_424] : memref<16x250x80xf32, #tpu.memory_space<hbm>> -> memref<1x1x80xf32, #tpu.memory_space<hbm>>
      %dma_wait3A_426 = tpu.memref_squeeze %dma_wait3A_425 : memref<1x1x80xf32, #tpu.memory_space<hbm>> -> memref<1x80xf32, #tpu.memory_space<hbm>>
      %dma_wait3A_427 = arith.constant 1 : i32
      %dma_wait3A_428 = arith.constant 0 : i32
      %dma_wait3A_429 = tpu.memref_slice %arg7[%dma_wait3A_427, %dma_wait3A_428] : memref<2x80xf32, #tpu.memory_space<vmem>> -> memref<1x80xf32, #tpu.memory_space<vmem>>
      %dma_wait3A_430 = arith.constant 0 : i32
      %dma_wait3A_431 = tpu.memref_slice %arg3[%arg1, %add3A_420, %dma_wait3A_430] : memref<16x250x80xf32, #tpu.memory_space<hbm>> -> memref<1x1x80xf32, #tpu.memory_space<hbm>>
      %dma_wait3A_432 = tpu.memref_squeeze %dma_wait3A_431 : memref<1x1x80xf32, #tpu.memory_space<hbm>> -> memref<1x80xf32, #tpu.memory_space<hbm>>
      tpu.wait_dma2 semaphore(%arg17 : memref<!tpu.dma_semaphore, #tpu.memory_space<semaphore_mem>>) src(%dma_wait3A_432 : memref<1x80xf32, #tpu.memory_space<hbm>>) dst(%dma_wait3A_429 : memref<1x80xf32, #tpu.memory_space<vmem>>)
      %get3A_433 = arith.constant 1 : i32
      %get3A_434 = arith.index_cast %get3A_433 : i32 to index
      %get3A_435 = arith.constant 0 : index
      %get3A_436 = tpu.vector_load %arg8[%get3A_434, %get3A_435] {strides = array<i32>} : memref<2x80xi32, #tpu.memory_space<vmem>>, vector<16xi32>,
      %get3A_437 = arith.constant 1 : i32
      %get3A_438 = arith.index_cast %get3A_437 : i32 to index
      %get3A_439 = arith.constant 0 : index
      %get3A_440 = tpu.vector_load %arg9[%get3A_438, %get3A_439] {strides = array<i32>} : memref<2x80xi32, #tpu.memory_space<vmem>>, vector<16xi32>,
      %get3A_441 = arith.constant 1 : i32
      %get3A_442 = arith.index_cast %get3A_441 : i32 to index
      %get3A_443 = arith.constant 0 : index
      %get3A_444 = tpu.vector_load %arg7[%get3A_442, %get3A_443] {strides = array<i32>} : memref<2x80xf32, #tpu.memory_space<vmem>>, vector<16xf32>,
      %ne3A_445 = arith.cmpi ne, %get3A_436, %get3A_440 : vector<16xi32>
      %jit3A_446 = arith.constant 0.000000e+00 : f32
      %broadcast_in_dim3A_447 = vector.broadcast %jit3A_446 : f32 to vector<16xf32>
      %select_n3A_448 = arith.select %ne3A_445, %get3A_444, %broadcast_in_dim3A_447 : vector<16xi1>, vector<16xf32>
      %swap3A_449 = arith.constant 1 : i32
      %swap3A_450 = arith.index_cast %swap3A_449 : i32 to index
      %swap3A_451 = arith.constant 0 : index
      %swap3A_452 = tpu.vector_load %arg10[%swap3A_450, %swap3A_451] {strides = array<i32>} : memref<2x80xf32, #tpu.memory_space<vmem>>, vector<16xf32>,
      tpu.vector_store %arg10[%swap3A_450, %swap3A_451], %select_n3A_448 {strides = array<i32>} : memref<2x80xf32, #tpu.memory_space<vmem>>, vector<16xf32>,
      %get3A_453 = arith.constant 1 : i32
      %get3A_454 = arith.index_cast %get3A_453 : i32 to index
      %get3A_455 = arith.constant 16 : index
      %get3A_456 = tpu.vector_load %arg8[%get3A_454, %get3A_455] {strides = array<i32>} : memref<2x80xi32, #tpu.memory_space<vmem>>, vector<16xi32>,
      %get3A_457 = arith.constant 1 : i32
      %get3A_458 = arith.index_cast %get3A_457 : i32 to index
      %get3A_459 = arith.constant 16 : index
      %get3A_460 = tpu.vector_load %arg9[%get3A_458, %get3A_459] {strides = array<i32>} : memref<2x80xi32, #tpu.memory_space<vmem>>, vector<16xi32>,
      %get3A_461 = arith.constant 1 : i32
      %get3A_462 = arith.index_cast %get3A_461 : i32 to index
      %get3A_463 = arith.constant 16 : index
      %get3A_464 = tpu.vector_load %arg7[%get3A_462, %get3A_463] {strides = array<i32>} : memref<2x80xf32, #tpu.memory_space<vmem>>, vector<16xf32>,
      %ne3A_465 = arith.cmpi ne, %get3A_456, %get3A_460 : vector<16xi32>
      %jit3A_466 = arith.constant 0.000000e+00 : f32
      %broadcast_in_dim3A_467 = vector.broadcast %jit3A_466 : f32 to vector<16xf32>
      %select_n3A_468 = arith.select %ne3A_465, %get3A_464, %broadcast_in_dim3A_467 : vector<16xi1>, vector<16xf32>
      %swap3A_469 = arith.constant 1 : i32
      %swap3A_470 = arith.index_cast %swap3A_469 : i32 to index
      %swap3A_471 = arith.constant 16 : index
      %swap3A_472 = tpu.vector_load %arg10[%swap3A_470, %swap3A_471] {strides = array<i32>} : memref<2x80xf32, #tpu.memory_space<vmem>>, vector<16xf32>,
      tpu.vector_store %arg10[%swap3A_470, %swap3A_471], %select_n3A_468 {strides = array<i32>} : memref<2x80xf32, #tpu.memory_space<vmem>>, vector<16xf32>,
      %get3A_473 = arith.constant 1 : i32
      %get3A_474 = arith.index_cast %get3A_473 : i32 to index
      %get3A_475 = arith.constant 32 : index
      %get3A_476 = tpu.vector_load %arg8[%get3A_474, %get3A_475] {strides = array<i32>} : memref<2x80xi32, #tpu.memory_space<vmem>>, vector<16xi32>,
      %get3A_477 = arith.constant 1 : i32
      %get3A_478 = arith.index_cast %get3A_477 : i32 to index
      %get3A_479 = arith.constant 32 : index
      %get3A_480 = tpu.vector_load %arg9[%get3A_478, %get3A_479] {strides = array<i32>} : memref<2x80xi32, #tpu.memory_space<vmem>>, vector<16xi32>,
      %get3A_481 = arith.constant 1 : i32
      %get3A_482 = arith.index_cast %get3A_481 : i32 to index
      %get3A_483 = arith.constant 32 : index
      %get3A_484 = tpu.vector_load %arg7[%get3A_482, %get3A_483] {strides = array<i32>} : memref<2x80xf32, #tpu.memory_space<vmem>>, vector<16xf32>,
      %ne3A_485 = arith.cmpi ne, %get3A_476, %get3A_480 : vector<16xi32>
      %jit3A_486 = arith.constant 0.000000e+00 : f32
      %broadcast_in_dim3A_487 = vector.broadcast %jit3A_486 : f32 to vector<16xf32>
      %select_n3A_488 = arith.select %ne3A_485, %get3A_484, %broadcast_in_dim3A_487 : vector<16xi1>, vector<16xf32>
      %swap3A_489 = arith.constant 1 : i32
      %swap3A_490 = arith.index_cast %swap3A_489 : i32 to index
      %swap3A_491 = arith.constant 32 : index
      %swap3A_492 = tpu.vector_load %arg10[%swap3A_490, %swap3A_491] {strides = array<i32>} : memref<2x80xf32, #tpu.memory_space<vmem>>, vector<16xf32>,
      tpu.vector_store %arg10[%swap3A_490, %swap3A_491], %select_n3A_488 {strides = array<i32>} : memref<2x80xf32, #tpu.memory_space<vmem>>, vector<16xf32>,
      %get3A_493 = arith.constant 1 : i32
      %get3A_494 = arith.index_cast %get3A_493 : i32 to index
      %get3A_495 = arith.constant 48 : index
      %get3A_496 = tpu.vector_load %arg8[%get3A_494, %get3A_495] {strides = array<i32>} : memref<2x80xi32, #tpu.memory_space<vmem>>, vector<16xi32>,
      %get3A_497 = arith.constant 1 : i32
      %get3A_498 = arith.index_cast %get3A_497 : i32 to index
      %get3A_499 = arith.constant 48 : index
      %get3A_500 = tpu.vector_load %arg9[%get3A_498, %get3A_499] {strides = array<i32>} : memref<2x80xi32, #tpu.memory_space<vmem>>, vector<16xi32>,
      %get3A_501 = arith.constant 1 : i32
      %get3A_502 = arith.index_cast %get3A_501 : i32 to index
      %get3A_503 = arith.constant 48 : index
      %get3A_504 = tpu.vector_load %arg7[%get3A_502, %get3A_503] {strides = array<i32>} : memref<2x80xf32, #tpu.memory_space<vmem>>, vector<16xf32>,
      %ne3A_505 = arith.cmpi ne, %get3A_496, %get3A_500 : vector<16xi32>
      %jit3A_506 = arith.constant 0.000000e+00 : f32
      %broadcast_in_dim3A_507 = vector.broadcast %jit3A_506 : f32 to vector<16xf32>
      %select_n3A_508 = arith.select %ne3A_505, %get3A_504, %broadcast_in_dim3A_507 : vector<16xi1>, vector<16xf32>
      %swap3A_509 = arith.constant 1 : i32
      %swap3A_510 = arith.index_cast %swap3A_509 : i32 to index
      %swap3A_511 = arith.constant 48 : index
      %swap3A_512 = tpu.vector_load %arg10[%swap3A_510, %swap3A_511] {strides = array<i32>} : memref<2x80xf32, #tpu.memory_space<vmem>>, vector<16xf32>,
      tpu.vector_store %arg10[%swap3A_510, %swap3A_511], %select_n3A_508 {strides = array<i32>} : memref<2x80xf32, #tpu.memory_space<vmem>>, vector<16xf32>,
      %get3A_513 = arith.constant 1 : i32
      %get3A_514 = arith.index_cast %get3A_513 : i32 to index
      %get3A_515 = arith.constant 64 : index
      %get3A_516 = tpu.vector_load %arg8[%get3A_514, %get3A_515] {strides = array<i32>} : memref<2x80xi32, #tpu.memory_space<vmem>>, vector<16xi32>,
      %get3A_517 = arith.constant 1 : i32
      %get3A_518 = arith.index_cast %get3A_517 : i32 to index
      %get3A_519 = arith.constant 64 : index
      %get3A_520 = tpu.vector_load %arg9[%get3A_518, %get3A_519] {strides = array<i32>} : memref<2x80xi32, #tpu.memory_space<vmem>>, vector<16xi32>,
      %get3A_521 = arith.constant 1 : i32
      %get3A_522 = arith.index_cast %get3A_521 : i32 to index
      %get3A_523 = arith.constant 64 : index
      %get3A_524 = tpu.vector_load %arg7[%get3A_522, %get3A_523] {strides = array<i32>} : memref<2x80xf32, #tpu.memory_space<vmem>>, vector<16xf32>,
      %ne3A_525 = arith.cmpi ne, %get3A_516, %get3A_520 : vector<16xi32>
      %jit3A_526 = arith.constant 0.000000e+00 : f32
      %broadcast_in_dim3A_527 = vector.broadcast %jit3A_526 : f32 to vector<16xf32>
      %select_n3A_528 = arith.select %ne3A_525, %get3A_524, %broadcast_in_dim3A_527 : vector<16xi1>, vector<16xf32>
      %swap3A_529 = arith.constant 1 : i32
      %swap3A_530 = arith.index_cast %swap3A_529 : i32 to index
      %swap3A_531 = arith.constant 64 : index
      %swap3A_532 = tpu.vector_load %arg10[%swap3A_530, %swap3A_531] {strides = array<i32>} : memref<2x80xf32, #tpu.memory_space<vmem>>, vector<16xf32>,
      tpu.vector_store %arg10[%swap3A_530, %swap3A_531], %select_n3A_528 {strides = array<i32>} : memref<2x80xf32, #tpu.memory_space<vmem>>, vector<16xf32>,
      %scan3A_533 = arith.constant 0 : i32
      %scan3A_534 = arith.constant 0 : i32
      %scan3A_535 = arith.constant 80 : i32
      %scan3A_536 = arith.addi %scan3A_534, %scan3A_535 : i32
      %scan3A_537 = arith.constant 1 : i32
      %scan3A_538 = scf.for %scan3A_548 = %scan3A_534 to %scan3A_536 step %scan3A_537 iter_args(%scan3A_549 = %scan3A_533) -> (i32)  : i32 {
        %broadcast_in_dim3A_550 = arith.constant 1 : i32
        %broadcast_in_dim3A_551 = vector.broadcast %broadcast_in_dim3A_550 : i32 to vector<16xi32>
        %broadcast_in_dim3A_552 = vector.broadcast %scan3A_548 : i32 to vector<16xi32>
        %gather3A = tpu.vector_load_idx %arg10[%broadcast_in_dim3A_551, %broadcast_in_dim3A_552] : memref<2x80xf32, #tpu.memory_space<vmem>>[vector<16xi32>, vector<16xi32>], vector<16xf32>,
        %get3A_553 = arith.index_cast %scan3A_548 : i32 to index
        %get3A_554 = arith.constant 0 : index
        %get3A_555 = tpu.vector_load %arg12[%get3A_553, %get3A_554] {strides = array<i32>} : memref<80x128xf32, #tpu.memory_space<vmem>>, vector<16xf32>,
        %mul3A_556 = arith.mulf %get3A_555, %gather3A : vector<16xf32>
        %swap3A_557 = arith.index_cast %scan3A_548 : i32 to index
        %swap3A_558 = arith.constant 0 : index
        %swap3A_559 = tpu.vector_load %arg12[%swap3A_557, %swap3A_558] {strides = array<i32>} : memref<80x128xf32, #tpu.memory_space<vmem>>, vector<16xf32>,
        tpu.vector_store %arg12[%swap3A_557, %swap3A_558], %mul3A_556 {strides = array<i32>} : memref<80x128xf32, #tpu.memory_space<vmem>>, vector<16xf32>,
        %get3A_560 = arith.index_cast %scan3A_548 : i32 to index
        %get3A_561 = arith.constant 16 : index
        %get3A_562 = tpu.vector_load %arg12[%get3A_560, %get3A_561] {strides = array<i32>} : memref<80x128xf32, #tpu.memory_space<vmem>>, vector<16xf32>,
        %mul3A_563 = arith.mulf %get3A_562, %gather3A : vector<16xf32>
        %swap3A_564 = arith.index_cast %scan3A_548 : i32 to index
        %swap3A_565 = arith.constant 16 : index
        %swap3A_566 = tpu.vector_load %arg12[%swap3A_564, %swap3A_565] {strides = array<i32>} : memref<80x128xf32, #tpu.memory_space<vmem>>, vector<16xf32>,
        tpu.vector_store %arg12[%swap3A_564, %swap3A_565], %mul3A_563 {strides = array<i32>} : memref<80x128xf32, #tpu.memory_space<vmem>>, vector<16xf32>,
        %get3A_567 = arith.index_cast %scan3A_548 : i32 to index
        %get3A_568 = arith.constant 32 : index
        %get3A_569 = tpu.vector_load %arg12[%get3A_567, %get3A_568] {strides = array<i32>} : memref<80x128xf32, #tpu.memory_space<vmem>>, vector<16xf32>,
        %mul3A_570 = arith.mulf %get3A_569, %gather3A : vector<16xf32>
        %swap3A_571 = arith.index_cast %scan3A_548 : i32 to index
        %swap3A_572 = arith.constant 32 : index
        %swap3A_573 = tpu.vector_load %arg12[%swap3A_571, %swap3A_572] {strides = array<i32>} : memref<80x128xf32, #tpu.memory_space<vmem>>, vector<16xf32>,
        tpu.vector_store %arg12[%swap3A_571, %swap3A_572], %mul3A_570 {strides = array<i32>} : memref<80x128xf32, #tpu.memory_space<vmem>>, vector<16xf32>,
        %get3A_574 = arith.index_cast %scan3A_548 : i32 to index
        %get3A_575 = arith.constant 48 : index
        %get3A_576 = tpu.vector_load %arg12[%get3A_574, %get3A_575] {strides = array<i32>} : memref<80x128xf32, #tpu.memory_space<vmem>>, vector<16xf32>,
        %mul3A_577 = arith.mulf %get3A_576, %gather3A : vector<16xf32>
        %swap3A_578 = arith.index_cast %scan3A_548 : i32 to index
        %swap3A_579 = arith.constant 48 : index
        %swap3A_580 = tpu.vector_load %arg12[%swap3A_578, %swap3A_579] {strides = array<i32>} : memref<80x128xf32, #tpu.memory_space<vmem>>, vector<16xf32>,
        tpu.vector_store %arg12[%swap3A_578, %swap3A_579], %mul3A_577 {strides = array<i32>} : memref<80x128xf32, #tpu.memory_space<vmem>>, vector<16xf32>,
        %get3A_581 = arith.index_cast %scan3A_548 : i32 to index
        %get3A_582 = arith.constant 64 : index
        %get3A_583 = tpu.vector_load %arg12[%get3A_581, %get3A_582] {strides = array<i32>} : memref<80x128xf32, #tpu.memory_space<vmem>>, vector<16xf32>,
        %mul3A_584 = arith.mulf %get3A_583, %gather3A : vector<16xf32>
        %swap3A_585 = arith.index_cast %scan3A_548 : i32 to index
        %swap3A_586 = arith.constant 64 : index
        %swap3A_587 = tpu.vector_load %arg12[%swap3A_585, %swap3A_586] {strides = array<i32>} : memref<80x128xf32, #tpu.memory_space<vmem>>, vector<16xf32>,
        tpu.vector_store %arg12[%swap3A_585, %swap3A_586], %mul3A_584 {strides = array<i32>} : memref<80x128xf32, #tpu.memory_space<vmem>>, vector<16xf32>,
        %get3A_588 = arith.index_cast %scan3A_548 : i32 to index
        %get3A_589 = arith.constant 80 : index
        %get3A_590 = tpu.vector_load %arg12[%get3A_588, %get3A_589] {strides = array<i32>} : memref<80x128xf32, #tpu.memory_space<vmem>>, vector<16xf32>,
        %mul3A_591 = arith.mulf %get3A_590, %gather3A : vector<16xf32>
        %swap3A_592 = arith.index_cast %scan3A_548 : i32 to index
        %swap3A_593 = arith.constant 80 : index
        %swap3A_594 = tpu.vector_load %arg12[%swap3A_592, %swap3A_593] {strides = array<i32>} : memref<80x128xf32, #tpu.memory_space<vmem>>, vector<16xf32>,
        tpu.vector_store %arg12[%swap3A_592, %swap3A_593], %mul3A_591 {strides = array<i32>} : memref<80x128xf32, #tpu.memory_space<vmem>>, vector<16xf32>,
        %get3A_595 = arith.index_cast %scan3A_548 : i32 to index
        %get3A_596 = arith.constant 96 : index
        %get3A_597 = tpu.vector_load %arg12[%get3A_595, %get3A_596] {strides = array<i32>} : memref<80x128xf32, #tpu.memory_space<vmem>>, vector<16xf32>,
        %mul3A_598 = arith.mulf %get3A_597, %gather3A : vector<16xf32>
        %swap3A_599 = arith.index_cast %scan3A_548 : i32 to index
        %swap3A_600 = arith.constant 96 : index
        %swap3A_601 = tpu.vector_load %arg12[%swap3A_599, %swap3A_600] {strides = array<i32>} : memref<80x128xf32, #tpu.memory_space<vmem>>, vector<16xf32>,
        tpu.vector_store %arg12[%swap3A_599, %swap3A_600], %mul3A_598 {strides = array<i32>} : memref<80x128xf32, #tpu.memory_space<vmem>>, vector<16xf32>,
        %get3A_602 = arith.index_cast %scan3A_548 : i32 to index
        %get3A_603 = arith.constant 112 : index
        %get3A_604 = tpu.vector_load %arg12[%get3A_602, %get3A_603] {strides = array<i32>} : memref<80x128xf32, #tpu.memory_space<vmem>>, vector<16xf32>,
        %mul3A_605 = arith.mulf %get3A_604, %gather3A : vector<16xf32>
        %swap3A_606 = arith.index_cast %scan3A_548 : i32 to index
        %swap3A_607 = arith.constant 112 : index
        %swap3A_608 = tpu.vector_load %arg12[%swap3A_606, %swap3A_607] {strides = array<i32>} : memref<80x128xf32, #tpu.memory_space<vmem>>, vector<16xf32>,
        tpu.vector_store %arg12[%swap3A_606, %swap3A_607], %mul3A_605 {strides = array<i32>} : memref<80x128xf32, #tpu.memory_space<vmem>>, vector<16xf32>,
        %scan3A_609 = arith.constant 0 : i32
        scf.yield %scan3A_609 : i32
      }
      %scan3A_539 = arith.constant 80 : i32
      %run_scoped3A_540 = arith.constant 1 : i32
      "tpu.region"() ({
        %run_scoped3A_548 = tpu.sem_alloc : memref<!tpu.dma_semaphore, #tpu.memory_space<semaphore_mem>>
        %dma_start3A_549 = arith.constant 0 : i32
        %dma_start3A_550 = tpu.memref_slice %arg9[%run_scoped3A_540, %dma_start3A_549] : memref<2x80xi32, #tpu.memory_space<vmem>> -> memref<1x80xi32, #tpu.memory_space<vmem>>
        %dma_start3A_551 = tpu.memref_squeeze %dma_start3A_550 : memref<1x80xi32, #tpu.memory_space<vmem>> -> memref<80xi32, #tpu.memory_space<vmem>>
        %dma_start3A_552 = arith.constant 0 : i32
        %dma_start3A_553 = arith.constant 0 : i32
        %dma_start3A_554 = tpu.memref_slice %arg13[%dma_start3A_552, %dma_start3A_553] : memref<10240x128xf32, #tpu.memory_space<vmem_shared>> -> memref<10240x128xf32, #tpu.memory_space<vmem_shared>>
        tpu.enqueue_indirect_dma source(%arg12 : memref<80x128xf32, #tpu.memory_space<vmem>>) target(%dma_start3A_554 : memref<10240x128xf32, #tpu.memory_space<vmem_shared>>) offsets(%dma_start3A_551 : memref<80xi32, #tpu.memory_space<vmem>>) semaphore(%run_scoped3A_548 : memref<!tpu.dma_semaphore, #tpu.memory_space<semaphore_mem>>) {add = true}
        %dma_wait3A_555 = arith.constant 0 : i32
        %dma_wait3A_556 = tpu.memref_slice %arg9[%run_scoped3A_540, %dma_wait3A_555] : memref<2x80xi32, #tpu.memory_space<vmem>> -> memref<1x80xi32, #tpu.memory_space<vmem>>
        %dma_wait3A_557 = tpu.memref_squeeze %dma_wait3A_556 : memref<1x80xi32, #tpu.memory_space<vmem>> -> memref<80xi32, #tpu.memory_space<vmem>>
        %dma_wait3A_558 = arith.constant 0 : i32
        %dma_wait3A_559 = arith.constant 0 : i32
        %dma_wait3A_560 = tpu.memref_slice %arg13[%dma_wait3A_558, %dma_wait3A_559] : memref<10240x128xf32, #tpu.memory_space<vmem_shared>> -> memref<10240x128xf32, #tpu.memory_space<vmem_shared>>
        tpu.wait_indirect_dma semaphore(%run_scoped3A_548 : memref<!tpu.dma_semaphore, #tpu.memory_space<semaphore_mem>>) src(%arg12 : memref<80x128xf32, #tpu.memory_space<vmem>>) dst(%dma_wait3A_560 : memref<10240x128xf32, #tpu.memory_space<vmem_shared>>)
        tpu.yield
      }) : () -> ()
      %add3A_541 = arith.constant 2 : i32
      %add3A_542 = arith.addi %add3A_412, %add3A_541 : i32
      %lt3A_543 = arith.cmpi slt, %add3A_542, %select_n3A : i32
      %convert_element_type3A_544 = arith.extui %lt3A_543 : i1 to i32
      %cond3A_545 = arith.constant 0 : i32
      %cond3A_546 = arith.cmpi ne, %convert_element_type3A_544, %cond3A_545 : i32
      scf.if %cond3A_546 {
        %add3A_548 = arith.constant 2 : i32
        %add3A_549 = arith.addi %add3A_412, %add3A_548 : i32
        %get3A_550 = arith.index_cast %add3A_549 : i32 to index
        %get3A_551 = arith.constant 0 : index
        %get3A_552 = tpu.vector_load %arg6[%get3A_550, %get3A_551] {strides = array<i32>} : memref<126x80xi32, #tpu.memory_space<vmem>>, vector<16xi32>,
        %and3A_553 = arith.constant 16383 : i32
        %and3A_554 = vector.broadcast %and3A_553 : i32 to vector<16xi32>
        %and3A_555 = arith.andi %get3A_552, %and3A_554 : vector<16xi32>
        %shift_right_logical3A_556 = arith.constant 14 : i32
        %shift_right_logical3A_557 = vector.broadcast %shift_right_logical3A_556 : i32 to vector<16xi32>
        %shift_right_logical3A_558 = arith.shrui %get3A_552, %shift_right_logical3A_557 : vector<16xi32>
        %swap3A_559 = arith.constant 1 : i32
        %swap3A_560 = arith.index_cast %swap3A_559 : i32 to index
        %swap3A_561 = arith.constant 0 : index
        %swap3A_562 = tpu.vector_load %arg8[%swap3A_560, %swap3A_561] {strides = array<i32>} : memref<2x80xi32, #tpu.memory_space<vmem>>, vector<16xi32>,
        tpu.vector_store %arg8[%swap3A_560, %swap3A_561], %and3A_555 {strides = array<i32>} : memref<2x80xi32, #tpu.memory_space<vmem>>, vector<16xi32>,
        %swap3A_563 = arith.constant 1 : i32
        %swap3A_564 = arith.index_cast %swap3A_563 : i32 to index
        %swap3A_565 = arith.constant 0 : index
        %swap3A_566 = tpu.vector_load %arg9[%swap3A_564, %swap3A_565] {strides = array<i32>} : memref<2x80xi32, #tpu.memory_space<vmem>>, vector<16xi32>,
        tpu.vector_store %arg9[%swap3A_564, %swap3A_565], %shift_right_logical3A_558 {strides = array<i32>} : memref<2x80xi32, #tpu.memory_space<vmem>>, vector<16xi32>,
        %get3A_567 = arith.index_cast %add3A_549 : i32 to index
        %get3A_568 = arith.constant 16 : index
        %get3A_569 = tpu.vector_load %arg6[%get3A_567, %get3A_568] {strides = array<i32>} : memref<126x80xi32, #tpu.memory_space<vmem>>, vector<16xi32>,
        %and3A_570 = arith.constant 16383 : i32
        %and3A_571 = vector.broadcast %and3A_570 : i32 to vector<16xi32>
        %and3A_572 = arith.andi %get3A_569, %and3A_571 : vector<16xi32>
        %shift_right_logical3A_573 = arith.constant 14 : i32
        %shift_right_logical3A_574 = vector.broadcast %shift_right_logical3A_573 : i32 to vector<16xi32>
        %shift_right_logical3A_575 = arith.shrui %get3A_569, %shift_right_logical3A_574 : vector<16xi32>
        %swap3A_576 = arith.constant 1 : i32
        %swap3A_577 = arith.index_cast %swap3A_576 : i32 to index
        %swap3A_578 = arith.constant 16 : index
        %swap3A_579 = tpu.vector_load %arg8[%swap3A_577, %swap3A_578] {strides = array<i32>} : memref<2x80xi32, #tpu.memory_space<vmem>>, vector<16xi32>,
        tpu.vector_store %arg8[%swap3A_577, %swap3A_578], %and3A_572 {strides = array<i32>} : memref<2x80xi32, #tpu.memory_space<vmem>>, vector<16xi32>,
        %swap3A_580 = arith.constant 1 : i32
        %swap3A_581 = arith.index_cast %swap3A_580 : i32 to index
        %swap3A_582 = arith.constant 16 : index
        %swap3A_583 = tpu.vector_load %arg9[%swap3A_581, %swap3A_582] {strides = array<i32>} : memref<2x80xi32, #tpu.memory_space<vmem>>, vector<16xi32>,
        tpu.vector_store %arg9[%swap3A_581, %swap3A_582], %shift_right_logical3A_575 {strides = array<i32>} : memref<2x80xi32, #tpu.memory_space<vmem>>, vector<16xi32>,
        %get3A_584 = arith.index_cast %add3A_549 : i32 to index
        %get3A_585 = arith.constant 32 : index
        %get3A_586 = tpu.vector_load %arg6[%get3A_584, %get3A_585] {strides = array<i32>} : memref<126x80xi32, #tpu.memory_space<vmem>>, vector<16xi32>,
        %and3A_587 = arith.constant 16383 : i32
        %and3A_588 = vector.broadcast %and3A_587 : i32 to vector<16xi32>
        %and3A_589 = arith.andi %get3A_586, %and3A_588 : vector<16xi32>
        %shift_right_logical3A_590 = arith.constant 14 : i32
        %shift_right_logical3A_591 = vector.broadcast %shift_right_logical3A_590 : i32 to vector<16xi32>
        %shift_right_logical3A_592 = arith.shrui %get3A_586, %shift_right_logical3A_591 : vector<16xi32>
        %swap3A_593 = arith.constant 1 : i32
        %swap3A_594 = arith.index_cast %swap3A_593 : i32 to index
        %swap3A_595 = arith.constant 32 : index
        %swap3A_596 = tpu.vector_load %arg8[%swap3A_594, %swap3A_595] {strides = array<i32>} : memref<2x80xi32, #tpu.memory_space<vmem>>, vector<16xi32>,
        tpu.vector_store %arg8[%swap3A_594, %swap3A_595], %and3A_589 {strides = array<i32>} : memref<2x80xi32, #tpu.memory_space<vmem>>, vector<16xi32>,
        %swap3A_597 = arith.constant 1 : i32
        %swap3A_598 = arith.index_cast %swap3A_597 : i32 to index
        %swap3A_599 = arith.constant 32 : index
        %swap3A_600 = tpu.vector_load %arg9[%swap3A_598, %swap3A_599] {strides = array<i32>} : memref<2x80xi32, #tpu.memory_space<vmem>>, vector<16xi32>,
        tpu.vector_store %arg9[%swap3A_598, %swap3A_599], %shift_right_logical3A_592 {strides = array<i32>} : memref<2x80xi32, #tpu.memory_space<vmem>>, vector<16xi32>,
        %get3A_601 = arith.index_cast %add3A_549 : i32 to index
        %get3A_602 = arith.constant 48 : index
        %get3A_603 = tpu.vector_load %arg6[%get3A_601, %get3A_602] {strides = array<i32>} : memref<126x80xi32, #tpu.memory_space<vmem>>, vector<16xi32>,
        %and3A_604 = arith.constant 16383 : i32
        %and3A_605 = vector.broadcast %and3A_604 : i32 to vector<16xi32>
        %and3A_606 = arith.andi %get3A_603, %and3A_605 : vector<16xi32>
        %shift_right_logical3A_607 = arith.constant 14 : i32
        %shift_right_logical3A_608 = vector.broadcast %shift_right_logical3A_607 : i32 to vector<16xi32>
        %shift_right_logical3A_609 = arith.shrui %get3A_603, %shift_right_logical3A_608 : vector<16xi32>
        %swap3A_610 = arith.constant 1 : i32
        %swap3A_611 = arith.index_cast %swap3A_610 : i32 to index
        %swap3A_612 = arith.constant 48 : index
        %swap3A_613 = tpu.vector_load %arg8[%swap3A_611, %swap3A_612] {strides = array<i32>} : memref<2x80xi32, #tpu.memory_space<vmem>>, vector<16xi32>,
        tpu.vector_store %arg8[%swap3A_611, %swap3A_612], %and3A_606 {strides = array<i32>} : memref<2x80xi32, #tpu.memory_space<vmem>>, vector<16xi32>,
        %swap3A_614 = arith.constant 1 : i32
        %swap3A_615 = arith.index_cast %swap3A_614 : i32 to index
        %swap3A_616 = arith.constant 48 : index
        %swap3A_617 = tpu.vector_load %arg9[%swap3A_615, %swap3A_616] {strides = array<i32>} : memref<2x80xi32, #tpu.memory_space<vmem>>, vector<16xi32>,
        tpu.vector_store %arg9[%swap3A_615, %swap3A_616], %shift_right_logical3A_609 {strides = array<i32>} : memref<2x80xi32, #tpu.memory_space<vmem>>, vector<16xi32>,
        %get3A_618 = arith.index_cast %add3A_549 : i32 to index
        %get3A_619 = arith.constant 64 : index
        %get3A_620 = tpu.vector_load %arg6[%get3A_618, %get3A_619] {strides = array<i32>} : memref<126x80xi32, #tpu.memory_space<vmem>>, vector<16xi32>,
        %and3A_621 = arith.constant 16383 : i32
        %and3A_622 = vector.broadcast %and3A_621 : i32 to vector<16xi32>
        %and3A_623 = arith.andi %get3A_620, %and3A_622 : vector<16xi32>
        %shift_right_logical3A_624 = arith.constant 14 : i32
        %shift_right_logical3A_625 = vector.broadcast %shift_right_logical3A_624 : i32 to vector<16xi32>
        %shift_right_logical3A_626 = arith.shrui %get3A_620, %shift_right_logical3A_625 : vector<16xi32>
        %swap3A_627 = arith.constant 1 : i32
        %swap3A_628 = arith.index_cast %swap3A_627 : i32 to index
        %swap3A_629 = arith.constant 64 : index
        %swap3A_630 = tpu.vector_load %arg8[%swap3A_628, %swap3A_629] {strides = array<i32>} : memref<2x80xi32, #tpu.memory_space<vmem>>, vector<16xi32>,
        tpu.vector_store %arg8[%swap3A_628, %swap3A_629], %and3A_623 {strides = array<i32>} : memref<2x80xi32, #tpu.memory_space<vmem>>, vector<16xi32>,
        %swap3A_631 = arith.constant 1 : i32
        %swap3A_632 = arith.index_cast %swap3A_631 : i32 to index
        %swap3A_633 = arith.constant 64 : index
        %swap3A_634 = tpu.vector_load %arg9[%swap3A_632, %swap3A_633] {strides = array<i32>} : memref<2x80xi32, #tpu.memory_space<vmem>>, vector<16xi32>,
        tpu.vector_store %arg9[%swap3A_632, %swap3A_633], %shift_right_logical3A_626 {strides = array<i32>} : memref<2x80xi32, #tpu.memory_space<vmem>>, vector<16xi32>,
        %dma_start3A_635 = arith.constant 1 : i32
        %dma_start3A_636 = arith.constant 0 : i32
        %dma_start3A_637 = tpu.memref_slice %arg8[%dma_start3A_635, %dma_start3A_636] : memref<2x80xi32, #tpu.memory_space<vmem>> -> memref<1x80xi32, #tpu.memory_space<vmem>>
        %dma_start3A_638 = tpu.memref_squeeze %dma_start3A_637 : memref<1x80xi32, #tpu.memory_space<vmem>> -> memref<80xi32, #tpu.memory_space<vmem>>
        %dma_start3A_639 = arith.constant 0 : i32
        %dma_start3A_640 = arith.constant 0 : i32
        %dma_start3A_641 = tpu.memref_slice %arg4[%dma_start3A_639, %dma_start3A_640] : memref<10000x128xf32, #tpu.memory_space<hbm>> -> memref<10000x128xf32, #tpu.memory_space<hbm>>
        tpu.enqueue_indirect_dma source(%dma_start3A_641 : memref<10000x128xf32, #tpu.memory_space<hbm>>) target(%arg12 : memref<80x128xf32, #tpu.memory_space<vmem>>) offsets(%dma_start3A_638 : memref<80xi32, #tpu.memory_space<vmem>>) semaphore(%arg15 : memref<!tpu.dma_semaphore, #tpu.memory_space<semaphore_mem>>)
        %add3A_642 = arith.constant 2 : i32
        %add3A_643 = arith.addi %add3A_412, %add3A_642 : i32
        %add3A_644 = arith.addi %select_n3A_7, %add3A_643 : i32
        %dma_start3A_645 = arith.constant 1 : i32
        %dma_start3A_646 = arith.constant 0 : i32
        %dma_start3A_647 = tpu.memref_slice %arg7[%dma_start3A_645, %dma_start3A_646] : memref<2x80xf32, #tpu.memory_space<vmem>> -> memref<1x80xf32, #tpu.memory_space<vmem>>
        %dma_start3A_648 = arith.constant 0 : i32
        %dma_start3A_649 = tpu.memref_slice %arg3[%arg1, %add3A_644, %dma_start3A_648] : memref<16x250x80xf32, #tpu.memory_space<hbm>> -> memref<1x1x80xf32, #tpu.memory_space<hbm>>
        %dma_start3A_650 = tpu.memref_squeeze %dma_start3A_649 : memref<1x1x80xf32, #tpu.memory_space<hbm>> -> memref<1x80xf32, #tpu.memory_space<hbm>>
        %dma_start3A_651 = arith.constant 1 : i32
        %dma_start3A_652 = arith.constant 0 : i32
        %dma_start3A_653 = tpu.memref_slice %arg7[%dma_start3A_651, %dma_start3A_652] : memref<2x80xf32, #tpu.memory_space<vmem>> -> memref<1x80xf32, #tpu.memory_space<vmem>>
        %dma_start3A_654 = arith.constant 0 : i32
        %dma_start3A_655 = tpu.memref_slice %arg3[%arg1, %add3A_644, %dma_start3A_654] : memref<16x250x80xf32, #tpu.memory_space<hbm>> -> memref<1x1x80xf32, #tpu.memory_space<hbm>>
        %dma_start3A_656 = tpu.memref_squeeze %dma_start3A_655 : memref<1x1x80xf32, #tpu.memory_space<hbm>> -> memref<1x80xf32, #tpu.memory_space<hbm>>
        tpu.enqueue_dma source(%dma_start3A_656 : memref<1x80xf32, #tpu.memory_space<hbm>>) target(%dma_start3A_653 : memref<1x80xf32, #tpu.memory_space<vmem>>) target_semaphore(%arg17 : memref<!tpu.dma_semaphore, #tpu.memory_space<semaphore_mem>>)
      } else {
      }
      %while3A_547 = arith.constant 0 : i32
      scf.yield %while3A_547 : i32
    }
    %barrier3A_267 = arith.constant 0 : index
    tpu.barrier barrier_id(%barrier3A_267)
    %scan3A_268 = arith.constant 0 : i32
    %scan3A_269 = arith.constant 0 : i32
    %scan3A_270 = arith.constant 5 : i32
    %scan3A_271 = arith.addi %scan3A_269, %scan3A_270 : i32
    %scan3A_272 = arith.constant 1 : i32
    %scan3A_273 = scf.for %scan3A_275 = %scan3A_269 to %scan3A_271 step %scan3A_272 iter_args(%scan3A_276 = %scan3A_268) -> (i32)  : i32 {
      %mul3A_277 = arith.constant 128 : i32
      %mul3A_278 = arith.muli %scan3A_275, %mul3A_277 : i32
      %add3A_279 = arith.addi %mul3A_0, %mul3A_278 : i32
      %multiple_of3A = tpu.assume_multiple %add3A_279, 128 : i32
      "tpu.region"() ({
        %run_scoped3A = tpu.sem_alloc : memref<!tpu.dma_semaphore, #tpu.memory_space<semaphore_mem>>
        %dma_start3A_281 = arith.constant 0 : i32
        %dma_start3A_282 = tpu.memref_slice %arg5[%arg0, %multiple_of3A, %dma_start3A_281] : memref<2x10240x128xf32, #tpu.memory_space<hbm>> -> memref<1x128x128xf32, #tpu.memory_space<hbm>>
        %dma_start3A_283 = tpu.memref_squeeze %dma_start3A_282 : memref<1x128x128xf32, #tpu.memory_space<hbm>> -> memref<128x128xf32, #tpu.memory_space<hbm>>
        %dma_start3A_284 = arith.constant 0 : i32
        %dma_start3A_285 = tpu.memref_slice %arg13[%multiple_of3A, %dma_start3A_284] : memref<10240x128xf32, #tpu.memory_space<vmem_shared>> -> memref<128x128xf32, #tpu.memory_space<vmem_shared>>
        tpu.enqueue_dma source(%dma_start3A_285 : memref<128x128xf32, #tpu.memory_space<vmem_shared>>) target(%dma_start3A_283 : memref<128x128xf32, #tpu.memory_space<hbm>>) target_semaphore(%run_scoped3A : memref<!tpu.dma_semaphore, #tpu.memory_space<semaphore_mem>>)
        %dma_wait3A = arith.constant 0 : i32
        %dma_wait3A_286 = tpu.memref_slice %arg5[%arg0, %multiple_of3A, %dma_wait3A] : memref<2x10240x128xf32, #tpu.memory_space<hbm>> -> memref<1x128x128xf32, #tpu.memory_space<hbm>>
        %dma_wait3A_287 = tpu.memref_squeeze %dma_wait3A_286 : memref<1x128x128xf32, #tpu.memory_space<hbm>> -> memref<128x128xf32, #tpu.memory_space<hbm>>
        %dma_wait3A_288 = arith.constant 0 : i32
        %dma_wait3A_289 = tpu.memref_slice %arg13[%multiple_of3A, %dma_wait3A_288] : memref<10240x128xf32, #tpu.memory_space<vmem_shared>> -> memref<128x128xf32, #tpu.memory_space<vmem_shared>>
        tpu.wait_dma2 semaphore(%run_scoped3A : memref<!tpu.dma_semaphore, #tpu.memory_space<semaphore_mem>>) src(%dma_wait3A_289 : memref<128x128xf32, #tpu.memory_space<vmem_shared>>) dst(%dma_wait3A_287 : memref<128x128xf32, #tpu.memory_space<hbm>>)
        tpu.yield
      }) : () -> ()
      %scan3A_280 = arith.constant 0 : i32
      scf.yield %scan3A_280 : i32
    }
    %scan3A_274 = arith.constant 5 : i32
    return
  }
}

module attributes {stable_mosaic.version = 14 : i64} {
  func.func @_stats_body(%arg0: i32, %arg1: memref<2000x128xf32, #tpu.memory_space<vmem>>, %arg2: memref<2000x1xf32, #tpu.memory_space<vmem>>, %arg3: memref<8x128xf32, #tpu.memory_space<vmem>>) attributes {dimension_semantics = [#tpu.dimension_semantics<arbitrary>], iteration_bounds = array<i64: 5>, scalar_prefetch = 0 : i64, scratch_operands = 0 : i64, tpu.core_type = #tpu.core_type<tc>, window_params = [{transform_indices = @transform_0, window_bounds = array<i64: 2000, 128>}, {transform_indices = @transform_1, window_bounds = array<i64: 2000, 1>}, {pipeline_mode = #tpu.pipeline_mode<synchronous>, transform_indices = @transform_2, window_bounds = array<i64: 8, 128>}]} {
    %get3A = arith.constant 0 : index
    %get3A_0 = arith.constant 0 : index
    %get3A_1 = vector.load %arg2[%get3A, %get3A_0] : memref<2000x1xf32, #tpu.memory_space<vmem>>, vector<2000x1xf32>
    %get3A_2 = arith.constant 0 : index
    %get3A_3 = arith.constant 0 : index
    %get3A_4 = vector.load %arg1[%get3A_2, %get3A_3] : memref<2000x128xf32, #tpu.memory_space<vmem>>, vector<2000x128xf32>
    %mul3A = vector.broadcast %get3A_1 : vector<2000x1xf32> to vector<2000x128xf32>
    %mul3A_5 = arith.mulf %mul3A, %get3A_4 : vector<2000x128xf32>
    %eq3A = arith.constant 0 : i32
    %eq3A_6 = arith.cmpi eq, %arg0, %eq3A : i32
    %convert_element_type3A = arith.extui %eq3A_6 : i1 to i32
    %cond3A = arith.constant 0 : i32
    %cond3A_7 = arith.cmpi ne, %convert_element_type3A, %cond3A : i32
    scf.if %cond3A_7 {
      %broadcast_in_dim3A_25 = arith.constant 0.000000e+00 : f32
      %broadcast_in_dim3A_26 = vector.broadcast %broadcast_in_dim3A_25 : f32 to vector<8x128xf32>
      %swap3A_27 = arith.constant 0 : index
      %swap3A_28 = arith.constant 0 : index
      %swap3A_29 = vector.load %arg3[%swap3A_27, %swap3A_28] : memref<8x128xf32, #tpu.memory_space<vmem>>, vector<8x128xf32>
      tpu.vector_store %arg3[%swap3A_27, %swap3A_28], %broadcast_in_dim3A_26 {strides = array<i32>} : memref<8x128xf32, #tpu.memory_space<vmem>>, vector<8x128xf32>,
    } else {
    }
    %get3A_8 = arith.constant 0 : index
    %get3A_9 = arith.constant 0 : index
    %get3A_10 = vector.load %arg3[%get3A_8, %get3A_9] : memref<8x128xf32, #tpu.memory_space<vmem>>, vector<1x128xf32>
    %reduce_sum3A = arith.constant dense<0.000000e+00> : vector<128xf32>
    %reduce_sum3A_11 = vector.multi_reduction <add>, %mul3A_5, %reduce_sum3A [0] : vector<2000x128xf32> to vector<128xf32>
    %broadcast_in_dim3A = vector.shape_cast %reduce_sum3A_11 : vector<128xf32> to vector<1x128xf32>
    %add3A = arith.addf %get3A_10, %broadcast_in_dim3A : vector<1x128xf32>
    %swap3A = arith.constant 0 : index
    %swap3A_12 = arith.constant 0 : index
    %swap3A_13 = vector.load %arg3[%swap3A, %swap3A_12] : memref<8x128xf32, #tpu.memory_space<vmem>>, vector<1x128xf32>
    tpu.vector_store %arg3[%swap3A, %swap3A_12], %add3A {strides = array<i32>} : memref<8x128xf32, #tpu.memory_space<vmem>>, vector<1x128xf32>,
    %get3A_14 = arith.constant 1 : index
    %get3A_15 = arith.constant 0 : index
    %get3A_16 = vector.load %arg3[%get3A_14, %get3A_15] : memref<8x128xf32, #tpu.memory_space<vmem>>, vector<1x128xf32>
    %mul3A_17 = arith.mulf %mul3A_5, %mul3A_5 : vector<2000x128xf32>
    %reduce_sum3A_18 = arith.constant dense<0.000000e+00> : vector<128xf32>
    %reduce_sum3A_19 = vector.multi_reduction <add>, %mul3A_17, %reduce_sum3A_18 [0] : vector<2000x128xf32> to vector<128xf32>
    %broadcast_in_dim3A_20 = vector.shape_cast %reduce_sum3A_19 : vector<128xf32> to vector<1x128xf32>
    %add3A_21 = arith.addf %get3A_16, %broadcast_in_dim3A_20 : vector<1x128xf32>
    %swap3A_22 = arith.constant 1 : index
    %swap3A_23 = arith.constant 0 : index
    %swap3A_24 = vector.load %arg3[%swap3A_22, %swap3A_23] : memref<8x128xf32, #tpu.memory_space<vmem>>, vector<1x128xf32>
    tpu.vector_store %arg3[%swap3A_22, %swap3A_23], %add3A_21 {strides = array<i32>} : memref<8x128xf32, #tpu.memory_space<vmem>>, vector<1x128xf32>,
    return
  }
  func.func @transform_0(%arg0: i32) -> (i32, i32) {
    %c0_i32 = arith.constant 0 : i32
    %c0_i32_0 = arith.constant 0 : i32
    return %arg0, %c0_i32 : i32, i32
  }
  func.func @transform_1(%arg0: i32) -> (i32, i32) {
    %c0_i32 = arith.constant 0 : i32
    %c0_i32_0 = arith.constant 0 : i32
    return %arg0, %c0_i32 : i32, i32
  }
  func.func @transform_2(%arg0: i32) -> (i32, i32) {
    %c0_i32 = arith.constant 0 : i32
    %c0_i32_0 = arith.constant 0 : i32
    %c0_i32_1 = arith.constant 0 : i32
    return %c0_i32, %c0_i32_0 : i32, i32
  }
}

module attributes {stable_mosaic.version = 14 : i64} {
  func.func @body(%arg0: i32, %arg1: memref<2000x128xf32, #tpu.memory_space<vmem>>, %arg2: memref<2000x1xf32, #tpu.memory_space<vmem>>, %arg3: memref<8x128xf32, #tpu.memory_space<vmem>>, %arg4: memref<128x128xf32, #tpu.memory_space<vmem>>, %arg5: memref<1x128xf32, #tpu.memory_space<vmem>>, %arg6: memref<1x128xf32, #tpu.memory_space<vmem>>, %arg7: memref<2000x1xf32, #tpu.memory_space<vmem>>, %arg8: memref<2000x1xf32, #tpu.memory_space<vmem>>, %arg9: memref<2000x1xf32, #tpu.memory_space<vmem>>, %arg10: memref<2000x1xf32, #tpu.memory_space<vmem>>, %arg11: memref<2000x128xf32, #tpu.memory_space<vmem>>) attributes {dimension_semantics = [#tpu.dimension_semantics<arbitrary>], iteration_bounds = array<i64: 5>, scalar_prefetch = 0 : i64, scratch_operands = 0 : i64, tpu.core_type = #tpu.core_type<tc>, window_params = [{transform_indices = @transform_0, window_bounds = array<i64: 2000, 128>}, {transform_indices = @transform_1, window_bounds = array<i64: 2000, 1>}, {pipeline_mode = #tpu.pipeline_mode<synchronous>, transform_indices = @transform_2, window_bounds = array<i64: 8, 128>}, {pipeline_mode = #tpu.pipeline_mode<synchronous>, transform_indices = @transform_3, window_bounds = array<i64: 128, 128>}, {pipeline_mode = #tpu.pipeline_mode<synchronous>, transform_indices = @transform_4, window_bounds = array<i64: 1, 128>}, {pipeline_mode = #tpu.pipeline_mode<synchronous>, transform_indices = @transform_5, window_bounds = array<i64: 1, 128>}, {transform_indices = @transform_6, window_bounds = array<i64: 2000, 1>}, {transform_indices = @transform_7, window_bounds = array<i64: 2000, 1>}, {transform_indices = @transform_8, window_bounds = array<i64: 2000, 1>}, {transform_indices = @transform_9, window_bounds = array<i64: 2000, 1>}, {transform_indices = @transform_10, window_bounds = array<i64: 2000, 128>}]} {
    %get3A = arith.constant 0 : index
    %get3A_0 = arith.constant 0 : index
    %get3A_1 = vector.load %arg3[%get3A, %get3A_0] : memref<8x128xf32, #tpu.memory_space<vmem>>, vector<1x128xf32>
    %mul3A = arith.constant 9.99999974E-5 : f32
    %mul3A_2 = vector.broadcast %mul3A : f32 to vector<1x128xf32>
    %mul3A_3 = arith.mulf %get3A_1, %mul3A_2 : vector<1x128xf32>
    %get3A_4 = arith.constant 1 : index
    %get3A_5 = arith.constant 0 : index
    %get3A_6 = vector.load %arg3[%get3A_4, %get3A_5] : memref<8x128xf32, #tpu.memory_space<vmem>>, vector<1x128xf32>
    %mul3A_7 = arith.constant 9.99999974E-5 : f32
    %mul3A_8 = vector.broadcast %mul3A_7 : f32 to vector<1x128xf32>
    %mul3A_9 = arith.mulf %get3A_6, %mul3A_8 : vector<1x128xf32>
    %mul3A_10 = arith.mulf %mul3A_3, %mul3A_3 : vector<1x128xf32>
    %sub3A = arith.subf %mul3A_9, %mul3A_10 : vector<1x128xf32>
    %get3A_11 = arith.constant 0 : index
    %get3A_12 = arith.constant 0 : index
    %get3A_13 = vector.load %arg5[%get3A_11, %get3A_12] : memref<1x128xf32, #tpu.memory_space<vmem>>, vector<1x128xf32>
    %add3A = arith.constant 9.99999974E-6 : f32
    %add3A_14 = vector.broadcast %add3A : f32 to vector<1x128xf32>
    %add3A_15 = arith.addf %sub3A, %add3A_14 : vector<1x128xf32>
    %rsqrt3A = math.rsqrt %add3A_15 : vector<1x128xf32>
    %mul3A_16 = arith.mulf %get3A_13, %rsqrt3A : vector<1x128xf32>
    %get3A_17 = arith.constant 0 : index
    %get3A_18 = arith.constant 0 : index
    %get3A_19 = vector.load %arg6[%get3A_17, %get3A_18] : memref<1x128xf32, #tpu.memory_space<vmem>>, vector<1x128xf32>
    %mul3A_20 = arith.mulf %mul3A_3, %mul3A_16 : vector<1x128xf32>
    %sub3A_21 = arith.subf %get3A_19, %mul3A_20 : vector<1x128xf32>
    %get3A_22 = arith.constant 0 : index
    %get3A_23 = arith.constant 0 : index
    %get3A_24 = vector.load %arg2[%get3A_22, %get3A_23] : memref<2000x1xf32, #tpu.memory_space<vmem>>, vector<2000x1xf32>
    %get3A_25 = arith.constant 0 : index
    %get3A_26 = arith.constant 0 : index
    %get3A_27 = vector.load %arg1[%get3A_25, %get3A_26] : memref<2000x128xf32, #tpu.memory_space<vmem>>, vector<2000x128xf32>
    %mul3A_28 = vector.broadcast %get3A_24 : vector<2000x1xf32> to vector<2000x128xf32>
    %mul3A_29 = arith.mulf %mul3A_28, %get3A_27 : vector<2000x128xf32>
    %mul3A_30 = vector.broadcast %mul3A_16 : vector<1x128xf32> to vector<2000x128xf32>
    %mul3A_31 = arith.mulf %mul3A_29, %mul3A_30 : vector<2000x128xf32>
    %add3A_32 = vector.broadcast %sub3A_21 : vector<1x128xf32> to vector<2000x128xf32>
    %add3A_33 = arith.addf %mul3A_31, %add3A_32 : vector<2000x128xf32>
    %get3A_34 = arith.constant 0 : index
    %get3A_35 = arith.constant 0 : index
    %get3A_36 = vector.load %arg4[%get3A_34, %get3A_35] : memref<128x128xf32, #tpu.memory_space<vmem>>, vector<128x128xf32>
    %dot_general3A = arith.constant dense<0.000000e+00> : vector<2000x128xf32>
    %dot_general3A_37 = tpu.matmul %add3A_33, %get3A_36, %dot_general3A {dimension_numbers = #tpu.dot_dimension_numbers<[1], [0], [0], [1], [0, 0, 1, 1], [], []>, transpose_lhs_hint = false} : vector<2000x128xf32>, vector<128x128xf32>, vector<2000x128xf32> -> vector<2000x128xf32>
    %get3A_38 = arith.constant 0 : index
    %get3A_39 = arith.constant 0 : index
    %get3A_40 = vector.load %arg7[%get3A_38, %get3A_39] : memref<2000x1xf32, #tpu.memory_space<vmem>>, vector<2000x1xf32>
    %get3A_41 = arith.constant 0 : index
    %get3A_42 = arith.constant 0 : index
    %get3A_43 = vector.load %arg8[%get3A_41, %get3A_42] : memref<2000x1xf32, #tpu.memory_space<vmem>>, vector<2000x1xf32>
    %get3A_44 = arith.constant 0 : index
    %get3A_45 = arith.constant 0 : index
    %get3A_46 = vector.load %arg9[%get3A_44, %get3A_45] : memref<2000x1xf32, #tpu.memory_space<vmem>>, vector<2000x1xf32>
    %get3A_47 = arith.constant 0 : index
    %get3A_48 = arith.constant 0 : index
    %get3A_49 = vector.load %arg10[%get3A_47, %get3A_48] : memref<2000x1xf32, #tpu.memory_space<vmem>>, vector<2000x1xf32>
    %max3A = arith.maximumf %get3A_46, %get3A_49 : vector<2000x1xf32>
    %ge3A = arith.constant 0.000000e+00 : f32
    %ge3A_50 = vector.broadcast %ge3A : f32 to vector<2000x1xf32>
    %ge3A_51 = arith.cmpf oge, %max3A, %ge3A_50 : vector<2000x1xf32>
    %jit3A = arith.constant 1.000000e+00 : f32
    %broadcast_in_dim3A = vector.broadcast %jit3A : f32 to vector<2000x1xf32>
    %select_n3A = arith.select %ge3A_51, %max3A, %broadcast_in_dim3A : vector<2000x1xi1>, vector<2000x1xf32>
    %add3A_52 = arith.addf %get3A_40, %get3A_43 : vector<2000x1xf32>
    %add3A_53 = arith.addf %add3A_52, %select_n3A : vector<2000x1xf32>
    %gt3A = arith.constant 0.000000e+00 : f32
    %gt3A_54 = vector.broadcast %gt3A : f32 to vector<2000x1xf32>
    %gt3A_55 = arith.cmpf ogt, %add3A_53, %gt3A_54 : vector<2000x1xf32>
    %max3A_56 = arith.constant 1.000000e-10 : f32
    %max3A_57 = vector.broadcast %max3A_56 : f32 to vector<2000x1xf32>
    %max3A_58 = arith.maximumf %add3A_53, %max3A_57 : vector<2000x1xf32>
    %rsqrt3A_59 = math.rsqrt %max3A_58 : vector<2000x1xf32>
    %jit3A_60 = arith.constant 0.000000e+00 : f32
    %broadcast_in_dim3A_61 = vector.broadcast %jit3A_60 : f32 to vector<2000x1xf32>
    %select_n3A_62 = arith.select %gt3A_55, %rsqrt3A_59, %broadcast_in_dim3A_61 : vector<2000x1xi1>, vector<2000x1xf32>
    %mul3A_63 = vector.broadcast %select_n3A_62 : vector<2000x1xf32> to vector<2000x128xf32>
    %mul3A_64 = arith.mulf %mul3A_63, %dot_general3A_37 : vector<2000x128xf32>
    %swap3A = arith.constant 0 : index
    %swap3A_65 = arith.constant 0 : index
    %swap3A_66 = vector.load %arg11[%swap3A, %swap3A_65] : memref<2000x128xf32, #tpu.memory_space<vmem>>, vector<2000x128xf32>
    tpu.vector_store %arg11[%swap3A, %swap3A_65], %mul3A_64 {strides = array<i32>} : memref<2000x128xf32, #tpu.memory_space<vmem>>, vector<2000x128xf32>,
    return
  }
  func.func @transform_0(%arg0: i32) -> (i32, i32) {
    %c0_i32 = arith.constant 0 : i32
    %c0_i32_0 = arith.constant 0 : i32
    return %arg0, %c0_i32 : i32, i32
  }
  func.func @transform_1(%arg0: i32) -> (i32, i32) {
    %c0_i32 = arith.constant 0 : i32
    %c0_i32_0 = arith.constant 0 : i32
    return %arg0, %c0_i32 : i32, i32
  }
  func.func @transform_2(%arg0: i32) -> (i32, i32) {
    %c0_i32 = arith.constant 0 : i32
    %c0_i32_0 = arith.constant 0 : i32
    %c0_i32_1 = arith.constant 0 : i32
    return %c0_i32, %c0_i32_0 : i32, i32
  }
  func.func @transform_3(%arg0: i32) -> (i32, i32) {
    %c0_i32 = arith.constant 0 : i32
    %c0_i32_0 = arith.constant 0 : i32
    %c0_i32_1 = arith.constant 0 : i32
    return %c0_i32, %c0_i32_0 : i32, i32
  }
  func.func @transform_4(%arg0: i32) -> (i32, i32) {
    %c0_i32 = arith.constant 0 : i32
    %c0_i32_0 = arith.constant 0 : i32
    %c0_i32_1 = arith.constant 0 : i32
    return %c0_i32, %c0_i32_0 : i32, i32
  }
  func.func @transform_5(%arg0: i32) -> (i32, i32) {
    %c0_i32 = arith.constant 0 : i32
    %c0_i32_0 = arith.constant 0 : i32
    %c0_i32_1 = arith.constant 0 : i32
    return %c0_i32, %c0_i32_0 : i32, i32
  }
  func.func @transform_6(%arg0: i32) -> (i32, i32) {
    %c0_i32 = arith.constant 0 : i32
    %c0_i32_0 = arith.constant 0 : i32
    return %arg0, %c0_i32 : i32, i32
  }
  func.func @transform_7(%arg0: i32) -> (i32, i32) {
    %c0_i32 = arith.constant 0 : i32
    %c0_i32_0 = arith.constant 0 : i32
    return %arg0, %c0_i32 : i32, i32
  }
  func.func @transform_8(%arg0: i32) -> (i32, i32) {
    %c0_i32 = arith.constant 0 : i32
    %c0_i32_0 = arith.constant 0 : i32
    return %arg0, %c0_i32 : i32, i32
  }
  func.func @transform_9(%arg0: i32) -> (i32, i32) {
    %c0_i32 = arith.constant 0 : i32
    %c0_i32_0 = arith.constant 0 : i32
    return %arg0, %c0_i32 : i32, i32
  }
  func.func @transform_10(%arg0: i32) -> (i32, i32) {
    %c0_i32 = arith.constant 0 : i32
    %c0_i32_0 = arith.constant 0 : i32
    return %arg0, %c0_i32 : i32, i32
  }
}

module attributes {stable_mosaic.version = 14 : i64} {
  func.func @_pool_body(%arg0: i32, %arg1: memref<2x2000x128xf32, #tpu.memory_space<vmem>>, %arg2: memref<2000x128xf32, #tpu.memory_space<vmem>>, %arg3: memref<2000x1xf32, #tpu.memory_space<vmem>>, %arg4: memref<2000x1xf32, #tpu.memory_space<vmem>>, %arg5: memref<2000x1xf32, #tpu.memory_space<vmem>>, %arg6: memref<2000x1xf32, #tpu.memory_space<vmem>>, %arg7: memref<1x128xf32, #tpu.memory_space<vmem>>, %arg8: memref<2000x1xi32, #tpu.memory_space<vmem>>, %arg9: memref<256x128xf32, #tpu.memory_space<vmem>>) attributes {dimension_semantics = [#tpu.dimension_semantics<arbitrary>], iteration_bounds = array<i64: 5>, scalar_prefetch = 0 : i64, scratch_operands = 0 : i64, tpu.core_type = #tpu.core_type<tc>, window_params = [{transform_indices = @transform_0, window_bounds = array<i64: 2, 2000, 128>}, {transform_indices = @transform_1, window_bounds = array<i64: 2000, 128>}, {transform_indices = @transform_2, window_bounds = array<i64: 2000, 1>}, {transform_indices = @transform_3, window_bounds = array<i64: 2000, 1>}, {transform_indices = @transform_4, window_bounds = array<i64: 2000, 1>}, {transform_indices = @transform_5, window_bounds = array<i64: 2000, 1>}, {pipeline_mode = #tpu.pipeline_mode<synchronous>, transform_indices = @transform_6, window_bounds = array<i64: 1, 128>}, {transform_indices = @transform_7, window_bounds = array<i64: 2000, 1>}, {pipeline_mode = #tpu.pipeline_mode<synchronous>, transform_indices = @transform_8, window_bounds = array<i64: 256, 128>}]} {
    %get3A = arith.constant 0 : index
    %get3A_0 = arith.constant 0 : index
    %get3A_1 = vector.load %arg3[%get3A, %get3A_0] : memref<2000x1xf32, #tpu.memory_space<vmem>>, vector<2000x1xf32>
    %get3A_2 = arith.constant 0 : index
    %get3A_3 = arith.constant 0 : index
    %get3A_4 = vector.load %arg4[%get3A_2, %get3A_3] : memref<2000x1xf32, #tpu.memory_space<vmem>>, vector<2000x1xf32>
    %get3A_5 = arith.constant 0 : index
    %get3A_6 = arith.constant 0 : index
    %get3A_7 = vector.load %arg5[%get3A_5, %get3A_6] : memref<2000x1xf32, #tpu.memory_space<vmem>>, vector<2000x1xf32>
    %get3A_8 = arith.constant 0 : index
    %get3A_9 = arith.constant 0 : index
    %get3A_10 = vector.load %arg6[%get3A_8, %get3A_9] : memref<2000x1xf32, #tpu.memory_space<vmem>>, vector<2000x1xf32>
    %max3A = arith.maximumf %get3A_7, %get3A_10 : vector<2000x1xf32>
    %ge3A = arith.constant 0.000000e+00 : f32
    %ge3A_11 = vector.broadcast %ge3A : f32 to vector<2000x1xf32>
    %ge3A_12 = arith.cmpf oge, %max3A, %ge3A_11 : vector<2000x1xf32>
    %jit3A = arith.constant 1.000000e+00 : f32
    %broadcast_in_dim3A = vector.broadcast %jit3A : f32 to vector<2000x1xf32>
    %select_n3A = arith.select %ge3A_12, %max3A, %broadcast_in_dim3A : vector<2000x1xi1>, vector<2000x1xf32>
    %add3A = arith.addf %get3A_1, %get3A_4 : vector<2000x1xf32>
    %add3A_13 = arith.addf %add3A, %select_n3A : vector<2000x1xf32>
    %gt3A = arith.constant 0.000000e+00 : f32
    %gt3A_14 = vector.broadcast %gt3A : f32 to vector<2000x1xf32>
    %gt3A_15 = arith.cmpf ogt, %add3A_13, %gt3A_14 : vector<2000x1xf32>
    %max3A_16 = arith.constant 1.000000e-10 : f32
    %max3A_17 = vector.broadcast %max3A_16 : f32 to vector<2000x1xf32>
    %max3A_18 = arith.maximumf %add3A_13, %max3A_17 : vector<2000x1xf32>
    %rsqrt3A = math.rsqrt %max3A_18 : vector<2000x1xf32>
    %jit3A_19 = arith.constant 0.000000e+00 : f32
    %broadcast_in_dim3A_20 = vector.broadcast %jit3A_19 : f32 to vector<2000x1xf32>
    %select_n3A_21 = arith.select %gt3A_15, %rsqrt3A, %broadcast_in_dim3A_20 : vector<2000x1xi1>, vector<2000x1xf32>
    %get3A_22 = arith.constant 0 : index
    %get3A_23 = arith.constant 0 : index
    %get3A_24 = arith.constant 0 : index
    %get3A_25 = vector.load %arg1[%get3A_22, %get3A_23, %get3A_24] : memref<2x2000x128xf32, #tpu.memory_space<vmem>>, vector<1x2000x128xf32>
    %get3A_26 = vector.shape_cast %get3A_25 : vector<1x2000x128xf32> to vector<2000x128xf32>
    %get3A_27 = arith.constant 1 : index
    %get3A_28 = arith.constant 0 : index
    %get3A_29 = arith.constant 0 : index
    %get3A_30 = vector.load %arg1[%get3A_27, %get3A_28, %get3A_29] : memref<2x2000x128xf32, #tpu.memory_space<vmem>>, vector<1x2000x128xf32>
    %get3A_31 = vector.shape_cast %get3A_30 : vector<1x2000x128xf32> to vector<2000x128xf32>
    %add3A_32 = arith.addf %get3A_26, %get3A_31 : vector<2000x128xf32>
    %get3A_33 = arith.constant 0 : index
    %get3A_34 = arith.constant 0 : index
    %get3A_35 = vector.load %arg2[%get3A_33, %get3A_34] : memref<2000x128xf32, #tpu.memory_space<vmem>>, vector<2000x128xf32>
    %mul3A = vector.broadcast %select_n3A : vector<2000x1xf32> to vector<2000x128xf32>
    %mul3A_36 = arith.mulf %mul3A, %get3A_35 : vector<2000x128xf32>
    %add3A_37 = arith.addf %add3A_32, %mul3A_36 : vector<2000x128xf32>
    %mul3A_38 = vector.broadcast %select_n3A_21 : vector<2000x1xf32> to vector<2000x128xf32>
    %mul3A_39 = arith.mulf %mul3A_38, %add3A_37 : vector<2000x128xf32>
    %get3A_40 = arith.constant 0 : index
    %get3A_41 = arith.constant 0 : index
    %get3A_42 = vector.load %arg7[%get3A_40, %get3A_41] : memref<1x128xf32, #tpu.memory_space<vmem>>, vector<1x128xf32>
    %add3A_43 = vector.broadcast %get3A_42 : vector<1x128xf32> to vector<2000x128xf32>
    %add3A_44 = arith.addf %mul3A_39, %add3A_43 : vector<2000x128xf32>
    %max3A_45 = arith.constant 0.000000e+00 : f32
    %max3A_46 = vector.broadcast %max3A_45 : f32 to vector<2000x128xf32>
    %max3A_47 = arith.maximumf %add3A_44, %max3A_46 : vector<2000x128xf32>
    %get3A_48 = arith.constant 0 : index
    %get3A_49 = arith.constant 0 : index
    %get3A_50 = vector.load %arg8[%get3A_48, %get3A_49] : memref<2000x1xi32, #tpu.memory_space<vmem>>, vector<2000x1xi32>
    %iota3A = tpu.iota {dimensions = array<i32: 1>} : vector<1x256xi32>
    %eq3A = vector.broadcast %get3A_50 : vector<2000x1xi32> to vector<2000x256xi32>
    %eq3A_51 = vector.broadcast %iota3A : vector<1x256xi32> to vector<2000x256xi32>
    %eq3A_52 = arith.cmpi eq, %eq3A, %eq3A_51 : vector<2000x256xi32>
    %convert_element_type3A = arith.extui %eq3A_52 : vector<2000x256xi1> to vector<2000x256xi32>
    %convert_element_type3A_53 = arith.sitofp %convert_element_type3A : vector<2000x256xi32> to vector<2000x256xf32>
    %dot_general3A = arith.constant dense<0.000000e+00> : vector<256x128xf32>
    %dot_general3A_54 = tpu.matmul %convert_element_type3A_53, %max3A_47, %dot_general3A {dimension_numbers = #tpu.dot_dimension_numbers<[0], [0], [1], [1], [0, 1, 1, 1], [], []>, transpose_lhs_hint = false} : vector<2000x256xf32>, vector<2000x128xf32>, vector<256x128xf32> -> vector<256x128xf32>
    %eq3A_55 = arith.constant 0 : i32
    %eq3A_56 = arith.cmpi eq, %arg0, %eq3A_55 : i32
    %convert_element_type3A_57 = arith.extui %eq3A_56 : i1 to i32
    %cond3A = arith.constant 0 : i32
    %cond3A_58 = arith.cmpi ne, %convert_element_type3A_57, %cond3A : i32
    scf.if %cond3A_58 {
      %broadcast_in_dim3A_65 = arith.constant 0.000000e+00 : f32
      %broadcast_in_dim3A_66 = vector.broadcast %broadcast_in_dim3A_65 : f32 to vector<256x128xf32>
      %swap3A_67 = arith.constant 0 : index
      %swap3A_68 = arith.constant 0 : index
      %swap3A_69 = vector.load %arg9[%swap3A_67, %swap3A_68] : memref<256x128xf32, #tpu.memory_space<vmem>>, vector<256x128xf32>
      tpu.vector_store %arg9[%swap3A_67, %swap3A_68], %broadcast_in_dim3A_66 {strides = array<i32>} : memref<256x128xf32, #tpu.memory_space<vmem>>, vector<256x128xf32>,
    } else {
    }
    %get3A_59 = arith.constant 0 : index
    %get3A_60 = arith.constant 0 : index
    %get3A_61 = vector.load %arg9[%get3A_59, %get3A_60] : memref<256x128xf32, #tpu.memory_space<vmem>>, vector<256x128xf32>
    %add3A_62 = arith.addf %get3A_61, %dot_general3A_54 : vector<256x128xf32>
    %swap3A = arith.constant 0 : index
    %swap3A_63 = arith.constant 0 : index
    %swap3A_64 = vector.load %arg9[%swap3A, %swap3A_63] : memref<256x128xf32, #tpu.memory_space<vmem>>, vector<256x128xf32>
    tpu.vector_store %arg9[%swap3A, %swap3A_63], %add3A_62 {strides = array<i32>} : memref<256x128xf32, #tpu.memory_space<vmem>>, vector<256x128xf32>,
    return
  }
  func.func @transform_0(%arg0: i32) -> (i32, i32, i32) {
    %c0_i32 = arith.constant 0 : i32
    %c0_i32_0 = arith.constant 0 : i32
    %c0_i32_1 = arith.constant 0 : i32
    return %c0_i32, %arg0, %c0_i32_0 : i32, i32, i32
  }
  func.func @transform_1(%arg0: i32) -> (i32, i32) {
    %c0_i32 = arith.constant 0 : i32
    %c0_i32_0 = arith.constant 0 : i32
    return %arg0, %c0_i32 : i32, i32
  }
  func.func @transform_2(%arg0: i32) -> (i32, i32) {
    %c0_i32 = arith.constant 0 : i32
    %c0_i32_0 = arith.constant 0 : i32
    return %arg0, %c0_i32 : i32, i32
  }
  func.func @transform_3(%arg0: i32) -> (i32, i32) {
    %c0_i32 = arith.constant 0 : i32
    %c0_i32_0 = arith.constant 0 : i32
    return %arg0, %c0_i32 : i32, i32
  }
  func.func @transform_4(%arg0: i32) -> (i32, i32) {
    %c0_i32 = arith.constant 0 : i32
    %c0_i32_0 = arith.constant 0 : i32
    return %arg0, %c0_i32 : i32, i32
  }
  func.func @transform_5(%arg0: i32) -> (i32, i32) {
    %c0_i32 = arith.constant 0 : i32
    %c0_i32_0 = arith.constant 0 : i32
    return %arg0, %c0_i32 : i32, i32
  }
  func.func @transform_6(%arg0: i32) -> (i32, i32) {
    %c0_i32 = arith.constant 0 : i32
    %c0_i32_0 = arith.constant 0 : i32
    %c0_i32_1 = arith.constant 0 : i32
    return %c0_i32, %c0_i32_0 : i32, i32
  }
  func.func @transform_7(%arg0: i32) -> (i32, i32) {
    %c0_i32 = arith.constant 0 : i32
    %c0_i32_0 = arith.constant 0 : i32
    return %arg0, %c0_i32 : i32, i32
  }
  func.func @transform_8(%arg0: i32) -> (i32, i32) {
    %c0_i32 = arith.constant 0 : i32
    %c0_i32_0 = arith.constant 0 : i32
    %c0_i32_1 = arith.constant 0 : i32
    return %c0_i32, %c0_i32_0 : i32, i32
  }
}

</mosaic_0001>

<sc_bundles>
// kernel: kernel.10.cloned.1.call-start
scs
__scs_entry_jumppad:
0x0: {  	(pc) =	sbr.rel $0x88, $3  }
0x1: {  	(tag) =	ssettag $0x0;
	lr =	simm.s32 $0x1  }
0x2: {  	[smem:$0x3F98] =	sst lr;
	_ =	strace $0xD0000000  }
0x3: {  	_ = 	snop  }
0x4: {  	_ = 	snop  }
0x5: {  	_ = 	snop  }
0x6: {  	_ = 	snop  }
0x7: {  	_ = 	snop  }
__scs_overlays_trampoline_lowered:
0x8: {  	[smem:$0x3FA7] =	sst s0  }
0x9: {  	[smem:$0x3FA8] =	sst s1  }
0xa: {  	[smem:$0x3FA9] =	sst s2  }
0xb: {  	[smem:$0x3FAA] =	sst s3  }
0xc: {  	[smem:$0x3FAB] =	sst s4  }
0xd: {  	[smem:$0x3FAC] =	sst s5  }
0xe: {  	[smem:$0x3FAD] =	sst s6  }
0xf: {  	[smem:$0x3FAE] =	sst s7  }
0x10: {  	[smem:$0x3FAF] =	sst s8  }
0x11: {  	[smem:$0x3FB0] =	sst s9;
	s0 =	simm.s32 @!p0 $0x0  }
0x12: {  	s1 =	sld [smem:$0x3F96];
	s0 =	simm.s32 @p0 $0x1  }
0x13: {  	[smem:$0x3FB1] =	sst s0;
	s0 =	simm.s32 @!p1 $0x0  }
0x14: {  	s2 =	sld [smem:$0x3F95];
	s0 =	simm.s32 @p1 $0x1  }
0x15: {  	[smem:$0x3FB2] =	sst s0;
	s0 =	simm.s32 @!p2 $0x0  }
0x16: {  	s3 =	sld [smem:$0x3FDB];
	s0 =	simm.s32 @p2 $0x1  }
0x17: {  	s4 =	simm.s32 $0x1BF5;
	[smem:$0x3FB4] =	sst s0  }
0x18: {  	s0 =	sld [smem:$0x3F97];
	_ =	swait.ge [sflag:s4], $0x0  }
0x19: {  	s7 =	sld [smem:$0x3F98]  }
0x1a: {  	s8 =	sadd.s32 $0xFFFFE003, lr  }
0x1b: {  	s9 =	sadd.s32 $0xFFFFFEF7, lr;
	s5 =	simm.s32 $0xFFFFFFFF;
	p2 =	slt.u32 s8, $0xFFFFF086  }
0x1c: {  	p1 =	slt.u32 s9, $0xF7A;
	s5 =	simm.s32 @!p2 $0x0  }
0x1d: {  	s5 =	simm.s32 @p1 $0x1;
	p0 =	seq.s32 s7, s2  }
0x1e: {  	s7 =	smul.u32 @!p0 $0xF7A, s2;
	p2 =	seq.s32 @!p0 s5, $0x0  }
0x1f: {  	s9 =	smul.u32 $0xF7A, s1;
	s8 =	simm.s32 @!p0 $0x1BF5;
	p2 =	por !p2, p0  }
0x20: {  	[sflag:s8] =	ssyncset.s32 @!p0 $0xFFFFF086;
	s6 =	sadd.s32 @!p0 s3, s7;
	s7 =	simm.s32 @!p0 $0x108  }
0x21: {  	s3 =	sadd.s32 s3, s9;
	s6 =	sadd.s32 @!p0 $0x88, s6;
	s7 =	simm.s32 @p2 $0x1082  }
0x22: {  	[simem:s7], [sflag:s8] =	dma.local @!p0 [hbm:s6], $0xF7A  }
0x23: {  	s9 =	sor.u32 $0xD0000000, s2;
	s6 =	simm.s32 $0x108;
	_ =	swait.ge @!p0 [sflag:s8], $0x0  }
0x24: {  	s3 =	sadd.s32 $0x88, s3;
	s6 =	simm.s32 @!p1 $0x1082;
	[sflag:s4] =	ssyncset.s32 $0xFFFFF086  }
0x25: {  	[simem:s6], [sflag:s4] =	dma.local [hbm:s3], $0xF7A  }
0x26: {  	[smem:$0x3F98] =	sst s1;
	(tag) =	ssettag s2;
	_ =	strace s9  }
0x27: {  	s1 =	sld [smem:$0x3FA8]  }
0x28: {  	s2 =	sld [smem:$0x3FA9]  }
0x29: {  	s4 =	sld [smem:$0x3FAB]  }
0x2a: {  	p0 =	seq.s32 s5, $0x0;
	s5 =	sld [smem:$0x3FAC]  }
0x2b: {  	s6 =	sld [smem:$0x3FAD]  }
0x2c: {  	s7 =	sld [smem:$0x3FAE]  }
0x2d: {  	s3 =	simm.s32 $0x108;
	s8 =	sld [smem:$0x3FAF]  }
0x2e: {  	s3 =	simm.s32 @!p0 $0x1082;
	s9 =	sld [smem:$0x3FB0]  }
0x2f: {  	lr =	sadd.s32 s0, s3;
	s0 =	sld [smem:$0x3FA7]  }
0x30: {  	s3 =	sld [smem:$0x3FAA]  }
0x31: {  	[smem:$0x3FB3] =	sst s10  }
0x32: {  	s10 =	sld [smem:$0x3FB1];
	_ =	sdelay $0x3  }
0x33: {  	p0 =	seq.s32 s10, $0x1;
	s10 =	sld [smem:$0x3FB3];
	_ =	sdelay $0x3  }
0x34: {  	[smem:$0x3FB3] =	sst s10  }
0x35: {  	s10 =	sld [smem:$0x3FB2];
	_ =	sdelay $0x3  }
0x36: {  	p1 =	seq.s32 s10, $0x1;
	s10 =	sld [smem:$0x3FB3];
	_ =	sdelay $0x3  }
0x37: {  	[smem:$0x3FB3] =	sst s10  }
0x38: {  	s10 =	sld [smem:$0x3FB4]  }
0x39: {  	_ = 	snop;
	(pc) =	sbr.ind lr, $3  }
0x3a: {  	_ = 	snop  }
0x3b: {  	_ = 	snop  }
0x3c: {  	p2 =	seq.s32 s10, $0x1;
	s10 =	sld [smem:$0x3FB3]  }
0x3d: {  	_ =	shalt  }
0x3e: {  	_ =	shalt  }
0x3f: {  	_ =	shalt  }
0x40: {  	_ =	shalt  }
0x41: {  	_ =	shalt  }
0x42: {  	_ =	shalt  }
0x43: {  	_ =	shalt  }
0x44: {  	_ =	shalt  }
0x45: {  	_ =	shalt  }
0x46: {  	_ =	shalt  }
0x47: {  	_ =	shalt  }
0x48: {  	_ =	shalt  }
0x49: {  	_ =	shalt  }
0x4a: {  	_ =	shalt  }
0x4b: {  	_ =	shalt  }
0x4c: {  	_ =	shalt  }
0x4d: {  	_ =	shalt  }
0x4e: {  	_ =	shalt  }
0x4f: {  	_ =	shalt  }
0x50: {  	_ =	shalt  }
0x51: {  	_ =	shalt  }
0x52: {  	_ =	shalt  }
0x53: {  	_ =	shalt  }
0x54: {  	_ =	shalt  }
0x55: {  	_ =	shalt  }
0x56: {  	_ =	shalt  }
0x57: {  	_ =	shalt  }
0x58: {  	_ =	shalt  }
0x59: {  	_ =	shalt  }
0x5a: {  	_ =	shalt  }
0x5b: {  	_ =	shalt  }
0x5c: {  	_ =	shalt  }
0x5d: {  	_ =	shalt  }
0x5e: {  	_ =	shalt  }
0x5f: {  	_ =	shalt  }
0x60: {  	_ =	shalt  }
0x61: {  	_ =	shalt  }
0x62: {  	_ =	shalt  }
0x63: {  	_ =	shalt  }
0x64: {  	_ =	shalt  }
0x65: {  	_ =	shalt  }
0x66: {  	_ =	shalt  }
0x67: {  	_ =	shalt  }
0x68: {  	_ =	shalt  }
0x69: {  	_ =	shalt  }
0x6a: {  	_ =	shalt  }
0x6b: {  	_ =	shalt  }
0x6c: {  	_ =	shalt  }
0x6d: {  	_ =	shalt  }
0x6e: {  	_ =	shalt  }
0x6f: {  	_ =	shalt  }
0x70: {  	_ =	shalt  }
0x71: {  	_ =	shalt  }
0x72: {  	_ =	shalt  }
0x73: {  	_ =	shalt  }
0x74: {  	_ =	shalt  }
0x75: {  	_ =	shalt  }
0x76: {  	_ =	shalt  }
0x77: {  	_ =	shalt  }
0x78: {  	_ =	shalt  }
0x79: {  	_ =	shalt  }
0x7a: {  	_ =	shalt  }
0x7b: {  	_ =	shalt  }
0x7c: {  	_ =	shalt  }
0x7d: {  	_ =	shalt  }
0x7e: {  	_ =	shalt  }
0x7f: {  	_ =	shalt  }
0x80: {  	_ =	shalt  }
0x81: {  	_ =	shalt  }
0x82: {  	_ =	shalt  }
0x83: {  	_ =	shalt  }
0x84: {  	_ =	shalt  }
0x85: {  	_ =	shalt  }
0x86: {  	_ =	shalt  }
0x87: {  	_ =	shalt  }
.Lfunc_end0:
.L_simem_size_0:
called_computation.1_lowered:
.L_overlay_start_0:
0x88: {  	s2 =	sld [smem:$0x3FD9]  }
0x89: {  	s3 =	sld [smem:$0x3FFE];
	_ =	sdelay $0x1  }
0x8a: {  	s1 =	srdreg.scid  }
0x8b: {  	s0 =	sand.u32 $0x1, s1  }
0x8c: {  	s17 =	sshll.u32 s0, $0xA;
	s2 =	sadd.s32 s3, s2  }
0x8d: {  	s2 =	sadd.s32 s2, s17  }
0x8e: {  	[smem:$0x3FBF] =	sst s2  }
0x8f: {  	_ = 	snop  }
0x90: {  	s2 =	sld [smem:$0x3FC6];
	(tm) =	ssettm $0x1  }
0x91: {  	s18 =	sld [smem:$0x3FFB];
	_ =	sdelay $0x3  }
0x92: {  	_ =	strace s18  }
0x93: {  	s3 =	sld [smem:$0x3FFC];
	_ =	sdelay $0x3  }
0x94: {  	_ =	strace s3  }
0x95: {  	s3 =	sld [smem:$0x3FFD];
	_ =	sdelay $0x3  }
0x96: {  	_ =	strace s3  }
0x97: {  	_ =	strace $0x8FFFFFFF  }
0x98: {  	s19 =	sld [smem:$0x3FDB];
	_ =	sdelay $0x1  }
0x99: {  	s4 =	simm.s32 $_scs_section_size  }
0x9a: {  	s5 =	simm.s32 $_size__tile_overlayer_lowered;
	s6 =	simm.s32 $_tile_overlayer_lowered  }
0x9b: {  	s22 =	simm.s32 $0x1BFF;
	s21 =	sshll.u32 s6, $0x1;
	s3 =	sadd.s32 s4, s19  }
0x9c: {  	s7 =	simm.s32 $0x0;
	s20 =	sshll.u32 s5, $0x1;
	s5 =	sadd.s32 s21, s3  }
0x9d: {  	[timem:s7], [sflag:s22] =	dma.local [hbm:s5], s20  }
0x9e: {  	_ =	swait.ge [sflag:s22], s20  }
0x9f: {  	s4 =	ssub.s32 $0x0, s20;
	[sflag:s22] =	ssyncset.done $0x0  }
0xa0: {  	[sflag:s22] =	ssyncadd.s32 s4;
	_ =	sdelay $0x1  }
0xa1: {  	s23 =	simm.s32 $0x1B8B  }
0xa2: {  	_ =	swait.ge [sflag:s23], $0x1  }
0xa3: {  	[sflag:s23] =	ssyncset.done $0x0  }
0xa4: {  	s25 =	simm.s32 $0x1B8E;
	s24 =	sld [smem:$0x3FFE];
	[sflag:s23] =	ssyncadd.s32 $0xFFFFFFFF  }
0xa5: {  	s26 =	simm.s32 $execute0_lowered;
	[smem:$0x3FD2] =	sst s25  }
0xa6: {  	s5 =	sshll.u32 s26, $0x1;
	_ =	strace $0x80000049;
	[dreg:$0x1] =	wrdreg $0xFFFFFFFF  }
0xa7: {  	s28 =	simm.s32 $_size_execute0_lowered;
	s3 =	sadd.s32 s3, s5;
	[dreg:$0x0] =	wrdreg $0x0  }
0xa8: {  	s5 =	sshll.u32 s28, $0x1;
	[dreg:$0x2] =	wrdreg s3  }
0xa9: {  	[dreg:$0x3] =	wrdreg s5  }
0xaa: {  	[dreg:$0x4] =	wrdreg $0xC0  }
0xab: {  	_ =	task [dreg:s7], $0x5FFFF  }
0xac: {  	[dreg:$0x1] =	wrdreg $0xFFFFFFFF  }
0xad: {  	[dreg:$0x0] =	wrdreg $0x60  }
0xae: {  	[dreg:$0x2] =	wrdreg s24  }
0xaf: {  	[dreg:$0x3] =	wrdreg s2  }
0xb0: {  	[dreg:$0x4] =	wrdreg $0x79E00  }
0xb1: {  	[dreg:$0x5] =	wrdreg $0x9  }
0xb2: {  	_ =	task.clear_ibuf [dreg:s7], $0x6FFFF;
	_ =	strace $0x90000049  }
0xb3: {  	s29 =	simm.s32 $0x9;
	_ =	strace $0x8000004B  }
0xb4: {  	_ =	swait.ge [sflag:s29], $0x1  }
0xb5: {  	[sflag:s29] =	ssyncadd.s32 $0xFFFFFFFF  }
0xb6: {  	_ =	strace $0x9000004B  }
0xb7: {  	_ =	sfence  }
0xb8: {  	s30 =	sld [smem:$0x0];
	_ =	sdelay $0x2  }
0xb9: {  	s31 =	sshll.u32 s1, $0xD;
	s1 =	sshrl.u32 s1, $0x2  }
0xba: {  	s3 =	sand.u32 $0x4000, s31;
	s1 =	sadd.s32 s1, s30  }
0xbb: {  	s0 =	sor.u32 s3, s0;
	s1 =	sshll.u32 s1, $0x11  }
0xbc: {  	s0 =	sor.u32 s1, s0  }
0xbd: {  	s0 =	sadd.s32 $0x8F2B, s0  }
0xbe: {  	[sflag:s0] =	ssyncadd.remote.s32 $0x1  }
0xbf: {  	_ =	sfence.sel $0xFFFF  }
0xc0: {  	[dreg:$0x0] =	wrdreg $0xFFFFFFFF;
	(pc) =	sbr.abs _section_cstart, $3  }
0xc1: {  	[dreg:$0x1] =	wrdreg $0xFFFFFFFF  }
0xc2: {  	_ =	task.clear_ibuf [dreg:s7], $0x2FFFF;
	_ =	strace $0x9FFFFFFF  }
0xc3: {  	(tm) =	ssettm $0x7FFFFFFF  }
tec
execute0_lowered:
.L_overlay_start_1:
0x0: {  	(tag) =	ssettag $0x1  }
0x1: {  	s0 =	srdreg.scid;
	s6 =	rddreg [dreg:$0x0]  }
0x2: {  	s11 =	stileid.u32;
	s4 =	rddreg [dreg:$0x1]  }
0x3: {  	s5 =	rddreg [dreg:$0x2];
	s3 =	smul.u32 $0x4E20, s11  }
0x4: {  	s7 =	simm.s32 $0x0;
	s0 =	sand.u32 $0x1, s0;
	s17 =	smul.u32 $0x14000, s11  }
0x5: {  	[smem:$0x7FF] =	sst s7;
	s7 =	sadd.s32 $0x83A00, s6;
	s11 =	smul.u32 $0x50000, s11  }
0x6: {  	s1 =	ssub.s32 $0x0, s0;
	_ =	strace $0x8000004A;
	s8 =	ssub.s32 $0x2, s0  }
0x7: {  	p0 =	seq.s32 s0, $0x0;
	s0 =	smul.u32 $0x140000, s0;
	s2 =	sand.u32 $0x7C, s1  }
0x8: {  	s10 =	sshrl.u32 s8, $0x1;
	s13 =	sadd.s32 $0x4000, s17;
	s20 =	sshrl.u32 s11, $0x2  }
0x9: {  	s23 =	sadd.s32 $0x8000, s17;
	s24 =	sadd.s32 $0xC000, s17;
	s25 =	sadd.s32 $0x10000, s17  }
0xa: {  	s11 =	simm.s32 $0x51E0;
	s1 =	smul.u32 $0x50, s2;
	s10 =	ssub.s32 s8, s10  }
0xb: {  	s8 =	simm.s32 $0x7C;
	s19 =	sadd.s32 s0, s17;
	s14 =	sadd.s32 s0, s13  }
0xc: {  	s15 =	sadd.s32 s20, s5;
	s26 =	sadd.s32 s0, s23;
	s16 =	sadd.s32 s0, s24  }
0xd: {  	s0 =	sadd.s32 s0, s25;
	s17 =	sadd.s32 s17, s5;
	s20 =	sadd.s32 s24, s5  }
0xe: {  	s8 =	simm.s32 @!p0 $0x7E;
	s21 =	sshrl.u32 s14, $0x3;
	s10 =	smax.u32 s10, $0x1  }
0xf: {  	s14 =	sshrl.u32 s26, $0x3;
	s16 =	sshrl.u32 s16, $0x3;
	s0 =	sshrl.u32 s0, $0x3  }
0x10: {  	s24 =	sshrl.u32 s20, $0x3;
	s26 =	sadd.s32 $0x5000, s15;
	s29 =	sadd.s32 $0xA000, s15  }
0x11: {  	s30 =	sadd.s32 $0xC800, s15;
	s1 =	sadd.s32 s3, s1;
	[dreg:$0x8] =	wrdreg s10  }
0x12: {  	s31 =	sadd.s32 $0xF000, s15;
	[dreg:$0x11] =	wrdreg s24;
	s1 =	sshrl.u32 s1, $0x3  }
0x13: {  	[dreg:$0x13] =	wrdreg s26;
	s9 =	sadd.s32 s1, s6;
	s12 =	sadd.s32 s4, s1  }
0x14: {  	s20 =	simm.s32 $0x0;
	s9 =	sadd.s32 $0x3C00, s9;
	[dreg:$0x4] =	wrdreg s12  }
0x15: {  	s6 =	sadd.s32 $0xAAC00, s6;
	s18 =	sadd.s32 $0xA, s12;
	[dreg:$0x5] =	wrdreg s9  }
0x16: {  	s10 =	simm.s32 $0x50;
	s22 =	sadd.s32 s6, s21;
	[dreg:$0x6] =	wrdreg s18  }
0x17: {  	s1 =	sadd.s32 $0x11800, s15;
	s14 =	sadd.s32 s6, s14;
	[dreg:$0x9] =	wrdreg s22  }
0x18: {  	s12 =	sshrl.u32 s8, $0x1;
	s28 =	sadd.s32 s6, s16;
	[dreg:$0xa] =	wrdreg s14  }
0x19: {  	s0 =	sadd.s32 s6, s0;
	s16 =	sadd.s32 $0x2800, s15;
	[dreg:$0xb] =	wrdreg s28  }
0x1a: {  	s21 =	sadd.s32 s25, s5;
	s9 =	sshrl.u32 s19, $0x3;
	[dreg:$0xc] =	wrdreg s0  }
0x1b: {  	[dreg:$0xd] =	wrdreg s16;
	s18 =	sadd.s32 s13, s5;
	s19 =	sadd.s32 s23, s5  }
0x1c: {  	s0 =	sshrl.u32 s17, $0x3;
	s25 =	sshrl.u32 s21, $0x3;
	s28 =	sadd.s32 $0x7800, s15  }
0x1d: {  	s13 =	simm.s32 $0x1;
	s14 =	simm.s32 $0x3;
	[dreg:$0xe] =	wrdreg s0  }
0x1e: {  	s16 =	simm.s32 $0x2940;
	s17 =	simm.s32 $0x2;
	[dreg:$0x12] =	wrdreg s25  }
0x1f: {  	s9 =	sadd.s32 s6, s9;
	s22 =	sshrl.u32 s18, $0x3;
	[dreg:$0x14] =	wrdreg s28  }
0x20: {  	s23 =	sshrl.u32 s19, $0x3;
	s6 =	simm.s32 $0x5;
	[dreg:$0x7] =	wrdreg s9  }
0x21: {  	s0 =	simm.s32 $0x29E0;
	s18 =	simm.s32 $0x4;
	[dreg:$0xf] =	wrdreg s22  }
0x22: {  	v0 =	vimm.f32 $0.0e+00;
	s19 =	simm.s32 $0x28F0;
	[dreg:$0x10] =	wrdreg s23;
	s9 =	simm.s32 $0x28A0  }
.LBB2_1:
0x23: {  	s21 =	simm.s32 $0x0;
	s22 =	rddreg [dreg:$0x5]  }
0x24: {  	[tilespmem:s21], [sflag:$0x5] =	stream.linear.gather [hbm4b:s22+s21], $0x2760, $0x38;
	[tilespmem:$0x1B9E0] =	vst v63  }
0x25: {  	_ =	swait.ge [sflag:s6], $0x2760  }
0x26: {  	[sflag:s6] =	ssyncset.done $0x0  }
0x27: {  	s21 =	simm.s32 $0x0;
	s22 =	simm.s32 $0x200;
	[sflag:s6] =	ssyncadd.s32 $0xFFFFD8A0  }
.LBB2_2:
0x28: {  	p0 =	sne.s32 s22, $0x9E00;
	[tilespmem:s21+$0x2A50] =	vst v0  }
0x29: {  	[tilespmem:s21+$0x29E0] =	vst v0  }
0x2a: {  	[tilespmem:s21+$0x29F0] =	vst v0  }
.Ltmp0:
0x2b: {  	[tilespmem:s21+$0x2A00] =	vst v0;
	(pc) =	sbr.rel @p0 .LBB2_2-.Ltmp0, $4  }
0x2c: {  	[tilespmem:s21+$0x2A10] =	vst v0  }
0x2d: {  	[tilespmem:s21+$0x2A20] =	vst v0  }
0x2e: {  	[tilespmem:s21+$0x2A30] =	vst v0  }
0x2f: {  	[tilespmem:s21+$0x2A40] =	vst v0;
	s21 =	sshra.s32 s22, $0x2;
	s22 =	sadd.s32 $0x200, s22  }
0x30: {  	[tilespmem:s21+$0x2A50] =	vst v0  }
0x31: {  	[tilespmem:s21+$0x29E0] =	vst v0  }
0x32: {  	[tilespmem:s21+$0x29F0] =	vst v0  }
0x33: {  	[tilespmem:s21+$0x2A00] =	vst v0  }
0x34: {  	[tilespmem:s21+$0x2A10] =	vst v0  }
0x35: {  	[tilespmem:s21+$0x2A20] =	vst v0  }
0x36: {  	[tilespmem:s21+$0x2A30] =	vst v0  }
0x37: {  	[tilespmem:s21+$0x2A40] =	vst v0  }
0x38: {  	[spmem:s15] =	stream.linear.scatter [tilespmem:s0], [sflag:$0x5], $0x2800, $0x38;
	[tilespmem:$0x1B9E0] =	vst v63  }
0x39: {  	_ =	swait.ge [sflag:s6], $0x2800  }
0x3a: {  	[sflag:s6] =	ssyncset.done $0x0  }
0x3b: {  	s28 =	rddreg [dreg:$0xd];
	[sflag:s6] =	ssyncadd.s32 $0xFFFFD800  }
0x3c: {  	[spmem:s28] =	stream.linear.scatter [tilespmem:s0], [sflag:$0x5], $0x2800, $0x38;
	[tilespmem:$0x1B9E0] =	vst v63  }
0x3d: {  	_ =	swait.ge [sflag:s6], $0x2800  }
0x3e: {  	[sflag:s6] =	ssyncset.done $0x0  }
0x3f: {  	s22 =	rddreg [dreg:$0x13];
	[sflag:s6] =	ssyncadd.s32 $0xFFFFD800  }
0x40: {  	[spmem:s22] =	stream.linear.scatter [tilespmem:s0], [sflag:$0x5], $0x2800, $0x38;
	[tilespmem:$0x1B9E0] =	vst v63  }
0x41: {  	_ =	swait.ge [sflag:s6], $0x2800  }
0x42: {  	[sflag:s6] =	ssyncset.done $0x0  }
0x43: {  	s23 =	rddreg [dreg:$0x14];
	[sflag:s6] =	ssyncadd.s32 $0xFFFFD800  }
0x44: {  	[spmem:s23] =	stream.linear.scatter [tilespmem:s0], [sflag:$0x5], $0x2800, $0x38;
	[tilespmem:$0x1B9E0] =	vst v63  }
0x45: {  	_ =	swait.ge [sflag:s6], $0x2800  }
0x46: {  	[sflag:s6] =	ssyncset.done $0x0  }
0x47: {  	[sflag:s6] =	ssyncadd.s32 $0xFFFFD800  }
0x48: {  	[spmem:s29] =	stream.linear.scatter [tilespmem:s0], [sflag:$0x5], $0x2800, $0x38;
	[tilespmem:$0x1B9E0] =	vst v63  }
0x49: {  	_ =	swait.ge [sflag:s6], $0x2800  }
0x4a: {  	[sflag:s6] =	ssyncset.done $0x0  }
0x4b: {  	[sflag:s6] =	ssyncadd.s32 $0xFFFFD800  }
0x4c: {  	[spmem:s30] =	stream.linear.scatter [tilespmem:s0], [sflag:$0x5], $0x2800, $0x38;
	[tilespmem:$0x1B9E0] =	vst v63  }
0x4d: {  	_ =	swait.ge [sflag:s6], $0x2800  }
0x4e: {  	[sflag:s6] =	ssyncset.done $0x0  }
0x4f: {  	[sflag:s6] =	ssyncadd.s32 $0xFFFFD800  }
0x50: {  	[spmem:s31] =	stream.linear.scatter [tilespmem:s0], [sflag:$0x5], $0x2800, $0x38;
	[tilespmem:$0x1B9E0] =	vst v63  }
0x51: {  	_ =	swait.ge [sflag:s6], $0x2800  }
0x52: {  	[sflag:s6] =	ssyncset.done $0x0  }
0x53: {  	[sflag:s6] =	ssyncadd.s32 $0xFFFFD800  }
0x54: {  	[spmem:s1] =	stream.linear.scatter [tilespmem:s0], [sflag:$0x5], $0x2800, $0x38;
	[tilespmem:$0x1B9E0] =	vst v63  }
0x55: {  	_ =	swait.ge [sflag:s6], $0x2800  }
0x56: {  	[sflag:s6] =	ssyncset.done $0x0  }
0x57: {  	[sflag:s6] =	ssyncadd.s32 $0xFFFFD800  }
0x58: {  	[bflag:$0x0] =	sbarrier.arrive $0xFFFF  }
0x59: {  	v1 =	vld [tilespmem:$0x0];
	_ =	sdelay $0x1  }
0x5a: {  	v2 =	vld [tilespmem:$0x10];
	_ =	sdelay $0x1  }
0x5b: {  	v3 =	vld [tilespmem:$0x20]  }
0x5c: {  	v4 =	vand.u32 $0x3FFF, v1  }
0x5d: {  	v61 =	vld [tilespmem:$0x30];
	v1 =	vshrl.u32 v1, $0xE;
	[tilespmem:$0x2800] =	vst v4  }
0x5e: {  	[tilespmem:$0x28A0] =	vst v1;
	v1 =	vand.u32 $0x3FFF, v2  }
0x5f: {  	v2 =	vshrl.u32 v2, $0xE;
	[tilespmem:$0x2810] =	vst v1;
	v1 =	vld [tilespmem:$0x40]  }
0x60: {  	[tilespmem:$0x28B0] =	vst v2;
	v2 =	vand.u32 $0x3FFF, v3  }
0x61: {  	v3 =	vshrl.u32 v3, $0xE;
	[tilespmem:$0x2820] =	vst v2  }
0x62: {  	[tilespmem:$0x28C0] =	vst v3;
	v2 =	vand.u32 $0x3FFF, v61  }
0x63: {  	v3 =	vshrl.u32 v61, $0xE;
	[tilespmem:$0x2830] =	vst v2  }
0x64: {  	[tilespmem:$0x28D0] =	vst v3;
	v2 =	vand.u32 $0x3FFF, v1  }
0x65: {  	v1 =	vshrl.u32 v1, $0xE;
	[tilespmem:$0x2840] =	vst v2  }
0x66: {  	s24 =	simm.s32 $0x2800;
	[tilespmem:$0x28E0] =	vst v1  }
0x67: {  	[tilespmem:s0], [sflag:$0x1] =	stream.indirect.gather [hbm4b:s7+s10], $0x80, s24, s10, $0xb8;
	[tilespmem:$0x1B9E0] =	vst v63  }
0x68: {  	s21 =	simm.s32 $0x0;
	s23 =	simm.s32 $0x2760;
	s22 =	rddreg [dreg:$0x4]  }
0x69: {  	[tilespmem:s23], [sflag:$0x3] =	stream.linear.gather [hbm4b:s22+s21], $0x50, $0x38;
	[tilespmem:$0x1B9E0] =	vst v63  }
0x6a: {  	v1 =	vld [tilespmem:$0x50];
	_ =	sdelay $0x1  }
0x6b: {  	v2 =	vld [tilespmem:$0x60];
	_ =	sdelay $0x1  }
0x6c: {  	v3 =	vld [tilespmem:$0x70]  }
0x6d: {  	v62 =	vand.u32 $0x3FFF, v1  }
0x6e: {  	v63 =	vld [tilespmem:$0x80];
	v1 =	vshrl.u32 v1, $0xE;
	[tilespmem:$0x2850] =	vst v62  }
0x6f: {  	[tilespmem:$0x28F0] =	vst v1;
	v1 =	vand.u32 $0x3FFF, v2  }
0x70: {  	v2 =	vshrl.u32 v2, $0xE;
	[tilespmem:$0x2860] =	vst v1;
	v1 =	vld [tilespmem:$0x90]  }
0x71: {  	[tilespmem:$0x2900] =	vst v2;
	v2 =	vand.u32 $0x3FFF, v3  }
0x72: {  	[tilespmem:$0x2870] =	vst v2;
	v2 =	vshrl.u32 v3, $0xE  }
0x73: {  	[tilespmem:$0x2910] =	vst v2;
	v2 =	vand.u32 $0x3FFF, v63  }
0x74: {  	[tilespmem:$0x2880] =	vst v2;
	v2 =	vshrl.u32 v63, $0xE  }
0x75: {  	[tilespmem:$0x2920] =	vst v2;
	v2 =	vand.u32 $0x3FFF, v1  }
0x76: {  	v1 =	vshrl.u32 v1, $0xE;
	[tilespmem:$0x2890] =	vst v2  }
0x77: {  	s25 =	simm.s32 $0x2850;
	[tilespmem:$0x2930] =	vst v1  }
0x78: {  	[tilespmem:s11], [sflag:$0x2] =	stream.indirect.gather [hbm4b:s7+s10], $0x80, s25, s10, $0xb8;
	[tilespmem:$0x1B9E0] =	vst v63  }
0x79: {  	s28 =	simm.s32 $0x27B0;
	s26 =	rddreg [dreg:$0x6];
	s22 =	simm.s32 $0x0  }
0x7a: {  	[tilespmem:s28], [sflag:$0x4] =	stream.linear.gather [hbm4b:s26+s21], $0x50, $0x38;
	[tilespmem:$0x1B9E0] =	vst v63  }
.LBB2_4:
0x7b: {  	_ =	swait.ge [sflag:s13], $0x2800  }
0x7c: {  	[sflag:s13] =	ssyncset.done $0x0  }
0x7d: {  	[sflag:s13] =	ssyncadd.s32 $0xFFFFD800  }
0x7e: {  	_ =	swait.ge [sflag:s14], $0x50  }
0x7f: {  	[sflag:s14] =	ssyncset.done $0x0  }
0x80: {  	[sflag:s14] =	ssyncadd.s32 $0xFFFFFFB0  }
0x81: {  	v1 =	vld [tilespmem:$0x2800]  }
0x82: {  	v2 =	vld [tilespmem:$0x28A0]  }
0x83: {  	v3 =	vld [tilespmem:$0x2760]  }
0x84: {  	v4 =	vld [tilespmem:$0x2810]  }
0x85: {  	v5 =	vld [tilespmem:$0x28B0]  }
0x86: {  	v6 =	vld [tilespmem:$0x2770]  }
0x87: {  	v7 =	vld [tilespmem:$0x2820]  }
0x88: {  	v8 =	vld [tilespmem:$0x28C0]  }
0x89: {  	v9 =	vld [tilespmem:$0x2780]  }
0x8a: {  	v10 =	vld [tilespmem:$0x2830]  }
0x8b: {  	v11 =	vld [tilespmem:$0x28D0]  }
0x8c: {  	v12 =	vld [tilespmem:$0x2790]  }
0x8d: {  	v13 =	vld [tilespmem:$0x2840]  }
0x8e: {  	v14 =	vld [tilespmem:$0x28E0]  }
0x8f: {  	vm0 =	veq.s32 v1, v2;
	v1 =	vld [tilespmem:$0x27A0]  }
0x90: {  	vm12 =	veq.s32 v4, v5;
	v2 =	vsel vm0, $0x0, v3  }
0x91: {  	vm13 =	veq.s32 v7, v8;
	v3 =	vsel vm12, $0x0, v6;
	[tilespmem:$0x2940] =	vst v2  }
0x92: {  	vm14 =	veq.s32 v10, v11;
	[tilespmem:$0x2950] =	vst v3;
	v2 =	vsel vm13, $0x0, v9  }
0x93: {  	vm15 =	veq.s32 v13, v14;
	[tilespmem:$0x2960] =	vst v2;
	v2 =	vsel vm14, $0x0, v12  }
0x94: {  	[tilespmem:$0x2970] =	vst v2;
	v2 =	vmov s21;
	v1 =	vsel vm15, $0x0, v1  }
0x95: {  	s23 =	simm.s32 $0x2A20;
	[tilespmem:$0x2980] =	vst v1  }
0x96: {  	v5 =	vld [tilespmem:s23+$0x30]  }
0x97: {  	v8 =	vld [tilespmem:s23+$0x10]  }
0x98: {  	v6 =	vld [tilespmem:s23+$0xFFFFFFC0]  }
0x99: {  	v2 =	vld.idx.msk [tilespmem:v2+s16+$0x0], $0xffff  }
0x9a: {  	v10 =	vld [tilespmem:s23+$0xFFFFFFE0]  }
0x9b: {  	v1 =	vld [tilespmem:s23+$0xFFFFFFF0]  }
0x9c: {  	v3 =	vld [tilespmem:s23+$0x20]  }
0x9d: {  	v4 =	vld [tilespmem:s23+$0xFFFFFFD0]  }
0x9e: {  	v9 =	vmul.f32 v5, v2;
	v5 =	vld [tilespmem:s23+$0x0]  }
0x9f: {  	v7 =	vmul.f32 v6, v2  }
0xa0: {  	s24 =	simm.s32 $0x1;
	s25 =	simm.s32 $0x2A20;
	v6 =	vmul.f32 v10, v2;
	v8 =	vmul.f32 v8, v2  }
.LBB2_5:
0xa1: {  	p0 =	sne.s32 s24, $0x4F  }
0xa2: {  	v4 =	vmul.f32 v4, v2;
	v3 =	vmul.f32 v3, v2;
	[tilespmem:s23+$0x30] =	vst v9;
	s25 =	sadd.s32 $0x80, s25;
	s26 =	smov.u32 s24;
	s24 =	sadd.s32 $0x1, s24  }
0xa3: {  	[tilespmem:s23+$0xFFFFFFC0] =	vst v7;
	v7 =	vmul.f32 v1, v2;
	v2 =	vmul.f32 v5, v2  }
0xa4: {  	[tilespmem:s23+$0x10] =	vst v8  }
0xa5: {  	v5 =	vmov s26;
	[tilespmem:s23+$0xFFFFFFE0] =	vst v6  }
0xa6: {  	v1 =	vld [tilespmem:s25+$0xFFFFFFF0];
	[tilespmem:s23+$0xFFFFFFF0] =	vst v7  }
0xa7: {  	v6 =	vld [tilespmem:s25+$0x30];
	[tilespmem:s23+$0x0] =	vst v2  }
0xa8: {  	v8 =	vld [tilespmem:s25+$0x10];
	[tilespmem:s23+$0x20] =	vst v3  }
0xa9: {  	v7 =	vld [tilespmem:s25+$0xFFFFFFC0];
	[tilespmem:s23+$0xFFFFFFD0] =	vst v4;
	s23 =	smov.u32 s25  }
0xaa: {  	v2 =	vld.idx.msk [tilespmem:v5+s16+$0x0], $0xffff  }
0xab: {  	v10 =	vld [tilespmem:s25+$0xFFFFFFE0]  }
0xac: {  	v3 =	vld [tilespmem:s25+$0x20]  }
.Ltmp1:
0xad: {  	v4 =	vld [tilespmem:s25+$0xFFFFFFD0];
	(pc) =	sbr.rel @p0 .LBB2_5-.Ltmp1, $3  }
0xae: {  	v5 =	vld [tilespmem:s25+$0x0];
	_ =	sdelay $0x1  }
0xaf: {  	v7 =	vmul.f32 v7, v2;
	v9 =	vmul.f32 v6, v2  }
0xb0: {  	v8 =	vmul.f32 v8, v2;
	v6 =	vmul.f32 v10, v2  }
0xb1: {  	[tilespmem:s23+$0x30] =	vst v9  }
0xb2: {  	[tilespmem:s23+$0xFFFFFFC0] =	vst v7  }
0xb3: {  	v1 =	vmul.f32 v1, v2;
	[tilespmem:s23+$0x10] =	vst v8  }
0xb4: {  	v3 =	vmul.f32 v3, v2;
	[tilespmem:s23+$0xFFFFFFE0] =	vst v6  }
0xb5: {  	v5 =	vmul.f32 v5, v2;
	[tilespmem:s23+$0xFFFFFFF0] =	vst v1  }
0xb6: {  	v1 =	vmul.f32 v4, v2;
	[tilespmem:s23+$0x20] =	vst v3  }
0xb7: {  	[tilespmem:s23+$0x0] =	vst v5  }
0xb8: {  	[tilespmem:s23+$0xFFFFFFD0] =	vst v1;
	s23 =	sshll.u32 s22, $0x1  }
0xb9: {  	[spmem:s5] =	stream.indirect.scatter.add.f32 [tilespmem:s0], [sflag:$0x5], $0x80, s9, s10, $0xb8;
	[tilespmem:$0x1B9E0] =	vst v63  }
0xba: {  	s24 =	sadd.s32 $0x2, s23  }
0xbb: {  	p0 =	sge.u32 s24, s8  }
0xbc: {  	_ =	swait.ge [sflag:s6], $0x2800;
	s25 =	smul.u32 @!p0 $0x140, s24  }
0xbd: {  	[sflag:s6] =	ssyncset.done $0x0  }
0xbe: {  	[sflag:s6] =	ssyncadd.s32 $0xFFFFD800;
	s25 =	sshra.s32 @!p0 s25, $0x2  }
0xbf: {  	v1 =	vld @!p0 [tilespmem:s25+$0x0];
	_ =	sdelay $0x4  }
0xc0: {  	v2 =	vand.u32 @!p0 $0x3FFF, v1  }
0xc1: {  	v1 =	vshrl.u32 @!p0 v1, $0xE;
	[tilespmem:$0x2800] =	vst @!p0 v2  }
0xc2: {  	[tilespmem:$0x28A0] =	vst @!p0 v1  }
0xc3: {  	v1 =	vld @!p0 [tilespmem:s25+$0x10];
	_ =	sdelay $0x4  }
0xc4: {  	v2 =	vand.u32 @!p0 $0x3FFF, v1  }
0xc5: {  	v1 =	vshrl.u32 @!p0 v1, $0xE;
	[tilespmem:$0x2810] =	vst @!p0 v2  }
0xc6: {  	[tilespmem:$0x28B0] =	vst @!p0 v1  }
0xc7: {  	v1 =	vld @!p0 [tilespmem:s25+$0x20];
	_ =	sdelay $0x4  }
0xc8: {  	v2 =	vand.u32 @!p0 $0x3FFF, v1  }
0xc9: {  	v1 =	vshrl.u32 @!p0 v1, $0xE;
	[tilespmem:$0x2820] =	vst @!p0 v2  }
0xca: {  	[tilespmem:$0x28C0] =	vst @!p0 v1  }
0xcb: {  	v1 =	vld @!p0 [tilespmem:s25+$0x30];
	_ =	sdelay $0x4  }
0xcc: {  	v2 =	vand.u32 @!p0 $0x3FFF, v1  }
0xcd: {  	v1 =	vshrl.u32 @!p0 v1, $0xE;
	[tilespmem:$0x2830] =	vst @!p0 v2  }
0xce: {  	[tilespmem:$0x28D0] =	vst @!p0 v1  }
0xcf: {  	v1 =	vld @!p0 [tilespmem:s25+$0x40];
	_ =	sdelay $0x2  }
0xd0: {  	s24 =	sadd.s32 @!p0 s2, s24  }
0xd1: {  	s24 =	smul.u32 @!p0 $0x50, s24  }
0xd2: {  	v2 =	vand.u32 @!p0 $0x3FFF, v1  }
0xd3: {  	s26 =	simm.s32 @!p0 $0x2800;
	s24 =	sadd.s32 @!p0 s3, s24;
	v1 =	vshrl.u32 @!p0 v1, $0xE;
	[tilespmem:$0x2840] =	vst @!p0 v2  }
0xd4: {  	s28 =	simm.s32 @!p0 $0x29E0;
	s24 =	sshrl.u32 @!p0 s24, $0x3;
	s25 =	simm.s32 @!p0 $0x50;
	[tilespmem:$0x28E0] =	vst @!p0 v1  }
0xd5: {  	[tilespmem:s28], [sflag:$0x1] =	stream.indirect.gather @!p0 [hbm4b:s7+s25], $0x80, s26, s25, $0xb8;
	[tilespmem:$0x1B9E0] =	vst v63  }
0xd6: {  	s24 =	sadd.s32 @!p0 s4, s24;
	s25 =	simm.s32 @!p0 $0x0;
	s26 =	simm.s32 @!p0 $0x2760  }
0xd7: {  	[tilespmem:s26], [sflag:$0x3] =	stream.linear.gather @!p0 [hbm4b:s24+s25], $0x50, $0x38;
	[tilespmem:$0x1B9E0] =	vst v63  }
0xd8: {  	_ =	swait.ge [sflag:s17], $0x2800  }
0xd9: {  	[sflag:s17] =	ssyncset.done $0x0  }
0xda: {  	[sflag:s17] =	ssyncadd.s32 $0xFFFFD800  }
0xdb: {  	_ =	swait.ge [sflag:s18], $0x50  }
0xdc: {  	[sflag:s18] =	ssyncset.done $0x0  }
0xdd: {  	[sflag:s18] =	ssyncadd.s32 $0xFFFFFFB0  }
0xde: {  	v1 =	vld [tilespmem:$0x2850]  }
0xdf: {  	v2 =	vld [tilespmem:$0x28F0]  }
0xe0: {  	v3 =	vld [tilespmem:$0x27B0]  }
0xe1: {  	v4 =	vld [tilespmem:$0x2860]  }
0xe2: {  	v5 =	vld [tilespmem:$0x2900]  }
0xe3: {  	v6 =	vld [tilespmem:$0x27C0]  }
0xe4: {  	v7 =	vld [tilespmem:$0x2870]  }
0xe5: {  	v8 =	vld [tilespmem:$0x2910]  }
0xe6: {  	v9 =	vld [tilespmem:$0x27D0]  }
0xe7: {  	v10 =	vld [tilespmem:$0x2880]  }
0xe8: {  	v11 =	vld [tilespmem:$0x2920]  }
0xe9: {  	v12 =	vld [tilespmem:$0x27E0]  }
0xea: {  	v13 =	vld [tilespmem:$0x2890]  }
0xeb: {  	v14 =	vld [tilespmem:$0x2930]  }
0xec: {  	vm0 =	veq.s32 v1, v2;
	v1 =	vld [tilespmem:$0x27F0]  }
0xed: {  	vm12 =	veq.s32 v4, v5;
	v2 =	vsel vm0, $0x0, v3  }
0xee: {  	s28 =	simm.s32 $0x0;
	vm13 =	veq.s32 v7, v8;
	v3 =	vsel vm12, $0x0, v6;
	[tilespmem:$0x2990] =	vst v2  }
0xef: {  	vm14 =	veq.s32 v10, v11;
	[tilespmem:$0x29A0] =	vst v3;
	v2 =	vsel vm13, $0x0, v9;
	v3 =	vmov s28  }
0xf0: {  	vm15 =	veq.s32 v13, v14;
	[tilespmem:$0x29B0] =	vst v2;
	v2 =	vsel vm14, $0x0, v12;
	v3 =	vand.u32 $0x7F, v3  }
0xf1: {  	[tilespmem:$0x29C0] =	vst v2;
	v2 =	vadd.s32 $0x50, v3;
	v1 =	vsel vm15, $0x0, v1  }
0xf2: {  	s24 =	simm.s32 $0x5220;
	[tilespmem:$0x29D0] =	vst v1  }
0xf3: {  	v5 =	vld [tilespmem:s24+$0x30]  }
0xf4: {  	v8 =	vld [tilespmem:s24+$0x10]  }
0xf5: {  	v6 =	vld [tilespmem:s24+$0xFFFFFFC0]  }
0xf6: {  	v2 =	vld.idx.msk [tilespmem:v2+s16+$0x0], $0xffff  }
0xf7: {  	v10 =	vld [tilespmem:s24+$0xFFFFFFE0]  }
0xf8: {  	v1 =	vld [tilespmem:s24+$0xFFFFFFF0]  }
0xf9: {  	v3 =	vld [tilespmem:s24+$0x20]  }
0xfa: {  	v4 =	vld [tilespmem:s24+$0xFFFFFFD0]  }
0xfb: {  	v9 =	vmul.f32 v5, v2;
	v5 =	vld [tilespmem:s24+$0x0]  }
0xfc: {  	v7 =	vmul.f32 v6, v2  }
0xfd: {  	s25 =	simm.s32 $0x1;
	s26 =	simm.s32 $0x5220;
	v6 =	vmul.f32 v10, v2;
	v8 =	vmul.f32 v8, v2  }
.LBB2_7:
0xfe: {  	p0 =	sne.s32 s25, $0x4F  }
0xff: {  	v4 =	vmul.f32 v4, v2;
	v3 =	vmul.f32 v3, v2;
	[tilespmem:s24+$0x30] =	vst v9;
	s26 =	sadd.s32 $0x80, s26;
	s28 =	smov.u32 s25;
	s25 =	sadd.s32 $0x1, s25  }
0x100: {  	v9 =	vmov s28;
	[tilespmem:s24+$0xFFFFFFC0] =	vst v7;
	v7 =	vmul.f32 v1, v2;
	v2 =	vmul.f32 v5, v2  }
0x101: {  	v1 =	vand.u32 $0x7F, v9;
	[tilespmem:s24+$0x10] =	vst v8  }
0x102: {  	v5 =	vadd.s32 $0x50, v1;
	[tilespmem:s24+$0xFFFFFFE0] =	vst v6  }
0x103: {  	v1 =	vld [tilespmem:s26+$0xFFFFFFF0];
	[tilespmem:s24+$0xFFFFFFF0] =	vst v7  }
0x104: {  	v6 =	vld [tilespmem:s26+$0x30];
	[tilespmem:s24+$0x0] =	vst v2  }
0x105: {  	v8 =	vld [tilespmem:s26+$0x10];
	[tilespmem:s24+$0x20] =	vst v3  }
0x106: {  	v7 =	vld [tilespmem:s26+$0xFFFFFFC0];
	[tilespmem:s24+$0xFFFFFFD0] =	vst v4;
	s24 =	smov.u32 s26  }
0x107: {  	v2 =	vld.idx.msk [tilespmem:v5+s16+$0x0], $0xffff  }
0x108: {  	v10 =	vld [tilespmem:s26+$0xFFFFFFE0]  }
0x109: {  	v3 =	vld [tilespmem:s26+$0x20]  }
.Ltmp2:
0x10a: {  	v4 =	vld [tilespmem:s26+$0xFFFFFFD0];
	(pc) =	sbr.rel @p0 .LBB2_7-.Ltmp2, $3  }
0x10b: {  	v5 =	vld [tilespmem:s26+$0x0];
	_ =	sdelay $0x1  }
0x10c: {  	v7 =	vmul.f32 v7, v2;
	v9 =	vmul.f32 v6, v2  }
0x10d: {  	v8 =	vmul.f32 v8, v2;
	v6 =	vmul.f32 v10, v2  }
0x10e: {  	[tilespmem:s24+$0x30] =	vst v9  }
0x10f: {  	[tilespmem:s24+$0xFFFFFFC0] =	vst v7  }
0x110: {  	v1 =	vmul.f32 v1, v2;
	[tilespmem:s24+$0x10] =	vst v8  }
0x111: {  	v3 =	vmul.f32 v3, v2;
	[tilespmem:s24+$0xFFFFFFE0] =	vst v6  }
0x112: {  	v5 =	vmul.f32 v5, v2;
	[tilespmem:s24+$0xFFFFFFF0] =	vst v1  }
0x113: {  	v1 =	vmul.f32 v4, v2;
	[tilespmem:s24+$0x20] =	vst v3  }
0x114: {  	s23 =	sadd.s32 $0x3, s23;
	[tilespmem:s24+$0x0] =	vst v5  }
0x115: {  	p0 =	sge.u32 s23, s8;
	[tilespmem:s24+$0xFFFFFFD0] =	vst v1  }
0x116: {  	[spmem:s5] =	stream.indirect.scatter.add.f32 [tilespmem:s11], [sflag:$0x5], $0x80, s19, s10, $0xb8;
	[tilespmem:$0x1B9E0] =	vst v63  }
0x117: {  	s24 =	smul.u32 @!p0 $0x140, s23;
	_ =	swait.ge [sflag:s6], $0x2800  }
0x118: {  	[sflag:s6] =	ssyncset.done $0x0  }
0x119: {  	s24 =	sshra.s32 @!p0 s24, $0x2;
	[sflag:s6] =	ssyncadd.s32 $0xFFFFD800  }
0x11a: {  	v1 =	vld @!p0 [tilespmem:s24+$0x0];
	_ =	sdelay $0x4  }
0x11b: {  	v2 =	vand.u32 @!p0 $0x3FFF, v1  }
0x11c: {  	v1 =	vshrl.u32 @!p0 v1, $0xE;
	[tilespmem:$0x2850] =	vst @!p0 v2  }
0x11d: {  	[tilespmem:$0x28F0] =	vst @!p0 v1  }
0x11e: {  	v1 =	vld @!p0 [tilespmem:s24+$0x10];
	_ =	sdelay $0x4  }
0x11f: {  	v2 =	vand.u32 @!p0 $0x3FFF, v1  }
0x120: {  	v1 =	vshrl.u32 @!p0 v1, $0xE;
	[tilespmem:$0x2860] =	vst @!p0 v2  }
0x121: {  	[tilespmem:$0x2900] =	vst @!p0 v1  }
0x122: {  	v1 =	vld @!p0 [tilespmem:s24+$0x20];
	_ =	sdelay $0x4  }
0x123: {  	v2 =	vand.u32 @!p0 $0x3FFF, v1  }
0x124: {  	v1 =	vshrl.u32 @!p0 v1, $0xE;
	[tilespmem:$0x2870] =	vst @!p0 v2  }
0x125: {  	[tilespmem:$0x2910] =	vst @!p0 v1  }
0x126: {  	v1 =	vld @!p0 [tilespmem:s24+$0x30];
	_ =	sdelay $0x4  }
0x127: {  	v2 =	vand.u32 @!p0 $0x3FFF, v1  }
0x128: {  	v1 =	vshrl.u32 @!p0 v1, $0xE;
	[tilespmem:$0x2880] =	vst @!p0 v2  }
0x129: {  	[tilespmem:$0x2920] =	vst @!p0 v1  }
0x12a: {  	v1 =	vld @!p0 [tilespmem:s24+$0x40];
	_ =	sdelay $0x2  }
0x12b: {  	s23 =	sadd.s32 @!p0 s2, s23  }
0x12c: {  	s23 =	smul.u32 @!p0 $0x50, s23  }
0x12d: {  	v2 =	vand.u32 @!p0 $0x3FFF, v1  }
0x12e: {  	s22 =	sadd.s32 $0x1, s22;
	s25 =	simm.s32 @!p0 $0x2850;
	s23 =	sadd.s32 @!p0 s3, s23;
	v1 =	vshrl.u32 @!p0 v1, $0xE;
	[tilespmem:$0x2890] =	vst @!p0 v2  }
0x12f: {  	s26 =	simm.s32 @!p0 $0x51E0;
	s23 =	sshrl.u32 @!p0 s23, $0x3;
	s24 =	simm.s32 @!p0 $0x50;
	[tilespmem:$0x2930] =	vst @!p0 v1  }
0x130: {  	[tilespmem:s26], [sflag:$0x2] =	stream.indirect.gather @!p0 [hbm4b:s7+s24], $0x80, s25, s24, $0xb8;
	[tilespmem:$0x1B9E0] =	vst v63  }
0x131: {  	s23 =	sadd.s32 @!p0 s4, s23;
	s24 =	simm.s32 @!p0 $0x0;
	s25 =	simm.s32 @!p0 $0x27B0  }
0x132: {  	[tilespmem:s25], [sflag:$0x4] =	stream.linear.gather @!p0 [hbm4b:s23+s24], $0x50, $0x38;
	[tilespmem:$0x1B9E0] =	vst v63  }
0x133: {  	p0 =	sne.s32 s22, s12  }
.Ltmp3:
0x134: {  	_ = 	snop;
	(pc) =	sbr.rel @p0 .LBB2_4-.Ltmp3, $1  }
0x135: {  	_ =	sdelay $0x3  }
0x136: {  	s21 =	stileid.u32;
	[bflag:$0x0] =	sbarrier.arrive $0xFFFF  }
0x137: {  	s21 =	sshll.u32 s21, $0x6;
	s22 =	rddreg [dreg:$0x7]  }
0x138: {  	s23 =	rddreg [dreg:$0xe];
	s21 =	sor.u32 $0x1C05, s21  }
0x139: {  	[hbm:s22], [sflag:s21] =	dma.local [spmem:s23], $0x800  }
0x13a: {  	_ =	swait.ge [sflag:s6], $0x800  }
0x13b: {  	[sflag:s6] =	ssyncset.done $0x0;
	s24 =	rddreg [dreg:$0x9]  }
0x13c: {  	s25 =	rddreg [dreg:$0xf];
	[sflag:s6] =	ssyncadd.s32 $0xFFFFF800  }
0x13d: {  	[hbm:s24], [sflag:s21] =	dma.local [spmem:s25], $0x800  }
0x13e: {  	_ =	swait.ge [sflag:s6], $0x800  }
0x13f: {  	[sflag:s6] =	ssyncset.done $0x0;
	s26 =	rddreg [dreg:$0xa]  }
0x140: {  	s28 =	rddreg [dreg:$0x10];
	[sflag:s6] =	ssyncadd.s32 $0xFFFFF800  }
0x141: {  	[hbm:s26], [sflag:s21] =	dma.local [spmem:s28], $0x800  }
0x142: {  	_ =	swait.ge [sflag:s6], $0x800  }
0x143: {  	[sflag:s6] =	ssyncset.done $0x0;
	s23 =	rddreg [dreg:$0xb]  }
0x144: {  	s24 =	rddreg [dreg:$0x11];
	[sflag:s6] =	ssyncadd.s32 $0xFFFFF800  }
0x145: {  	[hbm:s23], [sflag:s21] =	dma.local [spmem:s24], $0x800  }
0x146: {  	_ =	swait.ge [sflag:s6], $0x800  }
0x147: {  	[sflag:s6] =	ssyncset.done $0x0;
	s25 =	rddreg [dreg:$0xc]  }
0x148: {  	s26 =	rddreg [dreg:$0x12];
	[sflag:s6] =	ssyncadd.s32 $0xFFFFF800  }
0x149: {  	[hbm:s25], [sflag:s21] =	dma.local [spmem:s26], $0x800  }
0x14a: {  	_ =	swait.ge [sflag:s6], $0x800  }
0x14b: {  	s20 =	sadd.s32 $0x1, s20;
	s28 =	rddreg [dreg:$0x8]  }
0x14c: {  	p0 =	sne.s32 s20, s28  }
.Ltmp4:
0x14d: {  	_ = 	snop;
	(pc) =	sbr.rel @p0 .LBB2_1-.Ltmp4, $3  }
0x14e: {  	_ =	sdelay $0x1  }
0x14f: {  	[sflag:s6] =	ssyncset.done $0x0  }
0x150: {  	[sflag:s6] =	ssyncadd.s32 $0xFFFFF800  }
0x151: {  	_ =	sfence.sel $0x180000  }
0x152: {  	[bflag:$0x0] =	sbarrier.arrive $0xFFFF  }
0x153: {  	_ =	strace $0x9000004A  }
0x154: {  	s0 =	stileid.u32;
	[bflag:$0x2] =	sbarrier.arrive $0xFFFF  }
0x155: {  	p0 =	sne.s32 s0, $0x0;
	s0 =	rddreg [dreg:$0x3]  }
0x156: {  	s0 =	sadd.s32 @!p0 $0x100000, s0  }
0x157: {  	[sflag:s0] =	ssyncadd.tile.s32 @!p0 $0x1;
	_ =	shalt  }
.Lfunc_end2:
_tile_overlayer_lowered:
.L_overlay_start_2:
0x158: {  	(tag) =	ssettag $0x2  }
0x159: {  	s0 =	rddreg [dreg:$0x0];
	s2 =	stileid.u32  }
0x15a: {  	s1 =	rddreg [dreg:$0x1];
	p0 =	sne.s32 s2, $0x0  }
0x15b: {  	s3 =	rddreg [dreg:$0x2];
	[bflag:$0x3] =	sbarrier.arrive $0xFFFF;
	s2 =	simm.s32 @!p0 $0x1C05  }
0x15c: {  	[timem:s3], [sflag:s2] =	dma.local @!p0 [hbm:s0], s1  }
0x15d: {  	s0 =	simm.s32 @!p0 $0x5  }
0x15e: {  	_ =	swait.ge @!p0 [sflag:s0], s1  }
0x15f: {  	s1 =	ssub.s32 @!p0 $0x0, s1;
	[sflag:s0] =	ssyncset.done @!p0 $0x0  }
0x160: {  	[sflag:s0] =	ssyncadd.s32 @!p0 s1  }
0x161: {  	[bflag:$0x3] =	sbarrier.arrive $0xFFFF  }
0x162: {  	_ =	shalt  }

// kernel: kernel.7.cloned.1.call-start
scs
__scs_entry_jumppad:
0x0: {  	(pc) =	sbr.rel $0x88, $3  }
0x1: {  	(tag) =	ssettag $0x0;
	lr =	simm.s32 $0x1  }
0x2: {  	[smem:$0x3F98] =	sst lr;
	_ =	strace $0xD0000000  }
0x3: {  	_ = 	snop  }
0x4: {  	_ = 	snop  }
0x5: {  	_ = 	snop  }
0x6: {  	_ = 	snop  }
0x7: {  	_ = 	snop  }
__scs_overlays_trampoline_lowered:
0x8: {  	[smem:$0x3FA7] =	sst s0  }
0x9: {  	[smem:$0x3FA8] =	sst s1  }
0xa: {  	[smem:$0x3FA9] =	sst s2  }
0xb: {  	[smem:$0x3FAA] =	sst s3  }
0xc: {  	[smem:$0x3FAB] =	sst s4  }
0xd: {  	[smem:$0x3FAC] =	sst s5  }
0xe: {  	[smem:$0x3FAD] =	sst s6  }
0xf: {  	[smem:$0x3FAE] =	sst s7  }
0x10: {  	[smem:$0x3FAF] =	sst s8  }
0x11: {  	[smem:$0x3FB0] =	sst s9;
	s0 =	simm.s32 @!p0 $0x0  }
0x12: {  	s1 =	sld [smem:$0x3F96];
	s0 =	simm.s32 @p0 $0x1  }
0x13: {  	[smem:$0x3FB1] =	sst s0;
	s0 =	simm.s32 @!p1 $0x0  }
0x14: {  	s2 =	sld [smem:$0x3F95];
	s0 =	simm.s32 @p1 $0x1  }
0x15: {  	[smem:$0x3FB2] =	sst s0;
	s0 =	simm.s32 @!p2 $0x0  }
0x16: {  	s3 =	sld [smem:$0x3FDB];
	s0 =	simm.s32 @p2 $0x1  }
0x17: {  	s4 =	simm.s32 $0x1BF5;
	[smem:$0x3FB4] =	sst s0  }
0x18: {  	s0 =	sld [smem:$0x3F97];
	_ =	swait.ge [sflag:s4], $0x0  }
0x19: {  	s7 =	sld [smem:$0x3F98]  }
0x1a: {  	s8 =	sadd.s32 $0xFFFFE003, lr  }
0x1b: {  	s9 =	sadd.s32 $0xFFFFFEF7, lr;
	s5 =	simm.s32 $0xFFFFFFFF;
	p2 =	slt.u32 s8, $0xFFFFF086  }
0x1c: {  	p1 =	slt.u32 s9, $0xF7A;
	s5 =	simm.s32 @!p2 $0x0  }
0x1d: {  	s5 =	simm.s32 @p1 $0x1;
	p0 =	seq.s32 s7, s2  }
0x1e: {  	s7 =	smul.u32 @!p0 $0xF7A, s2;
	p2 =	seq.s32 @!p0 s5, $0x0  }
0x1f: {  	s9 =	smul.u32 $0xF7A, s1;
	s8 =	simm.s32 @!p0 $0x1BF5;
	p2 =	por !p2, p0  }
0x20: {  	[sflag:s8] =	ssyncset.s32 @!p0 $0xFFFFF086;
	s6 =	sadd.s32 @!p0 s3, s7;
	s7 =	simm.s32 @!p0 $0x108  }
0x21: {  	s3 =	sadd.s32 s3, s9;
	s6 =	sadd.s32 @!p0 $0x88, s6;
	s7 =	simm.s32 @p2 $0x1082  }
0x22: {  	[simem:s7], [sflag:s8] =	dma.local @!p0 [hbm:s6], $0xF7A  }
0x23: {  	s9 =	sor.u32 $0xD0000000, s2;
	s6 =	simm.s32 $0x108;
	_ =	swait.ge @!p0 [sflag:s8], $0x0  }
0x24: {  	s3 =	sadd.s32 $0x88, s3;
	s6 =	simm.s32 @!p1 $0x1082;
	[sflag:s4] =	ssyncset.s32 $0xFFFFF086  }
0x25: {  	[simem:s6], [sflag:s4] =	dma.local [hbm:s3], $0xF7A  }
0x26: {  	[smem:$0x3F98] =	sst s1;
	(tag) =	ssettag s2;
	_ =	strace s9  }
0x27: {  	s1 =	sld [smem:$0x3FA8]  }
0x28: {  	s2 =	sld [smem:$0x3FA9]  }
0x29: {  	s4 =	sld [smem:$0x3FAB]  }
0x2a: {  	p0 =	seq.s32 s5, $0x0;
	s5 =	sld [smem:$0x3FAC]  }
0x2b: {  	s6 =	sld [smem:$0x3FAD]  }
0x2c: {  	s7 =	sld [smem:$0x3FAE]  }
0x2d: {  	s3 =	simm.s32 $0x108;
	s8 =	sld [smem:$0x3FAF]  }
0x2e: {  	s3 =	simm.s32 @!p0 $0x1082;
	s9 =	sld [smem:$0x3FB0]  }
0x2f: {  	lr =	sadd.s32 s0, s3;
	s0 =	sld [smem:$0x3FA7]  }
0x30: {  	s3 =	sld [smem:$0x3FAA]  }
0x31: {  	[smem:$0x3FB3] =	sst s10  }
0x32: {  	s10 =	sld [smem:$0x3FB1];
	_ =	sdelay $0x3  }
0x33: {  	p0 =	seq.s32 s10, $0x1;
	s10 =	sld [smem:$0x3FB3];
	_ =	sdelay $0x3  }
0x34: {  	[smem:$0x3FB3] =	sst s10  }
0x35: {  	s10 =	sld [smem:$0x3FB2];
	_ =	sdelay $0x3  }
0x36: {  	p1 =	seq.s32 s10, $0x1;
	s10 =	sld [smem:$0x3FB3];
	_ =	sdelay $0x3  }
0x37: {  	[smem:$0x3FB3] =	sst s10  }
0x38: {  	s10 =	sld [smem:$0x3FB4]  }
0x39: {  	_ = 	snop;
	(pc) =	sbr.ind lr, $3  }
0x3a: {  	_ = 	snop  }
0x3b: {  	_ = 	snop  }
0x3c: {  	p2 =	seq.s32 s10, $0x1;
	s10 =	sld [smem:$0x3FB3]  }
0x3d: {  	_ =	shalt  }
0x3e: {  	_ =	shalt  }
0x3f: {  	_ =	shalt  }
0x40: {  	_ =	shalt  }
0x41: {  	_ =	shalt  }
0x42: {  	_ =	shalt  }
0x43: {  	_ =	shalt  }
0x44: {  	_ =	shalt  }
0x45: {  	_ =	shalt  }
0x46: {  	_ =	shalt  }
0x47: {  	_ =	shalt  }
0x48: {  	_ =	shalt  }
0x49: {  	_ =	shalt  }
0x4a: {  	_ =	shalt  }
0x4b: {  	_ =	shalt  }
0x4c: {  	_ =	shalt  }
0x4d: {  	_ =	shalt  }
0x4e: {  	_ =	shalt  }
0x4f: {  	_ =	shalt  }
0x50: {  	_ =	shalt  }
0x51: {  	_ =	shalt  }
0x52: {  	_ =	shalt  }
0x53: {  	_ =	shalt  }
0x54: {  	_ =	shalt  }
0x55: {  	_ =	shalt  }
0x56: {  	_ =	shalt  }
0x57: {  	_ =	shalt  }
0x58: {  	_ =	shalt  }
0x59: {  	_ =	shalt  }
0x5a: {  	_ =	shalt  }
0x5b: {  	_ =	shalt  }
0x5c: {  	_ =	shalt  }
0x5d: {  	_ =	shalt  }
0x5e: {  	_ =	shalt  }
0x5f: {  	_ =	shalt  }
0x60: {  	_ =	shalt  }
0x61: {  	_ =	shalt  }
0x62: {  	_ =	shalt  }
0x63: {  	_ =	shalt  }
0x64: {  	_ =	shalt  }
0x65: {  	_ =	shalt  }
0x66: {  	_ =	shalt  }
0x67: {  	_ =	shalt  }
0x68: {  	_ =	shalt  }
0x69: {  	_ =	shalt  }
0x6a: {  	_ =	shalt  }
0x6b: {  	_ =	shalt  }
0x6c: {  	_ =	shalt  }
0x6d: {  	_ =	shalt  }
0x6e: {  	_ =	shalt  }
0x6f: {  	_ =	shalt  }
0x70: {  	_ =	shalt  }
0x71: {  	_ =	shalt  }
0x72: {  	_ =	shalt  }
0x73: {  	_ =	shalt  }
0x74: {  	_ =	shalt  }
0x75: {  	_ =	shalt  }
0x76: {  	_ =	shalt  }
0x77: {  	_ =	shalt  }
0x78: {  	_ =	shalt  }
0x79: {  	_ =	shalt  }
0x7a: {  	_ =	shalt  }
0x7b: {  	_ =	shalt  }
0x7c: {  	_ =	shalt  }
0x7d: {  	_ =	shalt  }
0x7e: {  	_ =	shalt  }
0x7f: {  	_ =	shalt  }
0x80: {  	_ =	shalt  }
0x81: {  	_ =	shalt  }
0x82: {  	_ =	shalt  }
0x83: {  	_ =	shalt  }
0x84: {  	_ =	shalt  }
0x85: {  	_ =	shalt  }
0x86: {  	_ =	shalt  }
0x87: {  	_ =	shalt  }
.Lfunc_end0:
.L_simem_size_0:
called_computation_lowered:
.L_overlay_start_0:
0x88: {  	s2 =	sld [smem:$0x3FD9]  }
0x89: {  	s3 =	sld [smem:$0x3FFE];
	_ =	sdelay $0x1  }
0x8a: {  	s1 =	srdreg.scid  }
0x8b: {  	s0 =	sand.u32 $0x1, s1  }
0x8c: {  	s17 =	sshll.u32 s0, $0xA;
	s2 =	sadd.s32 s3, s2  }
0x8d: {  	s2 =	sadd.s32 s2, s17  }
0x8e: {  	[smem:$0x3FBF] =	sst s2  }
0x8f: {  	_ = 	snop  }
0x90: {  	s2 =	sld [smem:$0x3FC6]  }
0x91: {  	s18 =	sld [smem:$0x3FD0];
	(tm) =	ssettm $0x1  }
0x92: {  	s4 =	sld [smem:$0x3FFB];
	_ =	sdelay $0x3  }
0x93: {  	_ =	strace s4  }
0x94: {  	s4 =	sld [smem:$0x3FFC];
	_ =	sdelay $0x3  }
0x95: {  	_ =	strace s4  }
0x96: {  	s4 =	sld [smem:$0x3FFD];
	_ =	sdelay $0x3  }
0x97: {  	_ =	strace s4  }
0x98: {  	_ =	strace $0x8FFFFFFF  }
0x99: {  	s19 =	sld [smem:$0x3FDB];
	_ =	sdelay $0x1  }
0x9a: {  	s5 =	simm.s32 $_scs_section_size  }
0x9b: {  	s6 =	simm.s32 $_size__tile_overlayer_lowered;
	s7 =	simm.s32 $_tile_overlayer_lowered  }
0x9c: {  	s22 =	simm.s32 $0x1BFF;
	s21 =	sshll.u32 s7, $0x1;
	s4 =	sadd.s32 s5, s19  }
0x9d: {  	s8 =	simm.s32 $0x0;
	s20 =	sshll.u32 s6, $0x1;
	s6 =	sadd.s32 s21, s4  }
0x9e: {  	[timem:s8], [sflag:s22] =	dma.local [hbm:s6], s20  }
0x9f: {  	_ =	swait.ge [sflag:s22], s20  }
0xa0: {  	s5 =	ssub.s32 $0x0, s20;
	[sflag:s22] =	ssyncset.done $0x0  }
0xa1: {  	[sflag:s22] =	ssyncadd.s32 s5;
	_ =	sdelay $0x1  }
0xa2: {  	s23 =	simm.s32 $0x1B8B  }
0xa3: {  	_ =	swait.ge [sflag:s23], $0x1  }
0xa4: {  	[sflag:s23] =	ssyncset.done $0x0  }
0xa5: {  	s25 =	simm.s32 $0x1B8E;
	s24 =	sld [smem:$0x3FFE];
	[sflag:s23] =	ssyncadd.s32 $0xFFFFFFFF  }
0xa6: {  	s26 =	simm.s32 $execute0_lowered;
	[smem:$0x3FD2] =	sst s25  }
0xa7: {  	s6 =	sshll.u32 s26, $0x1;
	_ =	strace $0x80000046;
	[dreg:$0x1] =	wrdreg $0xFFFFFFFF  }
0xa8: {  	s28 =	simm.s32 $_size_execute0_lowered;
	s4 =	sadd.s32 s4, s6;
	[dreg:$0x0] =	wrdreg $0x0  }
0xa9: {  	s6 =	sshll.u32 s28, $0x1;
	[dreg:$0x2] =	wrdreg s4  }
0xaa: {  	[dreg:$0x3] =	wrdreg s6  }
0xab: {  	[dreg:$0x4] =	wrdreg $0xC0  }
0xac: {  	_ =	task [dreg:s8], $0x5FFFF  }
0xad: {  	[dreg:$0x1] =	wrdreg $0xFFFFFFFF  }
0xae: {  	[dreg:$0x0] =	wrdreg $0x60  }
0xaf: {  	[dreg:$0x2] =	wrdreg s24  }
0xb0: {  	[dreg:$0x3] =	wrdreg s2  }
0xb1: {  	[dreg:$0x4] =	wrdreg s18  }
0xb2: {  	[dreg:$0x5] =	wrdreg $0xC6200  }
0xb3: {  	[dreg:$0x6] =	wrdreg $0x9  }
0xb4: {  	_ =	task.clear_ibuf [dreg:s8], $0x7FFFF;
	_ =	strace $0x90000046  }
0xb5: {  	s29 =	simm.s32 $0x9;
	_ =	strace $0x80000048  }
0xb6: {  	_ =	swait.ge [sflag:s29], $0x1  }
0xb7: {  	[sflag:s29] =	ssyncadd.s32 $0xFFFFFFFF  }
0xb8: {  	_ =	strace $0x90000048  }
0xb9: {  	_ =	sfence  }
0xba: {  	s30 =	sld [smem:$0x0];
	_ =	sdelay $0x2  }
0xbb: {  	s31 =	sshll.u32 s1, $0xD;
	s1 =	sshrl.u32 s1, $0x2  }
0xbc: {  	s3 =	sand.u32 $0x4000, s31;
	s1 =	sadd.s32 s1, s30  }
0xbd: {  	s0 =	sor.u32 s3, s0;
	s1 =	sshll.u32 s1, $0x11  }
0xbe: {  	s0 =	sor.u32 s1, s0  }
0xbf: {  	s0 =	sadd.s32 $0x8F2B, s0  }
0xc0: {  	[sflag:s0] =	ssyncadd.remote.s32 $0x1  }
0xc1: {  	_ =	sfence.sel $0xFFFF  }
0xc2: {  	[dreg:$0x0] =	wrdreg $0xFFFFFFFF;
	(pc) =	sbr.abs _section_cstart, $3  }
0xc3: {  	[dreg:$0x1] =	wrdreg $0xFFFFFFFF  }
0xc4: {  	_ =	task.clear_ibuf [dreg:s8], $0x2FFFF;
	_ =	strace $0x9FFFFFFF  }
0xc5: {  	(tm) =	ssettm $0x7FFFFFFF  }
tec
execute0_lowered:
.L_overlay_start_1:
0x0: {  	(tag) =	ssettag $0x1  }
0x1: {  	s3 =	rddreg [dreg:$0x0]  }
0x2: {  	s4 =	rddreg [dreg:$0x1];
	s1 =	srdreg.scid  }
0x3: {  	s0 =	stileid.u32;
	s7 =	rddreg [dreg:$0x2]  }
0x4: {  	s8 =	rddreg [dreg:$0x3];
	s2 =	simm.s32 $0x0;
	s6 =	smul.u32 $0x4E20, s0  }
0x5: {  	s15 =	simm.s32 $0x2800;
	s16 =	simm.s32 $0x9E20;
	s10 =	smul.u32 $0x280, s0  }
0x6: {  	s5 =	sand.u32 $0x1, s1;
	s1 =	rddreg [dreg:$0x4];
	s11 =	smul.u32 $0xA000, s0  }
0x7: {  	s17 =	simm.s32 $0x0;
	[smem:$0x7FF] =	sst s2;
	s9 =	smul.u32 $0x2710, s5  }
0x8: {  	s30 =	smul.u32 $0x2800, s5;
	_ =	strace $0x80000047;
	s5 =	ssub.s32 $0x2, s5  }
0x9: {  	s13 =	sshrl.u32 s5, $0x1;
	s31 =	sshrl.u32 s11, $0x2;
	s11 =	simm.s32 $0x2710  }
0xa: {  	s6 =	sadd.s32 s9, s6;
	s9 =	sadd.s32 s10, s30;
	s13 =	ssub.s32 s5, s13  }
0xb: {  	s5 =	sadd.s32 s31, s8;
	s6 =	sshrl.u32 s6, $0x3;
	s9 =	sshrl.u32 s9, $0x3  }
0xc: {  	s12 =	sadd.s32 s6, s3;
	s14 =	sadd.s32 s9, s3;
	s4 =	sadd.s32 s4, s6  }
0xd: {  	s6 =	sadd.s32 s10, s8;
	s7 =	sadd.s32 s7, s9;
	s9 =	smax.u32 s13, $0x1  }
0xe: {  	s10 =	simm.s32 $0x1;
	s13 =	simm.s32 $0x7620;
	s3 =	sadd.s32 $0x3C00, s12  }
0xf: {  	v0 =	vimm.f32 $0.0e+00;
	v1 =	vimm.f32 $-1.000000000e+00;
	s8 =	sadd.s32 $0xDA00, s14;
	s12 =	simm.s32 $0x4E20;
	s14 =	simm.s32 $0x280  }
.LBB2_1:
0x10: {  	[tilespmem:s2], [sflag:$0x1] =	stream.linear.gather [hbm4b:s3+s2], $0x2710, $0x38;
	[tilespmem:$0xEE20] =	vst v63  }
0x11: {  	_ =	swait.ge [sflag:s10], $0x2710  }
0x12: {  	[sflag:s10] =	ssyncset.done $0x0  }
0x13: {  	[sflag:s10] =	ssyncadd.s32 $0xFFFFD8F0  }
0x14: {  	[tilespmem:s11], [sflag:$0x1] =	stream.linear.gather [hbm4b:s4+s2], $0x2710, $0x38;
	[tilespmem:$0xEE20] =	vst v63  }
0x15: {  	_ =	swait.ge [sflag:s10], $0x2710  }
0x16: {  	[sflag:s10] =	ssyncset.done $0x0  }
0x17: {  	s18 =	simm.s32 $0x0;
	[sflag:s10] =	ssyncadd.s32 $0xFFFFD8F0  }
.LBB2_2:
0x18: {  	p0 =	sne.s32 s18, $0x9FC0  }
.Ltmp0:
0x19: {  	_ = 	snop;
	(pc) =	sbr.rel @p0 .LBB2_2-.Ltmp0, $4  }
0x1a: {  	_ = 	snop  }
0x1b: {  	s19 =	sshra.s32 s18, $0x2  }
0x1c: {  	[tilespmem:s19+$0x4E20] =	vst v0  }
0x1d: {  	s18 =	sadd.s32 $0x40, s18;
	[tilespmem:s19+$0x7620] =	vst v1  }
0x1e: {  	s18 =	simm.s32 $0x0  }
.LBB2_4:
0x1f: {  	s19 =	sshra.s32 s18, $0x2  }
0x20: {  	v2 =	vld [tilespmem:s19+$0x0];
	_ =	sdelay $0x4  }
0x21: {  	v4 =	vld [tilespmem:s19+$0x2710];
	v3 =	vand.u32 $0x3FFF, v2;
	v2 =	vshrl.u32 v2, $0xE  }
0x22: {  	vm0 =	veq.s32 v3, v2;
	_ =	sdelay $0x3  }
0x23: {  	v2 =	vsel vm0, $0x0, v4  }
0x24: {  	[tilespmem:v3+s12+$0x0] =	vst.idx.add.f32.msk $0xffff, v2  }
0x25: {  	[tilespmem:v3+s13+$0x0] =	vst.idx.msk vm0, v4  }
0x26: {  	v2 =	vld [tilespmem:s19+$0x10];
	_ =	sdelay $0x4  }
0x27: {  	v4 =	vld [tilespmem:s19+$0x2720];
	v3 =	vand.u32 $0x3FFF, v2;
	v2 =	vshrl.u32 v2, $0xE  }
0x28: {  	vm12 =	veq.s32 v3, v2;
	_ =	sdelay $0x3  }
0x29: {  	v2 =	vsel vm12, $0x0, v4  }
0x2a: {  	[tilespmem:v3+s12+$0x0] =	vst.idx.add.f32.msk $0xffff, v2  }
0x2b: {  	[tilespmem:v3+s13+$0x0] =	vst.idx.msk vm12, v4  }
0x2c: {  	v2 =	vld [tilespmem:s19+$0x20];
	_ =	sdelay $0x4  }
0x2d: {  	v4 =	vld [tilespmem:s19+$0x2730];
	v3 =	vand.u32 $0x3FFF, v2;
	v2 =	vshrl.u32 v2, $0xE  }
0x2e: {  	vm13 =	veq.s32 v3, v2;
	_ =	sdelay $0x3  }
0x2f: {  	v2 =	vsel vm13, $0x0, v4  }
0x30: {  	[tilespmem:v3+s12+$0x0] =	vst.idx.add.f32.msk $0xffff, v2  }
0x31: {  	[tilespmem:v3+s13+$0x0] =	vst.idx.msk vm13, v4  }
0x32: {  	v2 =	vld [tilespmem:s19+$0x30];
	_ =	sdelay $0x4  }
0x33: {  	v4 =	vld [tilespmem:s19+$0x2740];
	v3 =	vand.u32 $0x3FFF, v2;
	v2 =	vshrl.u32 v2, $0xE  }
0x34: {  	vm14 =	veq.s32 v3, v2;
	_ =	sdelay $0x3  }
0x35: {  	v2 =	vsel vm14, $0x0, v4  }
0x36: {  	[tilespmem:v3+s12+$0x0] =	vst.idx.add.f32.msk $0xffff, v2  }
0x37: {  	[tilespmem:v3+s13+$0x0] =	vst.idx.msk vm14, v4  }
0x38: {  	v2 =	vld [tilespmem:s19+$0x40];
	_ =	sdelay $0x4  }
0x39: {  	v4 =	vld [tilespmem:s19+$0x2750];
	v3 =	vand.u32 $0x3FFF, v2;
	v2 =	vshrl.u32 v2, $0xE  }
0x3a: {  	vm15 =	veq.s32 v3, v2  }
0x3b: {  	p0 =	sne.s32 s18, $0x9B00  }
.Ltmp1:
0x3c: {  	_ = 	snop;
	(pc) =	sbr.rel @p0 .LBB2_4-.Ltmp1, $4  }
0x3d: {  	_ = 	snop  }
0x3e: {  	v2 =	vsel vm15, $0x0, v4  }
0x3f: {  	[tilespmem:v3+s12+$0x0] =	vst.idx.add.f32.msk $0xffff, v2  }
0x40: {  	s18 =	sadd.s32 $0x140, s18;
	[tilespmem:v3+s13+$0x0] =	vst.idx.msk vm15, v4  }
0x41: {  	[spmem:s5] =	stream.linear.scatter [tilespmem:s12], [sflag:$0x1], $0x2800, $0x38;
	[tilespmem:$0xEE20] =	vst v63  }
0x42: {  	_ =	swait.ge [sflag:s10], $0x2800  }
0x43: {  	[sflag:s10] =	ssyncset.done $0x0  }
0x44: {  	[sflag:s10] =	ssyncadd.s32 $0xFFFFD800  }
0x45: {  	[bflag:$0x0] =	sbarrier.arrive $0xFFFF  }
0x46: {  	[tilespmem:s16], [sflag:$0x1] =	stream.strided.gather [spmem:s6], $0x2800, s15, s14, $0x38;
	[tilespmem:$0xEE20] =	vst v63  }
0x47: {  	_ =	swait.ge [sflag:s10], $0x2800  }
0x48: {  	[sflag:s10] =	ssyncset.done $0x0  }
0x49: {  	s19 =	simm.s32 $0x0;
	[sflag:s10] =	ssyncadd.s32 $0xFFFFD800  }
0x4a: {  	v2 =	vld [tilespmem:s19+$0x9E20];
	_ =	sdelay $0x1  }
0x4b: {  	v3 =	vld [tilespmem:s19+$0xA0A0];
	_ =	sdelay $0x1  }
0x4c: {  	v4 =	vld [tilespmem:s19+$0xA320]  }
0x4d: {  	v2 =	vadd.f32 $0.0e+00, v2  }
0x4e: {  	v5 =	vld [tilespmem:s19+$0xA5A0]  }
0x4f: {  	v2 =	vadd.f32 v3, v2  }
0x50: {  	v3 =	vld [tilespmem:s19+$0xA820]  }
0x51: {  	v2 =	vadd.f32 v4, v2  }
0x52: {  	v4 =	vld [tilespmem:s19+$0xAAA0]  }
0x53: {  	v2 =	vadd.f32 v5, v2  }
0x54: {  	v5 =	vld [tilespmem:s19+$0xAD20]  }
0x55: {  	v2 =	vadd.f32 v3, v2  }
0x56: {  	s18 =	simm.s32 $0x10;
	v3 =	vld [tilespmem:s19+$0xAFA0]  }
0x57: {  	v6 =	vld [tilespmem:s18+$0x9E20];
	v2 =	vadd.f32 v4, v2  }
0x58: {  	v4 =	vld [tilespmem:s19+$0xB220]  }
0x59: {  	v7 =	vld [tilespmem:s18+$0xA0A0];
	v2 =	vadd.f32 v5, v2  }
0x5a: {  	v5 =	vld [tilespmem:s19+$0xB4A0]  }
0x5b: {  	v8 =	vld [tilespmem:s18+$0xA320];
	v2 =	vadd.f32 v3, v2  }
0x5c: {  	v3 =	vld [tilespmem:s19+$0xB720]  }
0x5d: {  	v9 =	vld [tilespmem:s18+$0xA5A0];
	v6 =	vadd.f32 $0.0e+00, v6;
	v2 =	vadd.f32 v4, v2  }
0x5e: {  	v4 =	vld [tilespmem:s19+$0xB9A0]  }
0x5f: {  	v10 =	vld [tilespmem:s18+$0xA820];
	v6 =	vadd.f32 v7, v6;
	v2 =	vadd.f32 v5, v2  }
0x60: {  	v7 =	vld [tilespmem:s19+$0xBC20]  }
0x61: {  	v11 =	vld [tilespmem:s18+$0xAAA0];
	v5 =	vadd.f32 v8, v6;
	v2 =	vadd.f32 v3, v2  }
0x62: {  	v8 =	vld [tilespmem:s19+$0xBEA0]  }
0x63: {  	v3 =	vadd.f32 v9, v5;
	v5 =	vld [tilespmem:s18+$0xAD20];
	v4 =	vadd.f32 v4, v2  }
0x64: {  	v2 =	vld [tilespmem:s19+$0xC120]  }
0x65: {  	v6 =	vld [tilespmem:s18+$0xAFA0];
	v9 =	vadd.f32 v10, v3;
	v10 =	vadd.f32 v7, v4  }
0x66: {  	v3 =	vld [tilespmem:s19+$0xC3A0]  }
0x67: {  	s20 =	simm.s32 $0x20;
	s21 =	simm.s32 $0xC0;
	v7 =	vadd.f32 v11, v9;
	v4 =	vld [tilespmem:s18+$0xB220];
	v8 =	vadd.f32 v8, v10  }
.LBB2_6:
0x68: {  	p0 =	sne.s32 s21, $0x9C0;
	v9 =	vld [tilespmem:s20+$0x9E20]  }
0x69: {  	v5 =	vadd.f32 v5, v7;
	v7 =	vld [tilespmem:s18+$0xB4A0];
	v2 =	vadd.f32 v2, v8  }
0x6a: {  	v8 =	vld [tilespmem:s20+$0xA0A0]  }
0x6b: {  	v5 =	vadd.f32 v6, v5;
	v6 =	vld [tilespmem:s18+$0xB720];
	v2 =	vadd.f32 v3, v2  }
0x6c: {  	v3 =	vld [tilespmem:s20+$0xA320]  }
0x6d: {  	v9 =	vadd.f32 $0.0e+00, v9;
	v4 =	vadd.f32 v4, v5;
	v5 =	vld [tilespmem:s18+$0xB9A0];
	[tilespmem:s19+$0x4E20] =	vst v2;
	s19 =	smov.u32 s18;
	s18 =	smov.u32 s20  }
0x6e: {  	v2 =	vld [tilespmem:s18+$0xA5A0]  }
0x6f: {  	v8 =	vadd.f32 v8, v9;
	v4 =	vadd.f32 v7, v4;
	v7 =	vld [tilespmem:s19+$0xBC20]  }
0x70: {  	v9 =	vld [tilespmem:s18+$0xA820]  }
0x71: {  	v3 =	vadd.f32 v3, v8;
	v4 =	vadd.f32 v6, v4;
	v8 =	vld [tilespmem:s19+$0xBEA0]  }
0x72: {  	v10 =	vld [tilespmem:s18+$0xAAA0]  }
.Ltmp2:
0x73: {  	v3 =	vadd.f32 v2, v3;
	v4 =	vadd.f32 v5, v4;
	v2 =	vld [tilespmem:s19+$0xC120];
	(pc) =	sbr.rel @p0 .LBB2_6-.Ltmp2, $4  }
0x74: {  	v5 =	vld [tilespmem:s18+$0xAD20]  }
0x75: {  	v9 =	vadd.f32 v9, v3;
	v11 =	vadd.f32 v7, v4;
	v3 =	vld [tilespmem:s19+$0xC3A0]  }
0x76: {  	v6 =	vld [tilespmem:s18+$0xAFA0]  }
0x77: {  	s20 =	sshra.s32 s21, $0x2;
	s21 =	sadd.s32 $0x40, s21;
	v7 =	vadd.f32 v10, v9;
	v4 =	vld [tilespmem:s18+$0xB220];
	v8 =	vadd.f32 v8, v11  }
0x78: {  	v9 =	vld [tilespmem:s20+$0x9E20]  }
0x79: {  	v10 =	vld [tilespmem:s18+$0xB4A0];
	v2 =	vadd.f32 v2, v8  }
0x7a: {  	v8 =	vld [tilespmem:s20+$0xA0A0]  }
0x7b: {  	v11 =	vld [tilespmem:s18+$0xB720];
	v5 =	vadd.f32 v5, v7;
	v2 =	vadd.f32 v3, v2  }
0x7c: {  	v3 =	vld [tilespmem:s20+$0xA320]  }
0x7d: {  	v7 =	vld [tilespmem:s18+$0xB9A0];
	v5 =	vadd.f32 v6, v5;
	v6 =	vadd.f32 $0.0e+00, v9;
	[tilespmem:s19+$0x4E20] =	vst v2  }
0x7e: {  	v2 =	vld [tilespmem:s20+$0xA5A0]  }
0x7f: {  	v4 =	vadd.f32 v4, v5;
	v5 =	vadd.f32 v8, v6  }
0x80: {  	v6 =	vld [tilespmem:s20+$0xA820]  }
0x81: {  	v4 =	vadd.f32 v10, v4;
	v8 =	vld [tilespmem:s18+$0xBC20];
	v3 =	vadd.f32 v3, v5  }
0x82: {  	v5 =	vld [tilespmem:s20+$0xAAA0]  }
0x83: {  	v63 =	vld [tilespmem:s18+$0xBEA0];
	v4 =	vadd.f32 v11, v4;
	v2 =	vadd.f32 v2, v3  }
0x84: {  	v3 =	vld [tilespmem:s20+$0xAD20]  }
0x85: {  	v4 =	vadd.f32 v7, v4;
	v7 =	vld [tilespmem:s18+$0xC120];
	v2 =	vadd.f32 v6, v2  }
0x86: {  	v6 =	vld [tilespmem:s20+$0xAFA0]  }
0x87: {  	v4 =	vadd.f32 v8, v4;
	v8 =	vld [tilespmem:s18+$0xC3A0];
	v2 =	vadd.f32 v5, v2  }
0x88: {  	v5 =	vld [tilespmem:s20+$0xB220]  }
0x89: {  	v4 =	vadd.f32 v63, v4;
	v2 =	vadd.f32 v3, v2  }
0x8a: {  	v3 =	vld [tilespmem:s20+$0xB4A0]  }
0x8b: {  	v4 =	vadd.f32 v7, v4;
	v2 =	vadd.f32 v6, v2  }
0x8c: {  	v6 =	vld [tilespmem:s20+$0xB720]  }
0x8d: {  	v4 =	vadd.f32 v8, v4;
	v2 =	vadd.f32 v5, v2  }
0x8e: {  	v5 =	vld [tilespmem:s20+$0xB9A0]  }
0x8f: {  	[tilespmem:s18+$0x4E20] =	vst v4;
	v2 =	vadd.f32 v3, v2  }
0x90: {  	v3 =	vld [tilespmem:s20+$0xBC20]  }
0x91: {  	v2 =	vadd.f32 v6, v2  }
0x92: {  	v4 =	vld [tilespmem:s20+$0xBEA0]  }
0x93: {  	v2 =	vadd.f32 v5, v2  }
0x94: {  	v5 =	vld [tilespmem:s20+$0xC120]  }
0x95: {  	v2 =	vadd.f32 v3, v2  }
0x96: {  	v3 =	vld [tilespmem:s20+$0xC3A0]  }
0x97: {  	v2 =	vadd.f32 v4, v2;
	_ =	sdelay $0x1  }
0x98: {  	v2 =	vadd.f32 v5, v2;
	_ =	sdelay $0x1  }
0x99: {  	v2 =	vadd.f32 v3, v2;
	_ =	sdelay $0x1  }
0x9a: {  	s31 =	simm.s32 $0x0;
	[tilespmem:s20+$0x4E20] =	vst v2  }
0x9b: {  	[hbm4b:s7+s31] =	stream.linear.scatter [tilespmem:s12], [sflag:$0x1], $0x280, $0x38;
	[tilespmem:$0xEE20] =	vst v63  }
0x9c: {  	_ =	swait.ge [sflag:s10], $0x280  }
0x9d: {  	[sflag:s10] =	ssyncset.done $0x0  }
0x9e: {  	[sflag:s10] =	ssyncadd.s32 $0xFFFFFD80  }
0x9f: {  	[bflag:$0x0] =	sbarrier.arrive $0xFFFF  }
0xa0: {  	[spmem:s5] =	stream.linear.scatter [tilespmem:s13], [sflag:$0x1], $0x2800, $0x38;
	[tilespmem:$0xEE20] =	vst v63  }
0xa1: {  	_ =	swait.ge [sflag:s10], $0x2800  }
0xa2: {  	[sflag:s10] =	ssyncset.done $0x0  }
0xa3: {  	[sflag:s10] =	ssyncadd.s32 $0xFFFFD800  }
0xa4: {  	[bflag:$0x0] =	sbarrier.arrive $0xFFFF  }
0xa5: {  	[tilespmem:s16], [sflag:$0x1] =	stream.strided.gather [spmem:s6], $0x2800, s15, s14, $0x38;
	[tilespmem:$0xEE20] =	vst v63  }
0xa6: {  	_ =	swait.ge [sflag:s10], $0x2800  }
0xa7: {  	[sflag:s10] =	ssyncset.done $0x0  }
0xa8: {  	s18 =	simm.s32 $0x0;
	[sflag:s10] =	ssyncadd.s32 $0xFFFFD800  }
0xa9: {  	v2 =	vld [tilespmem:s18+$0x9E20]  }
0xaa: {  	v3 =	vld [tilespmem:s18+$0xA0A0]  }
0xab: {  	v4 =	vld [tilespmem:s18+$0xA320]  }
0xac: {  	v5 =	vld [tilespmem:s18+$0xA5A0]  }
0xad: {  	v6 =	vld [tilespmem:s18+$0xA820]  }
0xae: {  	v7 =	vld [tilespmem:s18+$0xAAA0];
	v2 =	vmax.f32 v2, $-1.000000000e+00  }
0xaf: {  	v2 =	vmax.f32 v2, v3;
	v3 =	vld [tilespmem:s18+$0xAD20]  }
0xb0: {  	v2 =	vmax.f32 v2, v4;
	v4 =	vld [tilespmem:s18+$0xAFA0]  }
0xb1: {  	v2 =	vmax.f32 v2, v5;
	v5 =	vld [tilespmem:s18+$0xB220]  }
0xb2: {  	v2 =	vmax.f32 v2, v6;
	v6 =	vld [tilespmem:s18+$0xB4A0]  }
0xb3: {  	v2 =	vmax.f32 v2, v7;
	v7 =	vld [tilespmem:s18+$0xB720]  }
0xb4: {  	v3 =	vmax.f32 v2, v3;
	v2 =	vld [tilespmem:s18+$0xB9A0]  }
0xb5: {  	v4 =	vmax.f32 v3, v4;
	v3 =	vld [tilespmem:s18+$0xBC20]  }
0xb6: {  	v5 =	vmax.f32 v4, v5;
	v4 =	vld [tilespmem:s18+$0xBEA0]  }
0xb7: {  	v6 =	vmax.f32 v5, v6;
	v5 =	vld [tilespmem:s18+$0xC120]  }
0xb8: {  	s19 =	simm.s32 $0x10;
	s20 =	simm.s32 $0x80;
	v7 =	vmax.f32 v6, v7;
	v6 =	vld [tilespmem:s18+$0xC3A0]  }
.LBB2_8:
0xb9: {  	p0 =	sne.s32 s20, $0x9C0;
	v8 =	vld [tilespmem:s19+$0x9E20];
	v2 =	vmax.f32 v7, v2  }
0xba: {  	v7 =	vld [tilespmem:s19+$0xA0A0];
	v2 =	vmax.f32 v2, v3  }
0xbb: {  	v3 =	vld [tilespmem:s19+$0xA320];
	v2 =	vmax.f32 v2, v4  }
0xbc: {  	v4 =	vld [tilespmem:s19+$0xA5A0];
	v2 =	vmax.f32 v2, v5  }
0xbd: {  	v5 =	vld [tilespmem:s19+$0xA820];
	v2 =	vmax.f32 v2, v6  }
0xbe: {  	v6 =	vmax.f32 v8, $-1.000000000e+00;
	v8 =	vld [tilespmem:s19+$0xAAA0];
	[tilespmem:s18+$0x7620] =	vst v2;
	s18 =	smov.u32 s19  }
0xbf: {  	v2 =	vmax.f32 v6, v7;
	v6 =	vld [tilespmem:s18+$0xAD20]  }
0xc0: {  	v2 =	vmax.f32 v2, v3;
	v3 =	vld [tilespmem:s18+$0xAFA0]  }
0xc1: {  	v2 =	vmax.f32 v2, v4;
	v4 =	vld [tilespmem:s18+$0xB220]  }
0xc2: {  	v2 =	vmax.f32 v2, v5;
	v5 =	vld [tilespmem:s18+$0xB4A0]  }
0xc3: {  	v2 =	vmax.f32 v2, v8;
	v7 =	vld [tilespmem:s18+$0xB720]  }
.Ltmp3:
0xc4: {  	v6 =	vmax.f32 v2, v6;
	v2 =	vld [tilespmem:s18+$0xB9A0];
	(pc) =	sbr.rel @p0 .LBB2_8-.Ltmp3, $4  }
0xc5: {  	v6 =	vmax.f32 v6, v3;
	v3 =	vld [tilespmem:s18+$0xBC20]  }
0xc6: {  	v6 =	vmax.f32 v6, v4;
	v4 =	vld [tilespmem:s18+$0xBEA0]  }
0xc7: {  	v6 =	vmax.f32 v6, v5;
	v5 =	vld [tilespmem:s18+$0xC120]  }
0xc8: {  	s19 =	sshra.s32 s20, $0x2;
	s20 =	sadd.s32 $0x40, s20;
	v7 =	vmax.f32 v6, v7;
	v6 =	vld [tilespmem:s18+$0xC3A0]  }
0xc9: {  	v8 =	vld [tilespmem:s19+$0x9E20];
	v2 =	vmax.f32 v7, v2  }
0xca: {  	v52 =	vld [tilespmem:s19+$0xA0A0];
	v2 =	vmax.f32 v2, v3  }
0xcb: {  	v3 =	vld [tilespmem:s19+$0xA320];
	v2 =	vmax.f32 v2, v4  }
0xcc: {  	v53 =	vld [tilespmem:s19+$0xA5A0];
	v2 =	vmax.f32 v2, v5  }
0xcd: {  	v54 =	vld [tilespmem:s19+$0xA820];
	v2 =	vmax.f32 v2, v6  }
0xce: {  	v55 =	vld [tilespmem:s19+$0xAAA0];
	v8 =	vmax.f32 v8, $-1.000000000e+00;
	[tilespmem:s18+$0x7620] =	vst v2  }
0xcf: {  	v2 =	vmax.f32 v8, v52;
	v56 =	vld [tilespmem:s19+$0xAD20]  }
0xd0: {  	v2 =	vmax.f32 v2, v3;
	v3 =	vld [tilespmem:s19+$0xAFA0]  }
0xd1: {  	v57 =	vld [tilespmem:s19+$0xB220];
	v2 =	vmax.f32 v2, v53  }
0xd2: {  	v58 =	vld [tilespmem:s19+$0xB4A0];
	v2 =	vmax.f32 v2, v54  }
0xd3: {  	v59 =	vld [tilespmem:s19+$0xB720];
	v2 =	vmax.f32 v2, v55  }
0xd4: {  	v60 =	vld [tilespmem:s19+$0xB9A0];
	v2 =	vmax.f32 v2, v56  }
0xd5: {  	v2 =	vmax.f32 v2, v3;
	v3 =	vld [tilespmem:s19+$0xBC20]  }
0xd6: {  	v61 =	vld [tilespmem:s19+$0xBEA0];
	v2 =	vmax.f32 v2, v57  }
0xd7: {  	v62 =	vld [tilespmem:s19+$0xC120];
	v2 =	vmax.f32 v2, v58  }
0xd8: {  	v63 =	vld [tilespmem:s19+$0xC3A0];
	v2 =	vmax.f32 v2, v59  }
0xd9: {  	v2 =	vmax.f32 v2, v60  }
0xda: {  	v2 =	vmax.f32 v2, v3  }
0xdb: {  	v2 =	vmax.f32 v2, v61  }
0xdc: {  	s17 =	sadd.s32 $0x1, s17;
	v2 =	vmax.f32 v2, v62  }
0xdd: {  	p0 =	sne.s32 s17, s9;
	v2 =	vmax.f32 v2, v63  }
.Ltmp4:
0xde: {  	[tilespmem:s19+$0x7620] =	vst v2;
	(pc) =	sbr.rel @p0 .LBB2_1-.Ltmp4, $4  }
0xdf: {  	[hbm4b:s8+s2] =	stream.linear.scatter [tilespmem:s13], [sflag:$0x1], $0x280, $0x38;
	[tilespmem:$0xEE20] =	vst v63  }
0xe0: {  	_ =	swait.ge [sflag:s10], $0x280  }
0xe1: {  	[sflag:s10] =	ssyncset.done $0x0  }
0xe2: {  	[sflag:s10] =	ssyncadd.s32 $0xFFFFFD80  }
0xe3: {  	_ =	sfence.sel $0x180000  }
0xe4: {  	[bflag:$0x0] =	sbarrier.arrive $0xFFFF  }
0xe5: {  	p0 =	sne.s32 s0, $0x0;
	_ =	strace $0x90000047  }
0xe6: {  	s0 =	sadd.s32 @!p0 $0x100000, s1;
	[bflag:$0x2] =	sbarrier.arrive $0xFFFF  }
0xe7: {  	[sflag:s0] =	ssyncadd.tile.s32 @!p0 $0x1;
	_ =	shalt  }
.Lfunc_end2:
_tile_overlayer_lowered:
.L_overlay_start_2:
0xe8: {  	(tag) =	ssettag $0x2  }
0xe9: {  	s0 =	rddreg [dreg:$0x0];
	s2 =	stileid.u32  }
0xea: {  	s1 =	rddreg [dreg:$0x1];
	p0 =	sne.s32 s2, $0x0  }
0xeb: {  	s3 =	rddreg [dreg:$0x2];
	[bflag:$0x3] =	sbarrier.arrive $0xFFFF;
	s2 =	simm.s32 @!p0 $0x1C01  }
0xec: {  	[timem:s3], [sflag:s2] =	dma.local @!p0 [hbm:s0], s1  }
0xed: {  	s0 =	simm.s32 @!p0 $0x1  }
0xee: {  	_ =	swait.ge @!p0 [sflag:s0], s1  }
0xef: {  	s1 =	ssub.s32 @!p0 $0x0, s1;
	[sflag:s0] =	ssyncset.done @!p0 $0x0  }
0xf0: {  	[sflag:s0] =	ssyncadd.s32 @!p0 s1  }
0xf1: {  	[bflag:$0x3] =	sbarrier.arrive $0xFFFF  }
0xf2: {  	_ =	shalt  }

</sc_bundles>
